<compile_context>
chip_gen: v7x
topology: tpu7x:2x2x1
jax: 0.10.2.dev20260603
libtpu: 0.0.44.dev20260713+nightly
codegen_flags: <defaults>
</compile_context>

<pallas_src>
import functools

import jax
import jax.numpy as jnp
from jax import lax
from jax.experimental import pallas as pl
from jax.experimental.pallas import tpu as pltpu
from jax.experimental.pallas import tpu_sc as plsc

F32 = jnp.float32

N = 10000
D = 128
G = 64
NC = 2
NS = 16
NW = NC * NS
CHUNK = 128
N_PAD = 10112
N_OUT = 10112
ZROWS = N_PAD // NS
OROWS = N_OUT // NS



def _make_sc_agg(nchunk):
  mesh = plsc.VectorSubcoreMesh(core_axis_name="c", subcore_axis_name="s")

  out_type = jax.ShapeDtypeStruct((NC, N_OUT, D), F32)
  scratch = [
      pltpu.VMEM((nchunk, CHUNK), jnp.int32),
      pltpu.VMEM((nchunk, CHUNK), jnp.int32),
      pltpu.VMEM((CHUNK, D), F32),
      pltpu.VMEM_SHARED((N_PAD, D), F32),
      pltpu.SemaphoreType.DMA,
  ]

  def body(x_hbm, srcp, dstp, z128, agg_out, src_v, dst_v, rows_v, acc, sem):
    c = lax.axis_index("c")
    s = lax.axis_index("s")
    wid = s * NC + c

    pltpu.sync_copy(z128, acc.at[pl.ds(s * ZROWS, ZROWS)])
    pltpu.sync_copy(srcp.at[wid], src_v)
    pltpu.sync_copy(dstp.at[wid], dst_v)
    plsc.subcore_barrier()

    @pl.loop(0, nchunk)
    def _(j):
      pltpu.async_copy(x_hbm.at[src_v.at[j]], rows_v, sem).wait()
      pltpu.sync_copy(rows_v, acc.at[dst_v.at[j]], add=True)

    plsc.subcore_barrier()
    pltpu.sync_copy(acc.at[pl.ds(s * OROWS, OROWS)],
                    agg_out.at[c, pl.ds(s * OROWS, OROWS)])

  return pl.kernel(body, out_type=out_type, mesh=mesh, scratch_types=scratch)


def _make_sc_cnt(nchunk):
  mesh = plsc.VectorSubcoreMesh(core_axis_name="c", subcore_axis_name="s")

  out_type = jax.ShapeDtypeStruct((NC, N_OUT, D), F32)
  scratch = [
      pltpu.VMEM((nchunk, CHUNK), jnp.int32),
      pltpu.VMEM((CHUNK, D), F32),
      pltpu.VMEM_SHARED((N_PAD, D), F32),
  ]

  def body(dstp, z16, ones_hbm, cnt_out, dst_v, ones_v, acc):
    c = lax.axis_index("c")
    s = lax.axis_index("s")
    wid = s * NC + c

    pltpu.sync_copy(z16, acc.at[pl.ds(s * ZROWS, ZROWS)])
    pltpu.sync_copy(ones_hbm, ones_v)
    pltpu.sync_copy(dstp.at[wid], dst_v)
    plsc.subcore_barrier()

    @pl.loop(0, nchunk)
    def _(j):
      pltpu.sync_copy(ones_v, acc.at[dst_v.at[j]], add=True)

    plsc.subcore_barrier()
    pltpu.sync_copy(acc.at[pl.ds(s * OROWS, OROWS)],
                    cnt_out.at[c, pl.ds(s * OROWS, OROWS)])

  return pl.kernel(body, out_type=out_type, mesh=mesh, scratch_types=scratch)


def _sc_aggregate(x, srcp, dstp):
  nchunk = srcp.shape[1]
  z128 = jnp.zeros((ZROWS, D), F32)
  return _make_sc_agg(nchunk)(x, srcp, dstp, z128)


def _sc_count(dstp):
  nchunk = dstp.shape[1]
  z16 = jnp.zeros((ZROWS, D), F32)
  ones = jnp.ones((CHUNK, D), F32)
  return _make_sc_cnt(nchunk)(dstp, z16, ones)



_BM = 2000
_NB = N // _BM


BF16 = jnp.bfloat16


def _dotT(a, w):
  return lax.dot_general(a.astype(BF16), w.astype(BF16),
                         (((1,), (1,)), ((), ())),
                         preferred_element_type=F32)


def _layer_body(has_res, *refs):
  if has_res:
    (aggp, cntp, x, wl, bl, wr, g, bn, rw, rb, o) = refs
  else:
    (aggp, cntp, x, wl, bl, wr, g, bn, o) = refs
  agg = aggp[0] + aggp[1]
  cnt = cntp[0, :, 0:1] + cntp[1, :, 0:1]
  u = jnp.maximum(cnt, 1.0)
  r = 1.0 / u
  r = r * (2.0 - u * r)
  agg = agg * r
  z = _dotT(agg, wl[...]) + bl[...] + _dotT(x[...], wr[...])
  z = jnp.maximum(z, 0.0)
  m = jnp.mean(z, axis=-1, keepdims=True)
  v = jnp.mean((z - m) * (z - m), axis=-1, keepdims=True)
  z = (z - m) / jnp.sqrt(v + 1e-5) * g[...] + bn[...]
  if has_res:
    z = z + _dotT(x[...], rw[...]) + rb[...]
  o[...] = z


def _tc_layer(aggp, cntp, x, wl, bl, wr, g, bn, rw=None, rb=None):
  has_res = rw is not None
  row = lambda i: (0, i, 0)
  mat = lambda i: (i, 0)
  full = lambda i: (0, 0)
  in_specs = [
      pl.BlockSpec((NC, _BM, D), row),
      pl.BlockSpec((NC, _BM, D), row),
      pl.BlockSpec((_BM, D), mat),
      pl.BlockSpec((D, D), full),
      pl.BlockSpec((1, D), full),
      pl.BlockSpec((D, D), full),
      pl.BlockSpec((1, D), full),
      pl.BlockSpec((1, D), full),
  ]
  args = [aggp, cntp, x, wl, bl, wr, g, bn]
  if has_res:
    in_specs += [pl.BlockSpec((D, D), full), pl.BlockSpec((1, D), full)]
    args += [rw, rb]
  return pl.pallas_call(
      functools.partial(_layer_body, has_res),
      grid=(_NB,),
      in_specs=in_specs,
      out_specs=pl.BlockSpec((_BM, D), mat),
      out_shape=jax.ShapeDtypeStruct((N, D), F32),
  )(*args)



def _final_body(aggp, cntp, x, wl, bl, wr, rw, rb, bt3,
                ws1, ws2, bs, wr1, br1, wr2, br2, wb1, bb1, wb2, bb2,
                reg_o, bin_o, acc_sum, acc_max):
  i = pl.program_id(0)

  agg = aggp[0] + aggp[1]
  cnt = cntp[0, :, 0:1] + cntp[1, :, 0:1]
  u = jnp.maximum(cnt, 1.0)
  r = 1.0 / u
  r = r * (2.0 - u * r)
  agg = agg * r
  z = _dotT(agg, wl[...]) + bl[...] + _dotT(x[...], wr[...])
  z = jnp.maximum(z, 0.0)
  x3 = z + _dotT(x[...], rw[...]) + rb[...]

  bt_col = bt3[0]

  @pl.when(i == 0)
  def _():
    acc_sum[...] = jnp.zeros((G, D), F32)
    acc_max[...] = jnp.full((G, D), -jnp.inf, F32)

  seg = lax.broadcasted_iota(jnp.int32, (_BM, G), 1)
  onehot = (bt_col == seg).astype(F32)
  oh = onehot.astype(BF16)
  x3_hi = x3.astype(BF16)
  rem = x3 - x3_hi.astype(F32)
  x3_lo = rem.astype(BF16)
  x3_lo2 = (rem - x3_lo.astype(F32)).astype(BF16)
  psum = lambda q: lax.dot_general(oh, q, (((0,), (0,)), ((), ())),
                                   preferred_element_type=F32)
  acc_sum[...] += psum(x3_hi) + psum(x3_lo) + psum(x3_lo2)

  bmin = jnp.min(bt_col)
  bmax = jnp.max(bt_col)
  for g in range(G):
    @pl.when((g >= bmin) & (g <= bmax))
    def _(g=g):
      vals = jnp.where(bt_col == g, x3, -jnp.inf)
      acc_max[g:g + 1, :] = jnp.maximum(
          acc_max[g:g + 1, :], jnp.max(vals, axis=0, keepdims=True))

  @pl.when(i == _NB - 1)
  def _():
    xadd = acc_sum[...]
    xmax = acc_max[...]
    shared = _dotT(xadd, ws1[...]) + _dotT(xmax, ws2[...]) + bs[...]
    shared = jnp.maximum(shared, 0.0)
    hr = jnp.maximum(_dotT(shared, wr1[...]) + br1[...], 0.0)
    reg_o[...] = _dotT(hr, wr2[...]) + br2[...]
    hb = jnp.maximum(_dotT(shared, wb1[...]) + bb1[...], 0.0)
    bin_o[...] = _dotT(hb, wb2[...]) + bb2[...]


def _tc_final(aggp, cntp, x, wl, bl, wr, rw, rb, bt3,
              ws1, ws2, bs, wr1, br1, wr2, br2, wb1, bb1, wb2, bb2):
  row = lambda i: (0, i, 0)
  mat = lambda i: (i, 0)
  full = lambda i: (0, 0)
  w = lambda shape: pl.BlockSpec(shape, full)
  in_specs = [
      pl.BlockSpec((NC, _BM, D), row),
      pl.BlockSpec((NC, _BM, D), row),
      pl.BlockSpec((_BM, D), mat),
      w((D, D)), w((1, D)), w((D, D)), w((D, D)), w((1, D)),
      pl.BlockSpec((1, _BM, 1), lambda i: (i, 0, 0)),
      w((D, D)), w((D, D)), w((1, D)),
      w((G, D)), w((1, G)), w((8, G)), w((1, 8)),
      w((G, D)), w((1, G)), w((8, G)), w((1, 8)),
  ]
  return pl.pallas_call(
      _final_body,
      grid=(_NB,),
      in_specs=in_specs,
      out_specs=(pl.BlockSpec((G, 8), full), pl.BlockSpec((G, 8), full)),
      out_shape=(jax.ShapeDtypeStruct((G, 8), F32),
                 jax.ShapeDtypeStruct((G, 8), F32)),
      scratch_shapes=[pltpu.VMEM((G, D), F32), pltpu.VMEM((G, D), F32)],
  )(aggp, cntp, x, wl, bl, wr, rw, rb, bt3,
    ws1, ws2, bs, wr1, br1, wr2, br2, wb1, bb1, wb2, bb2)



def kernel(x, edge_index, edge_attr, batch, W1l, b1l, W1r, g1, bn1,
           W2l, b2l, W2r, g2, bn2, W3l, b3l, W3r, R1W, R1b, R2W, R2b,
           Ws, bs, Wr1, br1, Wr2, br2, Wb1, bb1, Wb2, bb2):
  E = edge_index.shape[1]
  nchunk = -(-E // (NW * CHUNK))
  ep = NW * nchunk * CHUNK
  src = jnp.concatenate([edge_index[0], jnp.zeros((ep - E,), jnp.int32)])
  dst = jnp.concatenate([edge_index[1], jnp.full((ep - E,), N, jnp.int32)])
  srcp = src.reshape(NW, nchunk, CHUNK)
  dstp = dst.reshape(NW, nchunk, CHUNK)

  r = lambda v: v.reshape(1, -1)

  cntp = _sc_count(dstp)
  agg1p = _sc_aggregate(x, srcp, dstp)
  x1 = _tc_layer(agg1p, cntp, x, W1l, r(b1l), W1r, r(g1), r(bn1))
  agg2p = _sc_aggregate(x1, srcp, dstp)
  x2 = _tc_layer(agg2p, cntp, x1, W2l, r(b2l), W2r, r(g2), r(bn2), R1W, r(R1b))
  agg3p = _sc_aggregate(x2, srcp, dstp)

  bt3 = batch.reshape(_NB, _BM, 1)
  pad8 = lambda w_: jnp.concatenate(
      [w_, jnp.zeros((8 - w_.shape[0],) + w_.shape[1:], F32)], axis=0)
  padb = lambda v: jnp.concatenate(
      [v, jnp.zeros((8 - v.shape[0],), F32)]).reshape(1, 8)
  reg8, bin8 = _tc_final(
      agg3p, cntp, x2, W3l, r(b3l), W3r, R2W, r(R2b), bt3,
      Ws[:, :D], Ws[:, D:], r(bs), Wr1, r(br1), pad8(Wr2), padb(br2),
      Wb1, r(bb1), pad8(Wb2), padb(bb2))
  return (reg8[:, :1], bin8[:, :2])

# --- scband reference (transcript-rebuilt; emitter-appended) ---
"""Pipeline reference for scband-dual-symmetry-gnn-90993177133723 (READ-ONLY COPY).

The authoritative reference and input builder live on the scoring server;
editing this copy changes nothing except your own understanding.
"""

import jax, jax.numpy as jnp
import numpy as np

N = 10000; E = 320000; D = 128; H = 128; G = 64

def _ln(x, g, b, eps=1e-5):
    m = jnp.mean(x, axis=-1, keepdims=True)
    v = jnp.var(x, axis=-1, keepdims=True)
    return (x - m) / jnp.sqrt(v + eps) * g + b

def _sage(x, ei, Wl, bl, Wr):
    src = ei[0]; dst = ei[1]
    agg = jax.ops.segment_sum(x[src], dst, num_segments=x.shape[0])
    cnt = jax.ops.segment_sum(jnp.ones((ei.shape[1], 1), x.dtype), dst, num_segments=x.shape[0])
    agg = agg / jnp.maximum(cnt, 1.0)
    return agg @ Wl.T + bl + x @ Wr.T

def setup_inputs(seed: int = 0):
    key = jax.random.key(seed)
    ks = jax.random.split(key, 40)
    s = 0.05
    inp = {}
    inp["x"] = jax.random.normal(ks[0], (N, D), dtype=jnp.float32)
    inp["edge_index"] = jax.random.randint(ks[1], (2, E), 0, N, dtype=jnp.int32)
    inp["edge_attr"] = jax.random.normal(ks[2], (E, 1), dtype=jnp.float32)
    inp["batch"] = jnp.sort(jax.random.randint(ks[3], (N,), 0, G, dtype=jnp.int32))
    inp["W1l"] = jax.random.normal(ks[4], (H, D)) * s
    inp["b1l"] = jnp.zeros((H,), jnp.float32)
    inp["W1r"] = jax.random.normal(ks[5], (H, D)) * s
    inp["g1"] = jnp.ones((H,), jnp.float32)
    inp["bn1"] = jnp.zeros((H,), jnp.float32)
    inp["W2l"] = jax.random.normal(ks[6], (H, H)) * s
    inp["b2l"] = jnp.zeros((H,), jnp.float32)
    inp["W2r"] = jax.random.normal(ks[7], (H, H)) * s
    inp["g2"] = jnp.ones((H,), jnp.float32)
    inp["bn2"] = jnp.zeros((H,), jnp.float32)
    inp["W3l"] = jax.random.normal(ks[8], (H, H)) * s
    inp["b3l"] = jnp.zeros((H,), jnp.float32)
    inp["W3r"] = jax.random.normal(ks[9], (H, H)) * s
    inp["R1W"] = jax.random.normal(ks[10], (H, H)) * s
    inp["R1b"] = jnp.zeros((H,), jnp.float32)
    inp["R2W"] = jax.random.normal(ks[11], (H, H)) * s
    inp["R2b"] = jnp.zeros((H,), jnp.float32)
    inp["Ws"] = jax.random.normal(ks[12], (H, 2 * H)) * s
    inp["bs"] = jnp.zeros((H,), jnp.float32)
    inp["Wr1"] = jax.random.normal(ks[13], (H // 2, H)) * s
    inp["br1"] = jnp.zeros((H // 2,), jnp.float32)
    inp["Wr2"] = jax.random.normal(ks[14], (1, H // 2)) * s
    inp["br2"] = jnp.zeros((1,), jnp.float32)
    inp["Wb1"] = jax.random.normal(ks[15], (H // 2, H)) * s
    inp["bb1"] = jnp.zeros((H // 2,), jnp.float32)
    inp["Wb2"] = jax.random.normal(ks[16], (2, H // 2)) * s
    inp["bb2"] = jnp.zeros((2,), jnp.float32)
    return inp

def reference(x, edge_index, edge_attr, batch, W1l, b1l, W1r, g1, bn1, W2l, b2l, W2r, g2, bn2, W3l, b3l, W3r, R1W, R1b, R2W, R2b, Ws, bs, Wr1, br1, Wr2, br2, Wb1, bb1, Wb2, bb2):
    # conv_type == 'SAGE' -> edge_attr is set to None (ignored)
    x1 = jax.nn.relu(_sage(x, edge_index, W1l, b1l, W1r))
    x1 = _ln(x1, g1, bn1)
    x2 = jax.nn.relu(_sage(x1, edge_index, W2l, b2l, W2r))
    x2 = _ln(x2, g2, bn2)
    x2 = x2 + x1 @ R1W.T + R1b
    x3 = jax.nn.relu(_sage(x2, edge_index, W3l, b3l, W3r))
    x3 = x3 + x2 @ R2W.T + R2b
    xadd = jax.ops.segment_sum(x3, batch, num_segments=G)
    xmax = jax.ops.segment_max(x3, batch, num_segments=G)
    xc = jnp.concatenate([xadd, xmax], axis=1)
    shared = jax.nn.relu(xc @ Ws.T + bs)  # dropout is identity in eval
    reg = jax.nn.relu(shared @ Wr1.T + br1) @ Wr2.T + br2
    binp = jax.nn.relu(shared @ Wb1.T + bb1) @ Wb2.T + bb2
    return (reg, binp)

if __name__ == "__main__":
    import jax
    _d = setup_inputs()
    print(jax.jit(kernel)(*tuple(_d.values())))

</pallas_src>

<mosaic_0001>
#map = affine_map<(d0, d1) -> (0, 0, 0)>
#map1 = affine_map<(d0, d1) -> (0, 0)>
module attributes {stable_mosaic.version = 14 : i64} {
  func.func @body(%arg0: i32, %arg1: i32, %arg2: memref<32x79x128xi32, #tpu.memory_space<hbm>>, %arg3: memref<632x128xf32, #tpu.memory_space<hbm>>, %arg4: memref<128x128xf32, #tpu.memory_space<hbm>>, %arg5: memref<2x10112x128xf32, #tpu.memory_space<hbm>>, %arg6: memref<79x128xi32, #tpu.memory_space<vmem>>, %arg7: memref<128x128xf32, #tpu.memory_space<vmem>>, %arg8: memref<10112x128xf32, #tpu.memory_space<vmem_shared>>) attributes {dimension_semantics = [#tpu.dimension_semantics<core_parallel>, #tpu.dimension_semantics<subcore_parallel>], iteration_bounds = array<i64: 2, 16>, scalar_prefetch = 0 : i64, scratch_operands = 3 : i64, tpu.core_type = #tpu.core_type<sc_vector_subcore>, window_params = [{transform_indices = #map}, {transform_indices = #map1}, {transform_indices = #map1}, {transform_indices = #map}]} {
    %mul3A = arith.constant 2 : i32
    %mul3A_0 = arith.muli %arg1, %mul3A : i32
    %add3A = arith.addi %mul3A_0, %arg0 : i32
    %mul3A_1 = arith.constant 632 : i32
    %mul3A_2 = arith.muli %arg1, %mul3A_1 : i32
    "tpu.region"() ({
      %run_scoped3A = tpu.sem_alloc : memref<!tpu.dma_semaphore, #tpu.memory_space<semaphore_mem>>
      %dma_start3A = arith.constant 0 : i32
      %dma_start3A_12 = tpu.memref_slice %arg8[%mul3A_2, %dma_start3A] : memref<10112x128xf32, #tpu.memory_space<vmem_shared>> -> memref<632x128xf32, #tpu.memory_space<vmem_shared>>
      tpu.enqueue_dma source(%arg3 : memref<632x128xf32, #tpu.memory_space<hbm>>) target(%dma_start3A_12 : memref<632x128xf32, #tpu.memory_space<vmem_shared>>) target_semaphore(%run_scoped3A : memref<!tpu.dma_semaphore, #tpu.memory_space<semaphore_mem>>)
      %dma_wait3A = arith.constant 0 : i32
      %dma_wait3A_13 = tpu.memref_slice %arg8[%mul3A_2, %dma_wait3A] : memref<10112x128xf32, #tpu.memory_space<vmem_shared>> -> memref<632x128xf32, #tpu.memory_space<vmem_shared>>
      tpu.wait_dma2 semaphore(%run_scoped3A : memref<!tpu.dma_semaphore, #tpu.memory_space<semaphore_mem>>) src(%arg3 : memref<632x128xf32, #tpu.memory_space<hbm>>) dst(%dma_wait3A_13 : memref<632x128xf32, #tpu.memory_space<vmem_shared>>)
      tpu.yield
    }) : () -> ()
    "tpu.region"() ({
      %run_scoped3A = tpu.sem_alloc : memref<!tpu.dma_semaphore, #tpu.memory_space<semaphore_mem>>
      tpu.enqueue_dma source(%arg4 : memref<128x128xf32, #tpu.memory_space<hbm>>) target(%arg7 : memref<128x128xf32, #tpu.memory_space<vmem>>) target_semaphore(%run_scoped3A : memref<!tpu.dma_semaphore, #tpu.memory_space<semaphore_mem>>)
      tpu.wait_dma2 semaphore(%run_scoped3A : memref<!tpu.dma_semaphore, #tpu.memory_space<semaphore_mem>>) src(%arg4 : memref<128x128xf32, #tpu.memory_space<hbm>>) dst(%arg7 : memref<128x128xf32, #tpu.memory_space<vmem>>)
      tpu.yield
    }) : () -> ()
    "tpu.region"() ({
      %run_scoped3A = tpu.sem_alloc : memref<!tpu.dma_semaphore, #tpu.memory_space<semaphore_mem>>
      %dma_start3A = arith.constant 0 : i32
      %dma_start3A_12 = arith.constant 0 : i32
      %dma_start3A_13 = tpu.memref_slice %arg2[%add3A, %dma_start3A, %dma_start3A_12] : memref<32x79x128xi32, #tpu.memory_space<hbm>> -> memref<1x79x128xi32, #tpu.memory_space<hbm>>
      %dma_start3A_14 = tpu.memref_squeeze %dma_start3A_13 : memref<1x79x128xi32, #tpu.memory_space<hbm>> -> memref<79x128xi32, #tpu.memory_space<hbm>>
      %dma_start3A_15 = arith.constant 0 : i32
      %dma_start3A_16 = arith.constant 0 : i32
      %dma_start3A_17 = tpu.memref_slice %arg2[%add3A, %dma_start3A_15, %dma_start3A_16] : memref<32x79x128xi32, #tpu.memory_space<hbm>> -> memref<1x79x128xi32, #tpu.memory_space<hbm>>
      %dma_start3A_18 = tpu.memref_squeeze %dma_start3A_17 : memref<1x79x128xi32, #tpu.memory_space<hbm>> -> memref<79x128xi32, #tpu.memory_space<hbm>>
      tpu.enqueue_dma source(%dma_start3A_18 : memref<79x128xi32, #tpu.memory_space<hbm>>) target(%arg6 : memref<79x128xi32, #tpu.memory_space<vmem>>) target_semaphore(%run_scoped3A : memref<!tpu.dma_semaphore, #tpu.memory_space<semaphore_mem>>)
      %dma_wait3A = arith.constant 0 : i32
      %dma_wait3A_19 = arith.constant 0 : i32
      %dma_wait3A_20 = tpu.memref_slice %arg2[%add3A, %dma_wait3A, %dma_wait3A_19] : memref<32x79x128xi32, #tpu.memory_space<hbm>> -> memref<1x79x128xi32, #tpu.memory_space<hbm>>
      %dma_wait3A_21 = tpu.memref_squeeze %dma_wait3A_20 : memref<1x79x128xi32, #tpu.memory_space<hbm>> -> memref<79x128xi32, #tpu.memory_space<hbm>>
      %dma_wait3A_22 = arith.constant 0 : i32
      %dma_wait3A_23 = arith.constant 0 : i32
      %dma_wait3A_24 = tpu.memref_slice %arg2[%add3A, %dma_wait3A_22, %dma_wait3A_23] : memref<32x79x128xi32, #tpu.memory_space<hbm>> -> memref<1x79x128xi32, #tpu.memory_space<hbm>>
      %dma_wait3A_25 = tpu.memref_squeeze %dma_wait3A_24 : memref<1x79x128xi32, #tpu.memory_space<hbm>> -> memref<79x128xi32, #tpu.memory_space<hbm>>
      tpu.wait_dma2 semaphore(%run_scoped3A : memref<!tpu.dma_semaphore, #tpu.memory_space<semaphore_mem>>) src(%dma_wait3A_25 : memref<79x128xi32, #tpu.memory_space<hbm>>) dst(%arg6 : memref<79x128xi32, #tpu.memory_space<vmem>>)
      tpu.yield
    }) : () -> ()
    %barrier3A = arith.constant 0 : index
    tpu.barrier barrier_id(%barrier3A)
    %scan3A = arith.constant 0 : i32
    %scan3A_3 = arith.constant 79 : i32
    %scan3A_4 = arith.addi %scan3A, %scan3A_3 : i32
    %scan3A_5 = arith.constant 1 : i32
    scf.for %scan3A_12 = %scan3A to %scan3A_4 step %scan3A_5  : i32 {
      %mul3A_13 = arith.constant 1 : i32
      %mul3A_14 = arith.muli %scan3A_12, %mul3A_13 : i32
      %add3A_15 = arith.constant 0 : i32
      %add3A_16 = arith.addi %add3A_15, %mul3A_14 : i32
      "tpu.region"() ({
        %run_scoped3A = tpu.sem_alloc : memref<!tpu.dma_semaphore, #tpu.memory_space<semaphore_mem>>
        %dma_start3A = arith.constant 0 : i32
        %dma_start3A_17 = tpu.memref_slice %arg6[%add3A_16, %dma_start3A] : memref<79x128xi32, #tpu.memory_space<vmem>> -> memref<1x128xi32, #tpu.memory_space<vmem>>
        %dma_start3A_18 = tpu.memref_squeeze %dma_start3A_17 : memref<1x128xi32, #tpu.memory_space<vmem>> -> memref<128xi32, #tpu.memory_space<vmem>>
        %dma_start3A_19 = arith.constant 0 : i32
        %dma_start3A_20 = arith.constant 0 : i32
        %dma_start3A_21 = tpu.memref_slice %arg8[%dma_start3A_19, %dma_start3A_20] : memref<10112x128xf32, #tpu.memory_space<vmem_shared>> -> memref<10112x128xf32, #tpu.memory_space<vmem_shared>>
        tpu.enqueue_indirect_dma source(%arg7 : memref<128x128xf32, #tpu.memory_space<vmem>>) target(%dma_start3A_21 : memref<10112x128xf32, #tpu.memory_space<vmem_shared>>) offsets(%dma_start3A_18 : memref<128xi32, #tpu.memory_space<vmem>>) semaphore(%run_scoped3A : memref<!tpu.dma_semaphore, #tpu.memory_space<semaphore_mem>>) {add = true}
        %dma_wait3A = arith.constant 0 : i32
        %dma_wait3A_22 = tpu.memref_slice %arg6[%add3A_16, %dma_wait3A] : memref<79x128xi32, #tpu.memory_space<vmem>> -> memref<1x128xi32, #tpu.memory_space<vmem>>
        %dma_wait3A_23 = tpu.memref_squeeze %dma_wait3A_22 : memref<1x128xi32, #tpu.memory_space<vmem>> -> memref<128xi32, #tpu.memory_space<vmem>>
        %dma_wait3A_24 = arith.constant 0 : i32
        %dma_wait3A_25 = arith.constant 0 : i32
        %dma_wait3A_26 = tpu.memref_slice %arg8[%dma_wait3A_24, %dma_wait3A_25] : memref<10112x128xf32, #tpu.memory_space<vmem_shared>> -> memref<10112x128xf32, #tpu.memory_space<vmem_shared>>
        tpu.wait_indirect_dma semaphore(%run_scoped3A : memref<!tpu.dma_semaphore, #tpu.memory_space<semaphore_mem>>) src(%arg7 : memref<128x128xf32, #tpu.memory_space<vmem>>) dst(%dma_wait3A_26 : memref<10112x128xf32, #tpu.memory_space<vmem_shared>>)
        tpu.yield
      }) : () -> ()
    }
    %scan3A_6 = arith.constant 79 : i32
    %barrier3A_7 = arith.constant 0 : index
    tpu.barrier barrier_id(%barrier3A_7)
    %mul3A_8 = arith.constant 632 : i32
    %mul3A_9 = arith.muli %arg1, %mul3A_8 : i32
    %mul3A_10 = arith.constant 632 : i32
    %mul3A_11 = arith.muli %arg1, %mul3A_10 : i32
    "tpu.region"() ({
      %run_scoped3A = tpu.sem_alloc : memref<!tpu.dma_semaphore, #tpu.memory_space<semaphore_mem>>
      %dma_start3A = arith.constant 0 : i32
      %dma_start3A_12 = tpu.memref_slice %arg5[%arg0, %mul3A_11, %dma_start3A] : memref<2x10112x128xf32, #tpu.memory_space<hbm>> -> memref<1x632x128xf32, #tpu.memory_space<hbm>>
      %dma_start3A_13 = tpu.memref_squeeze %dma_start3A_12 : memref<1x632x128xf32, #tpu.memory_space<hbm>> -> memref<632x128xf32, #tpu.memory_space<hbm>>
      %dma_start3A_14 = arith.constant 0 : i32
      %dma_start3A_15 = tpu.memref_slice %arg8[%mul3A_9, %dma_start3A_14] : memref<10112x128xf32, #tpu.memory_space<vmem_shared>> -> memref<632x128xf32, #tpu.memory_space<vmem_shared>>
      tpu.enqueue_dma source(%dma_start3A_15 : memref<632x128xf32, #tpu.memory_space<vmem_shared>>) target(%dma_start3A_13 : memref<632x128xf32, #tpu.memory_space<hbm>>) target_semaphore(%run_scoped3A : memref<!tpu.dma_semaphore, #tpu.memory_space<semaphore_mem>>)
      %dma_wait3A = arith.constant 0 : i32
      %dma_wait3A_16 = tpu.memref_slice %arg5[%arg0, %mul3A_11, %dma_wait3A] : memref<2x10112x128xf32, #tpu.memory_space<hbm>> -> memref<1x632x128xf32, #tpu.memory_space<hbm>>
      %dma_wait3A_17 = tpu.memref_squeeze %dma_wait3A_16 : memref<1x632x128xf32, #tpu.memory_space<hbm>> -> memref<632x128xf32, #tpu.memory_space<hbm>>
      %dma_wait3A_18 = arith.constant 0 : i32
      %dma_wait3A_19 = tpu.memref_slice %arg8[%mul3A_9, %dma_wait3A_18] : memref<10112x128xf32, #tpu.memory_space<vmem_shared>> -> memref<632x128xf32, #tpu.memory_space<vmem_shared>>
      tpu.wait_dma2 semaphore(%run_scoped3A : memref<!tpu.dma_semaphore, #tpu.memory_space<semaphore_mem>>) src(%dma_wait3A_19 : memref<632x128xf32, #tpu.memory_space<vmem_shared>>) dst(%dma_wait3A_17 : memref<632x128xf32, #tpu.memory_space<hbm>>)
      tpu.yield
    }) : () -> ()
    return
  }
}

#map = affine_map<(d0, d1) -> (0, 0)>
#map1 = affine_map<(d0, d1) -> (0, 0, 0)>
module attributes {stable_mosaic.version = 14 : i64} {
  func.func @body(%arg0: i32, %arg1: i32, %arg2: memref<10000x128xf32, #tpu.memory_space<hbm>>, %arg3: memref<32x79x128xi32, #tpu.memory_space<hbm>>, %arg4: memref<32x79x128xi32, #tpu.memory_space<hbm>>, %arg5: memref<632x128xf32, #tpu.memory_space<hbm>>, %arg6: memref<2x10112x128xf32, #tpu.memory_space<hbm>>, %arg7: memref<79x128xi32, #tpu.memory_space<vmem>>, %arg8: memref<79x128xi32, #tpu.memory_space<vmem>>, %arg9: memref<128x128xf32, #tpu.memory_space<vmem>>, %arg10: memref<10112x128xf32, #tpu.memory_space<vmem_shared>>, %arg11: memref<!tpu.dma_semaphore, #tpu.memory_space<semaphore_mem>>) attributes {dimension_semantics = [#tpu.dimension_semantics<core_parallel>, #tpu.dimension_semantics<subcore_parallel>], iteration_bounds = array<i64: 2, 16>, scalar_prefetch = 0 : i64, scratch_operands = 5 : i64, tpu.core_type = #tpu.core_type<sc_vector_subcore>, window_params = [{transform_indices = #map}, {transform_indices = #map1}, {transform_indices = #map1}, {transform_indices = #map}, {transform_indices = #map1}]} {
    %mul3A = arith.constant 2 : i32
    %mul3A_0 = arith.muli %arg1, %mul3A : i32
    %add3A = arith.addi %mul3A_0, %arg0 : i32
    %mul3A_1 = arith.constant 632 : i32
    %mul3A_2 = arith.muli %arg1, %mul3A_1 : i32
    "tpu.region"() ({
      %run_scoped3A = tpu.sem_alloc : memref<!tpu.dma_semaphore, #tpu.memory_space<semaphore_mem>>
      %dma_start3A = arith.constant 0 : i32
      %dma_start3A_12 = tpu.memref_slice %arg10[%mul3A_2, %dma_start3A] : memref<10112x128xf32, #tpu.memory_space<vmem_shared>> -> memref<632x128xf32, #tpu.memory_space<vmem_shared>>
      tpu.enqueue_dma source(%arg5 : memref<632x128xf32, #tpu.memory_space<hbm>>) target(%dma_start3A_12 : memref<632x128xf32, #tpu.memory_space<vmem_shared>>) target_semaphore(%run_scoped3A : memref<!tpu.dma_semaphore, #tpu.memory_space<semaphore_mem>>)
      %dma_wait3A = arith.constant 0 : i32
      %dma_wait3A_13 = tpu.memref_slice %arg10[%mul3A_2, %dma_wait3A] : memref<10112x128xf32, #tpu.memory_space<vmem_shared>> -> memref<632x128xf32, #tpu.memory_space<vmem_shared>>
      tpu.wait_dma2 semaphore(%run_scoped3A : memref<!tpu.dma_semaphore, #tpu.memory_space<semaphore_mem>>) src(%arg5 : memref<632x128xf32, #tpu.memory_space<hbm>>) dst(%dma_wait3A_13 : memref<632x128xf32, #tpu.memory_space<vmem_shared>>)
      tpu.yield
    }) : () -> ()
    "tpu.region"() ({
      %run_scoped3A = tpu.sem_alloc : memref<!tpu.dma_semaphore, #tpu.memory_space<semaphore_mem>>
      %dma_start3A = arith.constant 0 : i32
      %dma_start3A_12 = arith.constant 0 : i32
      %dma_start3A_13 = tpu.memref_slice %arg3[%add3A, %dma_start3A, %dma_start3A_12] : memref<32x79x128xi32, #tpu.memory_space<hbm>> -> memref<1x79x128xi32, #tpu.memory_space<hbm>>
      %dma_start3A_14 = tpu.memref_squeeze %dma_start3A_13 : memref<1x79x128xi32, #tpu.memory_space<hbm>> -> memref<79x128xi32, #tpu.memory_space<hbm>>
      %dma_start3A_15 = arith.constant 0 : i32
      %dma_start3A_16 = arith.constant 0 : i32
      %dma_start3A_17 = tpu.memref_slice %arg3[%add3A, %dma_start3A_15, %dma_start3A_16] : memref<32x79x128xi32, #tpu.memory_space<hbm>> -> memref<1x79x128xi32, #tpu.memory_space<hbm>>
      %dma_start3A_18 = tpu.memref_squeeze %dma_start3A_17 : memref<1x79x128xi32, #tpu.memory_space<hbm>> -> memref<79x128xi32, #tpu.memory_space<hbm>>
      tpu.enqueue_dma source(%dma_start3A_18 : memref<79x128xi32, #tpu.memory_space<hbm>>) target(%arg7 : memref<79x128xi32, #tpu.memory_space<vmem>>) target_semaphore(%run_scoped3A : memref<!tpu.dma_semaphore, #tpu.memory_space<semaphore_mem>>)
      %dma_wait3A = arith.constant 0 : i32
      %dma_wait3A_19 = arith.constant 0 : i32
      %dma_wait3A_20 = tpu.memref_slice %arg3[%add3A, %dma_wait3A, %dma_wait3A_19] : memref<32x79x128xi32, #tpu.memory_space<hbm>> -> memref<1x79x128xi32, #tpu.memory_space<hbm>>
      %dma_wait3A_21 = tpu.memref_squeeze %dma_wait3A_20 : memref<1x79x128xi32, #tpu.memory_space<hbm>> -> memref<79x128xi32, #tpu.memory_space<hbm>>
      %dma_wait3A_22 = arith.constant 0 : i32
      %dma_wait3A_23 = arith.constant 0 : i32
      %dma_wait3A_24 = tpu.memref_slice %arg3[%add3A, %dma_wait3A_22, %dma_wait3A_23] : memref<32x79x128xi32, #tpu.memory_space<hbm>> -> memref<1x79x128xi32, #tpu.memory_space<hbm>>
      %dma_wait3A_25 = tpu.memref_squeeze %dma_wait3A_24 : memref<1x79x128xi32, #tpu.memory_space<hbm>> -> memref<79x128xi32, #tpu.memory_space<hbm>>
      tpu.wait_dma2 semaphore(%run_scoped3A : memref<!tpu.dma_semaphore, #tpu.memory_space<semaphore_mem>>) src(%dma_wait3A_25 : memref<79x128xi32, #tpu.memory_space<hbm>>) dst(%arg7 : memref<79x128xi32, #tpu.memory_space<vmem>>)
      tpu.yield
    }) : () -> ()
    "tpu.region"() ({
      %run_scoped3A = tpu.sem_alloc : memref<!tpu.dma_semaphore, #tpu.memory_space<semaphore_mem>>
      %dma_start3A = arith.constant 0 : i32
      %dma_start3A_12 = arith.constant 0 : i32
      %dma_start3A_13 = tpu.memref_slice %arg4[%add3A, %dma_start3A, %dma_start3A_12] : memref<32x79x128xi32, #tpu.memory_space<hbm>> -> memref<1x79x128xi32, #tpu.memory_space<hbm>>
      %dma_start3A_14 = tpu.memref_squeeze %dma_start3A_13 : memref<1x79x128xi32, #tpu.memory_space<hbm>> -> memref<79x128xi32, #tpu.memory_space<hbm>>
      %dma_start3A_15 = arith.constant 0 : i32
      %dma_start3A_16 = arith.constant 0 : i32
      %dma_start3A_17 = tpu.memref_slice %arg4[%add3A, %dma_start3A_15, %dma_start3A_16] : memref<32x79x128xi32, #tpu.memory_space<hbm>> -> memref<1x79x128xi32, #tpu.memory_space<hbm>>
      %dma_start3A_18 = tpu.memref_squeeze %dma_start3A_17 : memref<1x79x128xi32, #tpu.memory_space<hbm>> -> memref<79x128xi32, #tpu.memory_space<hbm>>
      tpu.enqueue_dma source(%dma_start3A_18 : memref<79x128xi32, #tpu.memory_space<hbm>>) target(%arg8 : memref<79x128xi32, #tpu.memory_space<vmem>>) target_semaphore(%run_scoped3A : memref<!tpu.dma_semaphore, #tpu.memory_space<semaphore_mem>>)
      %dma_wait3A = arith.constant 0 : i32
      %dma_wait3A_19 = arith.constant 0 : i32
      %dma_wait3A_20 = tpu.memref_slice %arg4[%add3A, %dma_wait3A, %dma_wait3A_19] : memref<32x79x128xi32, #tpu.memory_space<hbm>> -> memref<1x79x128xi32, #tpu.memory_space<hbm>>
      %dma_wait3A_21 = tpu.memref_squeeze %dma_wait3A_20 : memref<1x79x128xi32, #tpu.memory_space<hbm>> -> memref<79x128xi32, #tpu.memory_space<hbm>>
      %dma_wait3A_22 = arith.constant 0 : i32
      %dma_wait3A_23 = arith.constant 0 : i32
      %dma_wait3A_24 = tpu.memref_slice %arg4[%add3A, %dma_wait3A_22, %dma_wait3A_23] : memref<32x79x128xi32, #tpu.memory_space<hbm>> -> memref<1x79x128xi32, #tpu.memory_space<hbm>>
      %dma_wait3A_25 = tpu.memref_squeeze %dma_wait3A_24 : memref<1x79x128xi32, #tpu.memory_space<hbm>> -> memref<79x128xi32, #tpu.memory_space<hbm>>
      tpu.wait_dma2 semaphore(%run_scoped3A : memref<!tpu.dma_semaphore, #tpu.memory_space<semaphore_mem>>) src(%dma_wait3A_25 : memref<79x128xi32, #tpu.memory_space<hbm>>) dst(%arg8 : memref<79x128xi32, #tpu.memory_space<vmem>>)
      tpu.yield
    }) : () -> ()
    %barrier3A = arith.constant 0 : index
    tpu.barrier barrier_id(%barrier3A)
    %scan3A = arith.constant 0 : i32
    %scan3A_3 = arith.constant 79 : i32
    %scan3A_4 = arith.addi %scan3A, %scan3A_3 : i32
    %scan3A_5 = arith.constant 1 : i32
    scf.for %scan3A_12 = %scan3A to %scan3A_4 step %scan3A_5  : i32 {
      %mul3A_13 = arith.constant 1 : i32
      %mul3A_14 = arith.muli %scan3A_12, %mul3A_13 : i32
      %add3A_15 = arith.constant 0 : i32
      %add3A_16 = arith.addi %add3A_15, %mul3A_14 : i32
      %dma_start3A = arith.constant 0 : i32
      %dma_start3A_17 = tpu.memref_slice %arg7[%add3A_16, %dma_start3A] : memref<79x128xi32, #tpu.memory_space<vmem>> -> memref<1x128xi32, #tpu.memory_space<vmem>>
      %dma_start3A_18 = tpu.memref_squeeze %dma_start3A_17 : memref<1x128xi32, #tpu.memory_space<vmem>> -> memref<128xi32, #tpu.memory_space<vmem>>
      %dma_start3A_19 = arith.constant 0 : i32
      %dma_start3A_20 = arith.constant 0 : i32
      %dma_start3A_21 = tpu.memref_slice %arg2[%dma_start3A_19, %dma_start3A_20] : memref<10000x128xf32, #tpu.memory_space<hbm>> -> memref<10000x128xf32, #tpu.memory_space<hbm>>
      tpu.enqueue_indirect_dma source(%dma_start3A_21 : memref<10000x128xf32, #tpu.memory_space<hbm>>) target(%arg9 : memref<128x128xf32, #tpu.memory_space<vmem>>) offsets(%dma_start3A_18 : memref<128xi32, #tpu.memory_space<vmem>>) semaphore(%arg11 : memref<!tpu.dma_semaphore, #tpu.memory_space<semaphore_mem>>)
      %dma_wait3A = arith.constant 0 : i32
      %dma_wait3A_22 = tpu.memref_slice %arg7[%add3A_16, %dma_wait3A] : memref<79x128xi32, #tpu.memory_space<vmem>> -> memref<1x128xi32, #tpu.memory_space<vmem>>
      %dma_wait3A_23 = tpu.memref_squeeze %dma_wait3A_22 : memref<1x128xi32, #tpu.memory_space<vmem>> -> memref<128xi32, #tpu.memory_space<vmem>>
      %dma_wait3A_24 = arith.constant 0 : i32
      %dma_wait3A_25 = arith.constant 0 : i32
      %dma_wait3A_26 = tpu.memref_slice %arg2[%dma_wait3A_24, %dma_wait3A_25] : memref<10000x128xf32, #tpu.memory_space<hbm>> -> memref<10000x128xf32, #tpu.memory_space<hbm>>
      tpu.wait_indirect_dma semaphore(%arg11 : memref<!tpu.dma_semaphore, #tpu.memory_space<semaphore_mem>>) src(%dma_wait3A_26 : memref<10000x128xf32, #tpu.memory_space<hbm>>) dst(%arg9 : memref<128x128xf32, #tpu.memory_space<vmem>>)
      "tpu.region"() ({
        %run_scoped3A = tpu.sem_alloc : memref<!tpu.dma_semaphore, #tpu.memory_space<semaphore_mem>>
        %dma_start3A_27 = arith.constant 0 : i32
        %dma_start3A_28 = tpu.memref_slice %arg8[%add3A_16, %dma_start3A_27] : memref<79x128xi32, #tpu.memory_space<vmem>> -> memref<1x128xi32, #tpu.memory_space<vmem>>
        %dma_start3A_29 = tpu.memref_squeeze %dma_start3A_28 : memref<1x128xi32, #tpu.memory_space<vmem>> -> memref<128xi32, #tpu.memory_space<vmem>>
        %dma_start3A_30 = arith.constant 0 : i32
        %dma_start3A_31 = arith.constant 0 : i32
        %dma_start3A_32 = tpu.memref_slice %arg10[%dma_start3A_30, %dma_start3A_31] : memref<10112x128xf32, #tpu.memory_space<vmem_shared>> -> memref<10112x128xf32, #tpu.memory_space<vmem_shared>>
        tpu.enqueue_indirect_dma source(%arg9 : memref<128x128xf32, #tpu.memory_space<vmem>>) target(%dma_start3A_32 : memref<10112x128xf32, #tpu.memory_space<vmem_shared>>) offsets(%dma_start3A_29 : memref<128xi32, #tpu.memory_space<vmem>>) semaphore(%run_scoped3A : memref<!tpu.dma_semaphore, #tpu.memory_space<semaphore_mem>>) {add = true}
        %dma_wait3A_33 = arith.constant 0 : i32
        %dma_wait3A_34 = tpu.memref_slice %arg8[%add3A_16, %dma_wait3A_33] : memref<79x128xi32, #tpu.memory_space<vmem>> -> memref<1x128xi32, #tpu.memory_space<vmem>>
        %dma_wait3A_35 = tpu.memref_squeeze %dma_wait3A_34 : memref<1x128xi32, #tpu.memory_space<vmem>> -> memref<128xi32, #tpu.memory_space<vmem>>
        %dma_wait3A_36 = arith.constant 0 : i32
        %dma_wait3A_37 = arith.constant 0 : i32
        %dma_wait3A_38 = tpu.memref_slice %arg10[%dma_wait3A_36, %dma_wait3A_37] : memref<10112x128xf32, #tpu.memory_space<vmem_shared>> -> memref<10112x128xf32, #tpu.memory_space<vmem_shared>>
        tpu.wait_indirect_dma semaphore(%run_scoped3A : memref<!tpu.dma_semaphore, #tpu.memory_space<semaphore_mem>>) src(%arg9 : memref<128x128xf32, #tpu.memory_space<vmem>>) dst(%dma_wait3A_38 : memref<10112x128xf32, #tpu.memory_space<vmem_shared>>)
        tpu.yield
      }) : () -> ()
    }
    %scan3A_6 = arith.constant 79 : i32
    %barrier3A_7 = arith.constant 0 : index
    tpu.barrier barrier_id(%barrier3A_7)
    %mul3A_8 = arith.constant 632 : i32
    %mul3A_9 = arith.muli %arg1, %mul3A_8 : i32
    %mul3A_10 = arith.constant 632 : i32
    %mul3A_11 = arith.muli %arg1, %mul3A_10 : i32
    "tpu.region"() ({
      %run_scoped3A = tpu.sem_alloc : memref<!tpu.dma_semaphore, #tpu.memory_space<semaphore_mem>>
      %dma_start3A = arith.constant 0 : i32
      %dma_start3A_12 = tpu.memref_slice %arg6[%arg0, %mul3A_11, %dma_start3A] : memref<2x10112x128xf32, #tpu.memory_space<hbm>> -> memref<1x632x128xf32, #tpu.memory_space<hbm>>
      %dma_start3A_13 = tpu.memref_squeeze %dma_start3A_12 : memref<1x632x128xf32, #tpu.memory_space<hbm>> -> memref<632x128xf32, #tpu.memory_space<hbm>>
      %dma_start3A_14 = arith.constant 0 : i32
      %dma_start3A_15 = tpu.memref_slice %arg10[%mul3A_9, %dma_start3A_14] : memref<10112x128xf32, #tpu.memory_space<vmem_shared>> -> memref<632x128xf32, #tpu.memory_space<vmem_shared>>
      tpu.enqueue_dma source(%dma_start3A_15 : memref<632x128xf32, #tpu.memory_space<vmem_shared>>) target(%dma_start3A_13 : memref<632x128xf32, #tpu.memory_space<hbm>>) target_semaphore(%run_scoped3A : memref<!tpu.dma_semaphore, #tpu.memory_space<semaphore_mem>>)
      %dma_wait3A = arith.constant 0 : i32
      %dma_wait3A_16 = tpu.memref_slice %arg6[%arg0, %mul3A_11, %dma_wait3A] : memref<2x10112x128xf32, #tpu.memory_space<hbm>> -> memref<1x632x128xf32, #tpu.memory_space<hbm>>
      %dma_wait3A_17 = tpu.memref_squeeze %dma_wait3A_16 : memref<1x632x128xf32, #tpu.memory_space<hbm>> -> memref<632x128xf32, #tpu.memory_space<hbm>>
      %dma_wait3A_18 = arith.constant 0 : i32
      %dma_wait3A_19 = tpu.memref_slice %arg10[%mul3A_9, %dma_wait3A_18] : memref<10112x128xf32, #tpu.memory_space<vmem_shared>> -> memref<632x128xf32, #tpu.memory_space<vmem_shared>>
      tpu.wait_dma2 semaphore(%run_scoped3A : memref<!tpu.dma_semaphore, #tpu.memory_space<semaphore_mem>>) src(%dma_wait3A_19 : memref<632x128xf32, #tpu.memory_space<vmem_shared>>) dst(%dma_wait3A_17 : memref<632x128xf32, #tpu.memory_space<hbm>>)
      tpu.yield
    }) : () -> ()
    return
  }
}

#map = affine_map<(d0, d1) -> (0, 0)>
#map1 = affine_map<(d0, d1) -> (0, 0, 0)>
module attributes {stable_mosaic.version = 14 : i64} {
  func.func @body(%arg0: i32, %arg1: i32, %arg2: memref<10000x128xf32, #tpu.memory_space<hbm>>, %arg3: memref<32x79x128xi32, #tpu.memory_space<hbm>>, %arg4: memref<32x79x128xi32, #tpu.memory_space<hbm>>, %arg5: memref<632x128xf32, #tpu.memory_space<hbm>>, %arg6: memref<2x10112x128xf32, #tpu.memory_space<hbm>>, %arg7: memref<79x128xi32, #tpu.memory_space<vmem>>, %arg8: memref<79x128xi32, #tpu.memory_space<vmem>>, %arg9: memref<128x128xf32, #tpu.memory_space<vmem>>, %arg10: memref<10112x128xf32, #tpu.memory_space<vmem_shared>>, %arg11: memref<!tpu.dma_semaphore, #tpu.memory_space<semaphore_mem>>) attributes {dimension_semantics = [#tpu.dimension_semantics<core_parallel>, #tpu.dimension_semantics<subcore_parallel>], iteration_bounds = array<i64: 2, 16>, scalar_prefetch = 0 : i64, scratch_operands = 5 : i64, tpu.core_type = #tpu.core_type<sc_vector_subcore>, window_params = [{transform_indices = #map}, {transform_indices = #map1}, {transform_indices = #map1}, {transform_indices = #map}, {transform_indices = #map1}]} {
    %mul3A = arith.constant 2 : i32
    %mul3A_0 = arith.muli %arg1, %mul3A : i32
    %add3A = arith.addi %mul3A_0, %arg0 : i32
    %mul3A_1 = arith.constant 632 : i32
    %mul3A_2 = arith.muli %arg1, %mul3A_1 : i32
    "tpu.region"() ({
      %run_scoped3A = tpu.sem_alloc : memref<!tpu.dma_semaphore, #tpu.memory_space<semaphore_mem>>
      %dma_start3A = arith.constant 0 : i32
      %dma_start3A_12 = tpu.memref_slice %arg10[%mul3A_2, %dma_start3A] : memref<10112x128xf32, #tpu.memory_space<vmem_shared>> -> memref<632x128xf32, #tpu.memory_space<vmem_shared>>
      tpu.enqueue_dma source(%arg5 : memref<632x128xf32, #tpu.memory_space<hbm>>) target(%dma_start3A_12 : memref<632x128xf32, #tpu.memory_space<vmem_shared>>) target_semaphore(%run_scoped3A : memref<!tpu.dma_semaphore, #tpu.memory_space<semaphore_mem>>)
      %dma_wait3A = arith.constant 0 : i32
      %dma_wait3A_13 = tpu.memref_slice %arg10[%mul3A_2, %dma_wait3A] : memref<10112x128xf32, #tpu.memory_space<vmem_shared>> -> memref<632x128xf32, #tpu.memory_space<vmem_shared>>
      tpu.wait_dma2 semaphore(%run_scoped3A : memref<!tpu.dma_semaphore, #tpu.memory_space<semaphore_mem>>) src(%arg5 : memref<632x128xf32, #tpu.memory_space<hbm>>) dst(%dma_wait3A_13 : memref<632x128xf32, #tpu.memory_space<vmem_shared>>)
      tpu.yield
    }) : () -> ()
    "tpu.region"() ({
      %run_scoped3A = tpu.sem_alloc : memref<!tpu.dma_semaphore, #tpu.memory_space<semaphore_mem>>
      %dma_start3A = arith.constant 0 : i32
      %dma_start3A_12 = arith.constant 0 : i32
      %dma_start3A_13 = tpu.memref_slice %arg3[%add3A, %dma_start3A, %dma_start3A_12] : memref<32x79x128xi32, #tpu.memory_space<hbm>> -> memref<1x79x128xi32, #tpu.memory_space<hbm>>
      %dma_start3A_14 = tpu.memref_squeeze %dma_start3A_13 : memref<1x79x128xi32, #tpu.memory_space<hbm>> -> memref<79x128xi32, #tpu.memory_space<hbm>>
      %dma_start3A_15 = arith.constant 0 : i32
      %dma_start3A_16 = arith.constant 0 : i32
      %dma_start3A_17 = tpu.memref_slice %arg3[%add3A, %dma_start3A_15, %dma_start3A_16] : memref<32x79x128xi32, #tpu.memory_space<hbm>> -> memref<1x79x128xi32, #tpu.memory_space<hbm>>
      %dma_start3A_18 = tpu.memref_squeeze %dma_start3A_17 : memref<1x79x128xi32, #tpu.memory_space<hbm>> -> memref<79x128xi32, #tpu.memory_space<hbm>>
      tpu.enqueue_dma source(%dma_start3A_18 : memref<79x128xi32, #tpu.memory_space<hbm>>) target(%arg7 : memref<79x128xi32, #tpu.memory_space<vmem>>) target_semaphore(%run_scoped3A : memref<!tpu.dma_semaphore, #tpu.memory_space<semaphore_mem>>)
      %dma_wait3A = arith.constant 0 : i32
      %dma_wait3A_19 = arith.constant 0 : i32
      %dma_wait3A_20 = tpu.memref_slice %arg3[%add3A, %dma_wait3A, %dma_wait3A_19] : memref<32x79x128xi32, #tpu.memory_space<hbm>> -> memref<1x79x128xi32, #tpu.memory_space<hbm>>
      %dma_wait3A_21 = tpu.memref_squeeze %dma_wait3A_20 : memref<1x79x128xi32, #tpu.memory_space<hbm>> -> memref<79x128xi32, #tpu.memory_space<hbm>>
      %dma_wait3A_22 = arith.constant 0 : i32
      %dma_wait3A_23 = arith.constant 0 : i32
      %dma_wait3A_24 = tpu.memref_slice %arg3[%add3A, %dma_wait3A_22, %dma_wait3A_23] : memref<32x79x128xi32, #tpu.memory_space<hbm>> -> memref<1x79x128xi32, #tpu.memory_space<hbm>>
      %dma_wait3A_25 = tpu.memref_squeeze %dma_wait3A_24 : memref<1x79x128xi32, #tpu.memory_space<hbm>> -> memref<79x128xi32, #tpu.memory_space<hbm>>
      tpu.wait_dma2 semaphore(%run_scoped3A : memref<!tpu.dma_semaphore, #tpu.memory_space<semaphore_mem>>) src(%dma_wait3A_25 : memref<79x128xi32, #tpu.memory_space<hbm>>) dst(%arg7 : memref<79x128xi32, #tpu.memory_space<vmem>>)
      tpu.yield
    }) : () -> ()
    "tpu.region"() ({
      %run_scoped3A = tpu.sem_alloc : memref<!tpu.dma_semaphore, #tpu.memory_space<semaphore_mem>>
      %dma_start3A = arith.constant 0 : i32
      %dma_start3A_12 = arith.constant 0 : i32
      %dma_start3A_13 = tpu.memref_slice %arg4[%add3A, %dma_start3A, %dma_start3A_12] : memref<32x79x128xi32, #tpu.memory_space<hbm>> -> memref<1x79x128xi32, #tpu.memory_space<hbm>>
      %dma_start3A_14 = tpu.memref_squeeze %dma_start3A_13 : memref<1x79x128xi32, #tpu.memory_space<hbm>> -> memref<79x128xi32, #tpu.memory_space<hbm>>
      %dma_start3A_15 = arith.constant 0 : i32
      %dma_start3A_16 = arith.constant 0 : i32
      %dma_start3A_17 = tpu.memref_slice %arg4[%add3A, %dma_start3A_15, %dma_start3A_16] : memref<32x79x128xi32, #tpu.memory_space<hbm>> -> memref<1x79x128xi32, #tpu.memory_space<hbm>>
      %dma_start3A_18 = tpu.memref_squeeze %dma_start3A_17 : memref<1x79x128xi32, #tpu.memory_space<hbm>> -> memref<79x128xi32, #tpu.memory_space<hbm>>
      tpu.enqueue_dma source(%dma_start3A_18 : memref<79x128xi32, #tpu.memory_space<hbm>>) target(%arg8 : memref<79x128xi32, #tpu.memory_space<vmem>>) target_semaphore(%run_scoped3A : memref<!tpu.dma_semaphore, #tpu.memory_space<semaphore_mem>>)
      %dma_wait3A = arith.constant 0 : i32
      %dma_wait3A_19 = arith.constant 0 : i32
      %dma_wait3A_20 = tpu.memref_slice %arg4[%add3A, %dma_wait3A, %dma_wait3A_19] : memref<32x79x128xi32, #tpu.memory_space<hbm>> -> memref<1x79x128xi32, #tpu.memory_space<hbm>>
      %dma_wait3A_21 = tpu.memref_squeeze %dma_wait3A_20 : memref<1x79x128xi32, #tpu.memory_space<hbm>> -> memref<79x128xi32, #tpu.memory_space<hbm>>
      %dma_wait3A_22 = arith.constant 0 : i32
      %dma_wait3A_23 = arith.constant 0 : i32
      %dma_wait3A_24 = tpu.memref_slice %arg4[%add3A, %dma_wait3A_22, %dma_wait3A_23] : memref<32x79x128xi32, #tpu.memory_space<hbm>> -> memref<1x79x128xi32, #tpu.memory_space<hbm>>
      %dma_wait3A_25 = tpu.memref_squeeze %dma_wait3A_24 : memref<1x79x128xi32, #tpu.memory_space<hbm>> -> memref<79x128xi32, #tpu.memory_space<hbm>>
      tpu.wait_dma2 semaphore(%run_scoped3A : memref<!tpu.dma_semaphore, #tpu.memory_space<semaphore_mem>>) src(%dma_wait3A_25 : memref<79x128xi32, #tpu.memory_space<hbm>>) dst(%arg8 : memref<79x128xi32, #tpu.memory_space<vmem>>)
      tpu.yield
    }) : () -> ()
    %barrier3A = arith.constant 0 : index
    tpu.barrier barrier_id(%barrier3A)
    %scan3A = arith.constant 0 : i32
    %scan3A_3 = arith.constant 79 : i32
    %scan3A_4 = arith.addi %scan3A, %scan3A_3 : i32
    %scan3A_5 = arith.constant 1 : i32
    scf.for %scan3A_12 = %scan3A to %scan3A_4 step %scan3A_5  : i32 {
      %mul3A_13 = arith.constant 1 : i32
      %mul3A_14 = arith.muli %scan3A_12, %mul3A_13 : i32
      %add3A_15 = arith.constant 0 : i32
      %add3A_16 = arith.addi %add3A_15, %mul3A_14 : i32
      %dma_start3A = arith.constant 0 : i32
      %dma_start3A_17 = tpu.memref_slice %arg7[%add3A_16, %dma_start3A] : memref<79x128xi32, #tpu.memory_space<vmem>> -> memref<1x128xi32, #tpu.memory_space<vmem>>
      %dma_start3A_18 = tpu.memref_squeeze %dma_start3A_17 : memref<1x128xi32, #tpu.memory_space<vmem>> -> memref<128xi32, #tpu.memory_space<vmem>>
      %dma_start3A_19 = arith.constant 0 : i32
      %dma_start3A_20 = arith.constant 0 : i32
      %dma_start3A_21 = tpu.memref_slice %arg2[%dma_start3A_19, %dma_start3A_20] : memref<10000x128xf32, #tpu.memory_space<hbm>> -> memref<10000x128xf32, #tpu.memory_space<hbm>>
      tpu.enqueue_indirect_dma source(%dma_start3A_21 : memref<10000x128xf32, #tpu.memory_space<hbm>>) target(%arg9 : memref<128x128xf32, #tpu.memory_space<vmem>>) offsets(%dma_start3A_18 : memref<128xi32, #tpu.memory_space<vmem>>) semaphore(%arg11 : memref<!tpu.dma_semaphore, #tpu.memory_space<semaphore_mem>>)
      %dma_wait3A = arith.constant 0 : i32
      %dma_wait3A_22 = tpu.memref_slice %arg7[%add3A_16, %dma_wait3A] : memref<79x128xi32, #tpu.memory_space<vmem>> -> memref<1x128xi32, #tpu.memory_space<vmem>>
      %dma_wait3A_23 = tpu.memref_squeeze %dma_wait3A_22 : memref<1x128xi32, #tpu.memory_space<vmem>> -> memref<128xi32, #tpu.memory_space<vmem>>
      %dma_wait3A_24 = arith.constant 0 : i32
      %dma_wait3A_25 = arith.constant 0 : i32
      %dma_wait3A_26 = tpu.memref_slice %arg2[%dma_wait3A_24, %dma_wait3A_25] : memref<10000x128xf32, #tpu.memory_space<hbm>> -> memref<10000x128xf32, #tpu.memory_space<hbm>>
      tpu.wait_indirect_dma semaphore(%arg11 : memref<!tpu.dma_semaphore, #tpu.memory_space<semaphore_mem>>) src(%dma_wait3A_26 : memref<10000x128xf32, #tpu.memory_space<hbm>>) dst(%arg9 : memref<128x128xf32, #tpu.memory_space<vmem>>)
      "tpu.region"() ({
        %run_scoped3A = tpu.sem_alloc : memref<!tpu.dma_semaphore, #tpu.memory_space<semaphore_mem>>
        %dma_start3A_27 = arith.constant 0 : i32
        %dma_start3A_28 = tpu.memref_slice %arg8[%add3A_16, %dma_start3A_27] : memref<79x128xi32, #tpu.memory_space<vmem>> -> memref<1x128xi32, #tpu.memory_space<vmem>>
        %dma_start3A_29 = tpu.memref_squeeze %dma_start3A_28 : memref<1x128xi32, #tpu.memory_space<vmem>> -> memref<128xi32, #tpu.memory_space<vmem>>
        %dma_start3A_30 = arith.constant 0 : i32
        %dma_start3A_31 = arith.constant 0 : i32
        %dma_start3A_32 = tpu.memref_slice %arg10[%dma_start3A_30, %dma_start3A_31] : memref<10112x128xf32, #tpu.memory_space<vmem_shared>> -> memref<10112x128xf32, #tpu.memory_space<vmem_shared>>
        tpu.enqueue_indirect_dma source(%arg9 : memref<128x128xf32, #tpu.memory_space<vmem>>) target(%dma_start3A_32 : memref<10112x128xf32, #tpu.memory_space<vmem_shared>>) offsets(%dma_start3A_29 : memref<128xi32, #tpu.memory_space<vmem>>) semaphore(%run_scoped3A : memref<!tpu.dma_semaphore, #tpu.memory_space<semaphore_mem>>) {add = true}
        %dma_wait3A_33 = arith.constant 0 : i32
        %dma_wait3A_34 = tpu.memref_slice %arg8[%add3A_16, %dma_wait3A_33] : memref<79x128xi32, #tpu.memory_space<vmem>> -> memref<1x128xi32, #tpu.memory_space<vmem>>
        %dma_wait3A_35 = tpu.memref_squeeze %dma_wait3A_34 : memref<1x128xi32, #tpu.memory_space<vmem>> -> memref<128xi32, #tpu.memory_space<vmem>>
        %dma_wait3A_36 = arith.constant 0 : i32
        %dma_wait3A_37 = arith.constant 0 : i32
        %dma_wait3A_38 = tpu.memref_slice %arg10[%dma_wait3A_36, %dma_wait3A_37] : memref<10112x128xf32, #tpu.memory_space<vmem_shared>> -> memref<10112x128xf32, #tpu.memory_space<vmem_shared>>
        tpu.wait_indirect_dma semaphore(%run_scoped3A : memref<!tpu.dma_semaphore, #tpu.memory_space<semaphore_mem>>) src(%arg9 : memref<128x128xf32, #tpu.memory_space<vmem>>) dst(%dma_wait3A_38 : memref<10112x128xf32, #tpu.memory_space<vmem_shared>>)
        tpu.yield
      }) : () -> ()
    }
    %scan3A_6 = arith.constant 79 : i32
    %barrier3A_7 = arith.constant 0 : index
    tpu.barrier barrier_id(%barrier3A_7)
    %mul3A_8 = arith.constant 632 : i32
    %mul3A_9 = arith.muli %arg1, %mul3A_8 : i32
    %mul3A_10 = arith.constant 632 : i32
    %mul3A_11 = arith.muli %arg1, %mul3A_10 : i32
    "tpu.region"() ({
      %run_scoped3A = tpu.sem_alloc : memref<!tpu.dma_semaphore, #tpu.memory_space<semaphore_mem>>
      %dma_start3A = arith.constant 0 : i32
      %dma_start3A_12 = tpu.memref_slice %arg6[%arg0, %mul3A_11, %dma_start3A] : memref<2x10112x128xf32, #tpu.memory_space<hbm>> -> memref<1x632x128xf32, #tpu.memory_space<hbm>>
      %dma_start3A_13 = tpu.memref_squeeze %dma_start3A_12 : memref<1x632x128xf32, #tpu.memory_space<hbm>> -> memref<632x128xf32, #tpu.memory_space<hbm>>
      %dma_start3A_14 = arith.constant 0 : i32
      %dma_start3A_15 = tpu.memref_slice %arg10[%mul3A_9, %dma_start3A_14] : memref<10112x128xf32, #tpu.memory_space<vmem_shared>> -> memref<632x128xf32, #tpu.memory_space<vmem_shared>>
      tpu.enqueue_dma source(%dma_start3A_15 : memref<632x128xf32, #tpu.memory_space<vmem_shared>>) target(%dma_start3A_13 : memref<632x128xf32, #tpu.memory_space<hbm>>) target_semaphore(%run_scoped3A : memref<!tpu.dma_semaphore, #tpu.memory_space<semaphore_mem>>)
      %dma_wait3A = arith.constant 0 : i32
      %dma_wait3A_16 = tpu.memref_slice %arg6[%arg0, %mul3A_11, %dma_wait3A] : memref<2x10112x128xf32, #tpu.memory_space<hbm>> -> memref<1x632x128xf32, #tpu.memory_space<hbm>>
      %dma_wait3A_17 = tpu.memref_squeeze %dma_wait3A_16 : memref<1x632x128xf32, #tpu.memory_space<hbm>> -> memref<632x128xf32, #tpu.memory_space<hbm>>
      %dma_wait3A_18 = arith.constant 0 : i32
      %dma_wait3A_19 = tpu.memref_slice %arg10[%mul3A_9, %dma_wait3A_18] : memref<10112x128xf32, #tpu.memory_space<vmem_shared>> -> memref<632x128xf32, #tpu.memory_space<vmem_shared>>
      tpu.wait_dma2 semaphore(%run_scoped3A : memref<!tpu.dma_semaphore, #tpu.memory_space<semaphore_mem>>) src(%dma_wait3A_19 : memref<632x128xf32, #tpu.memory_space<vmem_shared>>) dst(%dma_wait3A_17 : memref<632x128xf32, #tpu.memory_space<hbm>>)
      tpu.yield
    }) : () -> ()
    return
  }
}

#map = affine_map<(d0, d1) -> (0, 0)>
#map1 = affine_map<(d0, d1) -> (0, 0, 0)>
module attributes {stable_mosaic.version = 14 : i64} {
  func.func @body(%arg0: i32, %arg1: i32, %arg2: memref<10000x128xf32, #tpu.memory_space<hbm>>, %arg3: memref<32x79x128xi32, #tpu.memory_space<hbm>>, %arg4: memref<32x79x128xi32, #tpu.memory_space<hbm>>, %arg5: memref<632x128xf32, #tpu.memory_space<hbm>>, %arg6: memref<2x10112x128xf32, #tpu.memory_space<hbm>>, %arg7: memref<79x128xi32, #tpu.memory_space<vmem>>, %arg8: memref<79x128xi32, #tpu.memory_space<vmem>>, %arg9: memref<128x128xf32, #tpu.memory_space<vmem>>, %arg10: memref<10112x128xf32, #tpu.memory_space<vmem_shared>>, %arg11: memref<!tpu.dma_semaphore, #tpu.memory_space<semaphore_mem>>) attributes {dimension_semantics = [#tpu.dimension_semantics<core_parallel>, #tpu.dimension_semantics<subcore_parallel>], iteration_bounds = array<i64: 2, 16>, scalar_prefetch = 0 : i64, scratch_operands = 5 : i64, tpu.core_type = #tpu.core_type<sc_vector_subcore>, window_params = [{transform_indices = #map}, {transform_indices = #map1}, {transform_indices = #map1}, {transform_indices = #map}, {transform_indices = #map1}]} {
    %mul3A = arith.constant 2 : i32
    %mul3A_0 = arith.muli %arg1, %mul3A : i32
    %add3A = arith.addi %mul3A_0, %arg0 : i32
    %mul3A_1 = arith.constant 632 : i32
    %mul3A_2 = arith.muli %arg1, %mul3A_1 : i32
    "tpu.region"() ({
      %run_scoped3A = tpu.sem_alloc : memref<!tpu.dma_semaphore, #tpu.memory_space<semaphore_mem>>
      %dma_start3A = arith.constant 0 : i32
      %dma_start3A_12 = tpu.memref_slice %arg10[%mul3A_2, %dma_start3A] : memref<10112x128xf32, #tpu.memory_space<vmem_shared>> -> memref<632x128xf32, #tpu.memory_space<vmem_shared>>
      tpu.enqueue_dma source(%arg5 : memref<632x128xf32, #tpu.memory_space<hbm>>) target(%dma_start3A_12 : memref<632x128xf32, #tpu.memory_space<vmem_shared>>) target_semaphore(%run_scoped3A : memref<!tpu.dma_semaphore, #tpu.memory_space<semaphore_mem>>)
      %dma_wait3A = arith.constant 0 : i32
      %dma_wait3A_13 = tpu.memref_slice %arg10[%mul3A_2, %dma_wait3A] : memref<10112x128xf32, #tpu.memory_space<vmem_shared>> -> memref<632x128xf32, #tpu.memory_space<vmem_shared>>
      tpu.wait_dma2 semaphore(%run_scoped3A : memref<!tpu.dma_semaphore, #tpu.memory_space<semaphore_mem>>) src(%arg5 : memref<632x128xf32, #tpu.memory_space<hbm>>) dst(%dma_wait3A_13 : memref<632x128xf32, #tpu.memory_space<vmem_shared>>)
      tpu.yield
    }) : () -> ()
    "tpu.region"() ({
      %run_scoped3A = tpu.sem_alloc : memref<!tpu.dma_semaphore, #tpu.memory_space<semaphore_mem>>
      %dma_start3A = arith.constant 0 : i32
      %dma_start3A_12 = arith.constant 0 : i32
      %dma_start3A_13 = tpu.memref_slice %arg3[%add3A, %dma_start3A, %dma_start3A_12] : memref<32x79x128xi32, #tpu.memory_space<hbm>> -> memref<1x79x128xi32, #tpu.memory_space<hbm>>
      %dma_start3A_14 = tpu.memref_squeeze %dma_start3A_13 : memref<1x79x128xi32, #tpu.memory_space<hbm>> -> memref<79x128xi32, #tpu.memory_space<hbm>>
      %dma_start3A_15 = arith.constant 0 : i32
      %dma_start3A_16 = arith.constant 0 : i32
      %dma_start3A_17 = tpu.memref_slice %arg3[%add3A, %dma_start3A_15, %dma_start3A_16] : memref<32x79x128xi32, #tpu.memory_space<hbm>> -> memref<1x79x128xi32, #tpu.memory_space<hbm>>
      %dma_start3A_18 = tpu.memref_squeeze %dma_start3A_17 : memref<1x79x128xi32, #tpu.memory_space<hbm>> -> memref<79x128xi32, #tpu.memory_space<hbm>>
      tpu.enqueue_dma source(%dma_start3A_18 : memref<79x128xi32, #tpu.memory_space<hbm>>) target(%arg7 : memref<79x128xi32, #tpu.memory_space<vmem>>) target_semaphore(%run_scoped3A : memref<!tpu.dma_semaphore, #tpu.memory_space<semaphore_mem>>)
      %dma_wait3A = arith.constant 0 : i32
      %dma_wait3A_19 = arith.constant 0 : i32
      %dma_wait3A_20 = tpu.memref_slice %arg3[%add3A, %dma_wait3A, %dma_wait3A_19] : memref<32x79x128xi32, #tpu.memory_space<hbm>> -> memref<1x79x128xi32, #tpu.memory_space<hbm>>
      %dma_wait3A_21 = tpu.memref_squeeze %dma_wait3A_20 : memref<1x79x128xi32, #tpu.memory_space<hbm>> -> memref<79x128xi32, #tpu.memory_space<hbm>>
      %dma_wait3A_22 = arith.constant 0 : i32
      %dma_wait3A_23 = arith.constant 0 : i32
      %dma_wait3A_24 = tpu.memref_slice %arg3[%add3A, %dma_wait3A_22, %dma_wait3A_23] : memref<32x79x128xi32, #tpu.memory_space<hbm>> -> memref<1x79x128xi32, #tpu.memory_space<hbm>>
      %dma_wait3A_25 = tpu.memref_squeeze %dma_wait3A_24 : memref<1x79x128xi32, #tpu.memory_space<hbm>> -> memref<79x128xi32, #tpu.memory_space<hbm>>
      tpu.wait_dma2 semaphore(%run_scoped3A : memref<!tpu.dma_semaphore, #tpu.memory_space<semaphore_mem>>) src(%dma_wait3A_25 : memref<79x128xi32, #tpu.memory_space<hbm>>) dst(%arg7 : memref<79x128xi32, #tpu.memory_space<vmem>>)
      tpu.yield
    }) : () -> ()
    "tpu.region"() ({
      %run_scoped3A = tpu.sem_alloc : memref<!tpu.dma_semaphore, #tpu.memory_space<semaphore_mem>>
      %dma_start3A = arith.constant 0 : i32
      %dma_start3A_12 = arith.constant 0 : i32
      %dma_start3A_13 = tpu.memref_slice %arg4[%add3A, %dma_start3A, %dma_start3A_12] : memref<32x79x128xi32, #tpu.memory_space<hbm>> -> memref<1x79x128xi32, #tpu.memory_space<hbm>>
      %dma_start3A_14 = tpu.memref_squeeze %dma_start3A_13 : memref<1x79x128xi32, #tpu.memory_space<hbm>> -> memref<79x128xi32, #tpu.memory_space<hbm>>
      %dma_start3A_15 = arith.constant 0 : i32
      %dma_start3A_16 = arith.constant 0 : i32
      %dma_start3A_17 = tpu.memref_slice %arg4[%add3A, %dma_start3A_15, %dma_start3A_16] : memref<32x79x128xi32, #tpu.memory_space<hbm>> -> memref<1x79x128xi32, #tpu.memory_space<hbm>>
      %dma_start3A_18 = tpu.memref_squeeze %dma_start3A_17 : memref<1x79x128xi32, #tpu.memory_space<hbm>> -> memref<79x128xi32, #tpu.memory_space<hbm>>
      tpu.enqueue_dma source(%dma_start3A_18 : memref<79x128xi32, #tpu.memory_space<hbm>>) target(%arg8 : memref<79x128xi32, #tpu.memory_space<vmem>>) target_semaphore(%run_scoped3A : memref<!tpu.dma_semaphore, #tpu.memory_space<semaphore_mem>>)
      %dma_wait3A = arith.constant 0 : i32
      %dma_wait3A_19 = arith.constant 0 : i32
      %dma_wait3A_20 = tpu.memref_slice %arg4[%add3A, %dma_wait3A, %dma_wait3A_19] : memref<32x79x128xi32, #tpu.memory_space<hbm>> -> memref<1x79x128xi32, #tpu.memory_space<hbm>>
      %dma_wait3A_21 = tpu.memref_squeeze %dma_wait3A_20 : memref<1x79x128xi32, #tpu.memory_space<hbm>> -> memref<79x128xi32, #tpu.memory_space<hbm>>
      %dma_wait3A_22 = arith.constant 0 : i32
      %dma_wait3A_23 = arith.constant 0 : i32
      %dma_wait3A_24 = tpu.memref_slice %arg4[%add3A, %dma_wait3A_22, %dma_wait3A_23] : memref<32x79x128xi32, #tpu.memory_space<hbm>> -> memref<1x79x128xi32, #tpu.memory_space<hbm>>
      %dma_wait3A_25 = tpu.memref_squeeze %dma_wait3A_24 : memref<1x79x128xi32, #tpu.memory_space<hbm>> -> memref<79x128xi32, #tpu.memory_space<hbm>>
      tpu.wait_dma2 semaphore(%run_scoped3A : memref<!tpu.dma_semaphore, #tpu.memory_space<semaphore_mem>>) src(%dma_wait3A_25 : memref<79x128xi32, #tpu.memory_space<hbm>>) dst(%arg8 : memref<79x128xi32, #tpu.memory_space<vmem>>)
      tpu.yield
    }) : () -> ()
    %barrier3A = arith.constant 0 : index
    tpu.barrier barrier_id(%barrier3A)
    %scan3A = arith.constant 0 : i32
    %scan3A_3 = arith.constant 79 : i32
    %scan3A_4 = arith.addi %scan3A, %scan3A_3 : i32
    %scan3A_5 = arith.constant 1 : i32
    scf.for %scan3A_12 = %scan3A to %scan3A_4 step %scan3A_5  : i32 {
      %mul3A_13 = arith.constant 1 : i32
      %mul3A_14 = arith.muli %scan3A_12, %mul3A_13 : i32
      %add3A_15 = arith.constant 0 : i32
      %add3A_16 = arith.addi %add3A_15, %mul3A_14 : i32
      %dma_start3A = arith.constant 0 : i32
      %dma_start3A_17 = tpu.memref_slice %arg7[%add3A_16, %dma_start3A] : memref<79x128xi32, #tpu.memory_space<vmem>> -> memref<1x128xi32, #tpu.memory_space<vmem>>
      %dma_start3A_18 = tpu.memref_squeeze %dma_start3A_17 : memref<1x128xi32, #tpu.memory_space<vmem>> -> memref<128xi32, #tpu.memory_space<vmem>>
      %dma_start3A_19 = arith.constant 0 : i32
      %dma_start3A_20 = arith.constant 0 : i32
      %dma_start3A_21 = tpu.memref_slice %arg2[%dma_start3A_19, %dma_start3A_20] : memref<10000x128xf32, #tpu.memory_space<hbm>> -> memref<10000x128xf32, #tpu.memory_space<hbm>>
      tpu.enqueue_indirect_dma source(%dma_start3A_21 : memref<10000x128xf32, #tpu.memory_space<hbm>>) target(%arg9 : memref<128x128xf32, #tpu.memory_space<vmem>>) offsets(%dma_start3A_18 : memref<128xi32, #tpu.memory_space<vmem>>) semaphore(%arg11 : memref<!tpu.dma_semaphore, #tpu.memory_space<semaphore_mem>>)
      %dma_wait3A = arith.constant 0 : i32
      %dma_wait3A_22 = tpu.memref_slice %arg7[%add3A_16, %dma_wait3A] : memref<79x128xi32, #tpu.memory_space<vmem>> -> memref<1x128xi32, #tpu.memory_space<vmem>>
      %dma_wait3A_23 = tpu.memref_squeeze %dma_wait3A_22 : memref<1x128xi32, #tpu.memory_space<vmem>> -> memref<128xi32, #tpu.memory_space<vmem>>
      %dma_wait3A_24 = arith.constant 0 : i32
      %dma_wait3A_25 = arith.constant 0 : i32
      %dma_wait3A_26 = tpu.memref_slice %arg2[%dma_wait3A_24, %dma_wait3A_25] : memref<10000x128xf32, #tpu.memory_space<hbm>> -> memref<10000x128xf32, #tpu.memory_space<hbm>>
      tpu.wait_indirect_dma semaphore(%arg11 : memref<!tpu.dma_semaphore, #tpu.memory_space<semaphore_mem>>) src(%dma_wait3A_26 : memref<10000x128xf32, #tpu.memory_space<hbm>>) dst(%arg9 : memref<128x128xf32, #tpu.memory_space<vmem>>)
      "tpu.region"() ({
        %run_scoped3A = tpu.sem_alloc : memref<!tpu.dma_semaphore, #tpu.memory_space<semaphore_mem>>
        %dma_start3A_27 = arith.constant 0 : i32
        %dma_start3A_28 = tpu.memref_slice %arg8[%add3A_16, %dma_start3A_27] : memref<79x128xi32, #tpu.memory_space<vmem>> -> memref<1x128xi32, #tpu.memory_space<vmem>>
        %dma_start3A_29 = tpu.memref_squeeze %dma_start3A_28 : memref<1x128xi32, #tpu.memory_space<vmem>> -> memref<128xi32, #tpu.memory_space<vmem>>
        %dma_start3A_30 = arith.constant 0 : i32
        %dma_start3A_31 = arith.constant 0 : i32
        %dma_start3A_32 = tpu.memref_slice %arg10[%dma_start3A_30, %dma_start3A_31] : memref<10112x128xf32, #tpu.memory_space<vmem_shared>> -> memref<10112x128xf32, #tpu.memory_space<vmem_shared>>
        tpu.enqueue_indirect_dma source(%arg9 : memref<128x128xf32, #tpu.memory_space<vmem>>) target(%dma_start3A_32 : memref<10112x128xf32, #tpu.memory_space<vmem_shared>>) offsets(%dma_start3A_29 : memref<128xi32, #tpu.memory_space<vmem>>) semaphore(%run_scoped3A : memref<!tpu.dma_semaphore, #tpu.memory_space<semaphore_mem>>) {add = true}
        %dma_wait3A_33 = arith.constant 0 : i32
        %dma_wait3A_34 = tpu.memref_slice %arg8[%add3A_16, %dma_wait3A_33] : memref<79x128xi32, #tpu.memory_space<vmem>> -> memref<1x128xi32, #tpu.memory_space<vmem>>
        %dma_wait3A_35 = tpu.memref_squeeze %dma_wait3A_34 : memref<1x128xi32, #tpu.memory_space<vmem>> -> memref<128xi32, #tpu.memory_space<vmem>>
        %dma_wait3A_36 = arith.constant 0 : i32
        %dma_wait3A_37 = arith.constant 0 : i32
        %dma_wait3A_38 = tpu.memref_slice %arg10[%dma_wait3A_36, %dma_wait3A_37] : memref<10112x128xf32, #tpu.memory_space<vmem_shared>> -> memref<10112x128xf32, #tpu.memory_space<vmem_shared>>
        tpu.wait_indirect_dma semaphore(%run_scoped3A : memref<!tpu.dma_semaphore, #tpu.memory_space<semaphore_mem>>) src(%arg9 : memref<128x128xf32, #tpu.memory_space<vmem>>) dst(%dma_wait3A_38 : memref<10112x128xf32, #tpu.memory_space<vmem_shared>>)
        tpu.yield
      }) : () -> ()
    }
    %scan3A_6 = arith.constant 79 : i32
    %barrier3A_7 = arith.constant 0 : index
    tpu.barrier barrier_id(%barrier3A_7)
    %mul3A_8 = arith.constant 632 : i32
    %mul3A_9 = arith.muli %arg1, %mul3A_8 : i32
    %mul3A_10 = arith.constant 632 : i32
    %mul3A_11 = arith.muli %arg1, %mul3A_10 : i32
    "tpu.region"() ({
      %run_scoped3A = tpu.sem_alloc : memref<!tpu.dma_semaphore, #tpu.memory_space<semaphore_mem>>
      %dma_start3A = arith.constant 0 : i32
      %dma_start3A_12 = tpu.memref_slice %arg6[%arg0, %mul3A_11, %dma_start3A] : memref<2x10112x128xf32, #tpu.memory_space<hbm>> -> memref<1x632x128xf32, #tpu.memory_space<hbm>>
      %dma_start3A_13 = tpu.memref_squeeze %dma_start3A_12 : memref<1x632x128xf32, #tpu.memory_space<hbm>> -> memref<632x128xf32, #tpu.memory_space<hbm>>
      %dma_start3A_14 = arith.constant 0 : i32
      %dma_start3A_15 = tpu.memref_slice %arg10[%mul3A_9, %dma_start3A_14] : memref<10112x128xf32, #tpu.memory_space<vmem_shared>> -> memref<632x128xf32, #tpu.memory_space<vmem_shared>>
      tpu.enqueue_dma source(%dma_start3A_15 : memref<632x128xf32, #tpu.memory_space<vmem_shared>>) target(%dma_start3A_13 : memref<632x128xf32, #tpu.memory_space<hbm>>) target_semaphore(%run_scoped3A : memref<!tpu.dma_semaphore, #tpu.memory_space<semaphore_mem>>)
      %dma_wait3A = arith.constant 0 : i32
      %dma_wait3A_16 = tpu.memref_slice %arg6[%arg0, %mul3A_11, %dma_wait3A] : memref<2x10112x128xf32, #tpu.memory_space<hbm>> -> memref<1x632x128xf32, #tpu.memory_space<hbm>>
      %dma_wait3A_17 = tpu.memref_squeeze %dma_wait3A_16 : memref<1x632x128xf32, #tpu.memory_space<hbm>> -> memref<632x128xf32, #tpu.memory_space<hbm>>
      %dma_wait3A_18 = arith.constant 0 : i32
      %dma_wait3A_19 = tpu.memref_slice %arg10[%mul3A_9, %dma_wait3A_18] : memref<10112x128xf32, #tpu.memory_space<vmem_shared>> -> memref<632x128xf32, #tpu.memory_space<vmem_shared>>
      tpu.wait_dma2 semaphore(%run_scoped3A : memref<!tpu.dma_semaphore, #tpu.memory_space<semaphore_mem>>) src(%dma_wait3A_19 : memref<632x128xf32, #tpu.memory_space<vmem_shared>>) dst(%dma_wait3A_17 : memref<632x128xf32, #tpu.memory_space<hbm>>)
      tpu.yield
    }) : () -> ()
    return
  }
}

module attributes {stable_mosaic.version = 14 : i64} {
  func.func @_layer_body(%arg0: i32, %arg1: memref<2x2000x128xf32, #tpu.memory_space<vmem>>, %arg2: memref<2x2000x128xf32, #tpu.memory_space<vmem>>, %arg3: memref<2000x128xf32, #tpu.memory_space<vmem>>, %arg4: memref<128x128xf32, #tpu.memory_space<vmem>>, %arg5: memref<1x128xf32, #tpu.memory_space<vmem>>, %arg6: memref<128x128xf32, #tpu.memory_space<vmem>>, %arg7: memref<1x128xf32, #tpu.memory_space<vmem>>, %arg8: memref<1x128xf32, #tpu.memory_space<vmem>>, %arg9: memref<2000x128xf32, #tpu.memory_space<vmem>>) attributes {dimension_semantics = [#tpu.dimension_semantics<arbitrary>], iteration_bounds = array<i64: 5>, scalar_prefetch = 0 : i64, scratch_operands = 0 : i64, tpu.core_type = #tpu.core_type<tc>, window_params = [{transform_indices = @transform_0, window_bounds = array<i64: 2, 2000, 128>}, {transform_indices = @transform_1, window_bounds = array<i64: 2, 2000, 128>}, {transform_indices = @transform_2, window_bounds = array<i64: 2000, 128>}, {pipeline_mode = #tpu.pipeline_mode<synchronous>, transform_indices = @transform_3, window_bounds = array<i64: 128, 128>}, {pipeline_mode = #tpu.pipeline_mode<synchronous>, transform_indices = @transform_4, window_bounds = array<i64: 1, 128>}, {pipeline_mode = #tpu.pipeline_mode<synchronous>, transform_indices = @transform_5, window_bounds = array<i64: 128, 128>}, {pipeline_mode = #tpu.pipeline_mode<synchronous>, transform_indices = @transform_6, window_bounds = array<i64: 1, 128>}, {pipeline_mode = #tpu.pipeline_mode<synchronous>, transform_indices = @transform_7, window_bounds = array<i64: 1, 128>}, {transform_indices = @transform_8, window_bounds = array<i64: 2000, 128>}]} {
    %get3A = arith.constant 0 : index
    %get3A_0 = arith.constant 0 : index
    %get3A_1 = arith.constant 0 : index
    %get3A_2 = vector.load %arg1[%get3A, %get3A_0, %get3A_1] : memref<2x2000x128xf32, #tpu.memory_space<vmem>>, vector<1x2000x128xf32>
    %get3A_3 = vector.shape_cast %get3A_2 : vector<1x2000x128xf32> to vector<2000x128xf32>
    %get3A_4 = arith.constant 1 : index
    %get3A_5 = arith.constant 0 : index
    %get3A_6 = arith.constant 0 : index
    %get3A_7 = vector.load %arg1[%get3A_4, %get3A_5, %get3A_6] : memref<2x2000x128xf32, #tpu.memory_space<vmem>>, vector<1x2000x128xf32>
    %get3A_8 = vector.shape_cast %get3A_7 : vector<1x2000x128xf32> to vector<2000x128xf32>
    %add3A = arith.addf %get3A_3, %get3A_8 : vector<2000x128xf32>
    %get3A_9 = arith.constant 0 : index
    %get3A_10 = arith.constant 0 : index
    %get3A_11 = arith.constant 0 : index
    %get3A_12 = vector.load %arg2[%get3A_9, %get3A_10, %get3A_11] : memref<2x2000x128xf32, #tpu.memory_space<vmem>>, vector<1x2000x1xf32>
    %get3A_13 = vector.shape_cast %get3A_12 : vector<1x2000x1xf32> to vector<2000x1xf32>
    %get3A_14 = arith.constant 1 : index
    %get3A_15 = arith.constant 0 : index
    %get3A_16 = arith.constant 0 : index
    %get3A_17 = vector.load %arg2[%get3A_14, %get3A_15, %get3A_16] : memref<2x2000x128xf32, #tpu.memory_space<vmem>>, vector<1x2000x1xf32>
    %get3A_18 = vector.shape_cast %get3A_17 : vector<1x2000x1xf32> to vector<2000x1xf32>
    %add3A_19 = arith.addf %get3A_13, %get3A_18 : vector<2000x1xf32>
    %max3A = arith.constant 1.000000e+00 : f32
    %max3A_20 = vector.broadcast %max3A : f32 to vector<2000x1xf32>
    %max3A_21 = arith.maximumf %add3A_19, %max3A_20 : vector<2000x1xf32>
    %div3A = arith.constant 1.000000e+00 : f32
    %div3A_22 = vector.broadcast %div3A : f32 to vector<2000x1xf32>
    %div3A_23 = arith.divf %div3A_22, %max3A_21 : vector<2000x1xf32>
    %mul3A = arith.mulf %max3A_21, %div3A_23 : vector<2000x1xf32>
    %sub3A = arith.constant 2.000000e+00 : f32
    %sub3A_24 = vector.broadcast %sub3A : f32 to vector<2000x1xf32>
    %sub3A_25 = arith.subf %sub3A_24, %mul3A : vector<2000x1xf32>
    %mul3A_26 = arith.mulf %div3A_23, %sub3A_25 : vector<2000x1xf32>
    %mul3A_27 = vector.broadcast %mul3A_26 : vector<2000x1xf32> to vector<2000x128xf32>
    %mul3A_28 = arith.mulf %add3A, %mul3A_27 : vector<2000x128xf32>
    %get3A_29 = arith.constant 0 : index
    %get3A_30 = arith.constant 0 : index
    %get3A_31 = vector.load %arg4[%get3A_29, %get3A_30] : memref<128x128xf32, #tpu.memory_space<vmem>>, vector<128x128xf32>
    %convert_element_type3A = arith.truncf %mul3A_28 : vector<2000x128xf32> to vector<2000x128xbf16>
    %convert_element_type3A_32 = arith.truncf %get3A_31 : vector<128x128xf32> to vector<128x128xbf16>
    %dot_general3A = arith.constant dense<0.000000e+00> : vector<2000x128xf32>
    %dot_general3A_33 = tpu.matmul %convert_element_type3A, %convert_element_type3A_32, %dot_general3A {dimension_numbers = #tpu.dot_dimension_numbers<[1], [1], [0], [0], [0, 0, 1, 0], [], []>, transpose_lhs_hint = false} : vector<2000x128xbf16>, vector<128x128xbf16>, vector<2000x128xf32> -> vector<2000x128xf32>
    %get3A_34 = arith.constant 0 : index
    %get3A_35 = arith.constant 0 : index
    %get3A_36 = vector.load %arg5[%get3A_34, %get3A_35] : memref<1x128xf32, #tpu.memory_space<vmem>>, vector<1x128xf32>
    %add3A_37 = vector.broadcast %get3A_36 : vector<1x128xf32> to vector<2000x128xf32>
    %add3A_38 = arith.addf %dot_general3A_33, %add3A_37 : vector<2000x128xf32>
    %get3A_39 = arith.constant 0 : index
    %get3A_40 = arith.constant 0 : index
    %get3A_41 = vector.load %arg3[%get3A_39, %get3A_40] : memref<2000x128xf32, #tpu.memory_space<vmem>>, vector<2000x128xf32>
    %get3A_42 = arith.constant 0 : index
    %get3A_43 = arith.constant 0 : index
    %get3A_44 = vector.load %arg6[%get3A_42, %get3A_43] : memref<128x128xf32, #tpu.memory_space<vmem>>, vector<128x128xf32>
    %convert_element_type3A_45 = arith.truncf %get3A_41 : vector<2000x128xf32> to vector<2000x128xbf16>
    %convert_element_type3A_46 = arith.truncf %get3A_44 : vector<128x128xf32> to vector<128x128xbf16>
    %dot_general3A_47 = arith.constant dense<0.000000e+00> : vector<2000x128xf32>
    %dot_general3A_48 = tpu.matmul %convert_element_type3A_45, %convert_element_type3A_46, %dot_general3A_47 {dimension_numbers = #tpu.dot_dimension_numbers<[1], [1], [0], [0], [0, 0, 1, 0], [], []>, transpose_lhs_hint = false} : vector<2000x128xbf16>, vector<128x128xbf16>, vector<2000x128xf32> -> vector<2000x128xf32>
    %add3A_49 = arith.addf %add3A_38, %dot_general3A_48 : vector<2000x128xf32>
    %max3A_50 = arith.constant 0.000000e+00 : f32
    %max3A_51 = vector.broadcast %max3A_50 : f32 to vector<2000x128xf32>
    %max3A_52 = arith.maximumf %add3A_49, %max3A_51 : vector<2000x128xf32>
    %reduce_sum3A = arith.constant dense<0.000000e+00> : vector<2000xf32>
    %reduce_sum3A_53 = vector.multi_reduction <add>, %max3A_52, %reduce_sum3A [1] : vector<2000x128xf32> to vector<2000xf32>
    %broadcast_in_dim3A = vector.shape_cast %reduce_sum3A_53 : vector<2000xf32> to vector<2000x1xf32>
    %div3A_54 = arith.constant 1.280000e+02 : f32
    %div3A_55 = vector.broadcast %div3A_54 : f32 to vector<2000x1xf32>
    %div3A_56 = arith.divf %broadcast_in_dim3A, %div3A_55 : vector<2000x1xf32>
    %sub3A_57 = vector.broadcast %div3A_56 : vector<2000x1xf32> to vector<2000x128xf32>
    %sub3A_58 = arith.subf %max3A_52, %sub3A_57 : vector<2000x128xf32>
    %sub3A_59 = vector.broadcast %div3A_56 : vector<2000x1xf32> to vector<2000x128xf32>
    %sub3A_60 = arith.subf %max3A_52, %sub3A_59 : vector<2000x128xf32>
    %mul3A_61 = arith.mulf %sub3A_58, %sub3A_60 : vector<2000x128xf32>
    %reduce_sum3A_62 = arith.constant dense<0.000000e+00> : vector<2000xf32>
    %reduce_sum3A_63 = vector.multi_reduction <add>, %mul3A_61, %reduce_sum3A_62 [1] : vector<2000x128xf32> to vector<2000xf32>
    %broadcast_in_dim3A_64 = vector.shape_cast %reduce_sum3A_63 : vector<2000xf32> to vector<2000x1xf32>
    %div3A_65 = arith.constant 1.280000e+02 : f32
    %div3A_66 = vector.broadcast %div3A_65 : f32 to vector<2000x1xf32>
    %div3A_67 = arith.divf %broadcast_in_dim3A_64, %div3A_66 : vector<2000x1xf32>
    %sub3A_68 = vector.broadcast %div3A_56 : vector<2000x1xf32> to vector<2000x128xf32>
    %sub3A_69 = arith.subf %max3A_52, %sub3A_68 : vector<2000x128xf32>
    %add3A_70 = arith.constant 9.99999974E-6 : f32
    %add3A_71 = vector.broadcast %add3A_70 : f32 to vector<2000x1xf32>
    %add3A_72 = arith.addf %div3A_67, %add3A_71 : vector<2000x1xf32>
    %sqrt3A = math.sqrt %add3A_72 : vector<2000x1xf32>
    %div3A_73 = vector.broadcast %sqrt3A : vector<2000x1xf32> to vector<2000x128xf32>
    %div3A_74 = arith.divf %sub3A_69, %div3A_73 : vector<2000x128xf32>
    %get3A_75 = arith.constant 0 : index
    %get3A_76 = arith.constant 0 : index
    %get3A_77 = vector.load %arg7[%get3A_75, %get3A_76] : memref<1x128xf32, #tpu.memory_space<vmem>>, vector<1x128xf32>
    %mul3A_78 = vector.broadcast %get3A_77 : vector<1x128xf32> to vector<2000x128xf32>
    %mul3A_79 = arith.mulf %div3A_74, %mul3A_78 : vector<2000x128xf32>
    %get3A_80 = arith.constant 0 : index
    %get3A_81 = arith.constant 0 : index
    %get3A_82 = vector.load %arg8[%get3A_80, %get3A_81] : memref<1x128xf32, #tpu.memory_space<vmem>>, vector<1x128xf32>
    %add3A_83 = vector.broadcast %get3A_82 : vector<1x128xf32> to vector<2000x128xf32>
    %add3A_84 = arith.addf %mul3A_79, %add3A_83 : vector<2000x128xf32>
    %swap3A = arith.constant 0 : index
    %swap3A_85 = arith.constant 0 : index
    %swap3A_86 = vector.load %arg9[%swap3A, %swap3A_85] : memref<2000x128xf32, #tpu.memory_space<vmem>>, vector<2000x128xf32>
    tpu.vector_store %arg9[%swap3A, %swap3A_85], %add3A_84 {strides = array<i32>} : memref<2000x128xf32, #tpu.memory_space<vmem>>, vector<2000x128xf32>,
    return
  }
  func.func @transform_0(%arg0: i32) -> (i32, i32, i32) {
    %c0_i32 = arith.constant 0 : i32
    %c0_i32_0 = arith.constant 0 : i32
    %c0_i32_1 = arith.constant 0 : i32
    return %c0_i32, %arg0, %c0_i32_0 : i32, i32, i32
  }
  func.func @transform_1(%arg0: i32) -> (i32, i32, i32) {
    %c0_i32 = arith.constant 0 : i32
    %c0_i32_0 = arith.constant 0 : i32
    %c0_i32_1 = arith.constant 0 : i32
    return %c0_i32, %arg0, %c0_i32_0 : i32, i32, i32
  }
  func.func @transform_2(%arg0: i32) -> (i32, i32) {
    %c0_i32 = arith.constant 0 : i32
    %c0_i32_0 = arith.constant 0 : i32
    return %arg0, %c0_i32 : i32, i32
  }
  func.func @transform_3(%arg0: i32) -> (i32, i32) {
    %c0_i32 = arith.constant 0 : i32
    %c0_i32_0 = arith.constant 0 : i32
    %c0_i32_1 = arith.constant 0 : i32
    return %c0_i32, %c0_i32_0 : i32, i32
  }
  func.func @transform_4(%arg0: i32) -> (i32, i32) {
    %c0_i32 = arith.constant 0 : i32
    %c0_i32_0 = arith.constant 0 : i32
    %c0_i32_1 = arith.constant 0 : i32
    return %c0_i32, %c0_i32_0 : i32, i32
  }
  func.func @transform_5(%arg0: i32) -> (i32, i32) {
    %c0_i32 = arith.constant 0 : i32
    %c0_i32_0 = arith.constant 0 : i32
    %c0_i32_1 = arith.constant 0 : i32
    return %c0_i32, %c0_i32_0 : i32, i32
  }
  func.func @transform_6(%arg0: i32) -> (i32, i32) {
    %c0_i32 = arith.constant 0 : i32
    %c0_i32_0 = arith.constant 0 : i32
    %c0_i32_1 = arith.constant 0 : i32
    return %c0_i32, %c0_i32_0 : i32, i32
  }
  func.func @transform_7(%arg0: i32) -> (i32, i32) {
    %c0_i32 = arith.constant 0 : i32
    %c0_i32_0 = arith.constant 0 : i32
    %c0_i32_1 = arith.constant 0 : i32
    return %c0_i32, %c0_i32_0 : i32, i32
  }
  func.func @transform_8(%arg0: i32) -> (i32, i32) {
    %c0_i32 = arith.constant 0 : i32
    %c0_i32_0 = arith.constant 0 : i32
    return %arg0, %c0_i32 : i32, i32
  }
}

module attributes {stable_mosaic.version = 14 : i64} {
  func.func @_layer_body(%arg0: i32, %arg1: memref<2x2000x128xf32, #tpu.memory_space<vmem>>, %arg2: memref<2x2000x128xf32, #tpu.memory_space<vmem>>, %arg3: memref<2000x128xf32, #tpu.memory_space<vmem>>, %arg4: memref<128x128xf32, #tpu.memory_space<vmem>>, %arg5: memref<1x128xf32, #tpu.memory_space<vmem>>, %arg6: memref<128x128xf32, #tpu.memory_space<vmem>>, %arg7: memref<1x128xf32, #tpu.memory_space<vmem>>, %arg8: memref<1x128xf32, #tpu.memory_space<vmem>>, %arg9: memref<128x128xf32, #tpu.memory_space<vmem>>, %arg10: memref<1x128xf32, #tpu.memory_space<vmem>>, %arg11: memref<2000x128xf32, #tpu.memory_space<vmem>>) attributes {dimension_semantics = [#tpu.dimension_semantics<arbitrary>], iteration_bounds = array<i64: 5>, scalar_prefetch = 0 : i64, scratch_operands = 0 : i64, tpu.core_type = #tpu.core_type<tc>, window_params = [{transform_indices = @transform_0, window_bounds = array<i64: 2, 2000, 128>}, {transform_indices = @transform_1, window_bounds = array<i64: 2, 2000, 128>}, {transform_indices = @transform_2, window_bounds = array<i64: 2000, 128>}, {pipeline_mode = #tpu.pipeline_mode<synchronous>, transform_indices = @transform_3, window_bounds = array<i64: 128, 128>}, {pipeline_mode = #tpu.pipeline_mode<synchronous>, transform_indices = @transform_4, window_bounds = array<i64: 1, 128>}, {pipeline_mode = #tpu.pipeline_mode<synchronous>, transform_indices = @transform_5, window_bounds = array<i64: 128, 128>}, {pipeline_mode = #tpu.pipeline_mode<synchronous>, transform_indices = @transform_6, window_bounds = array<i64: 1, 128>}, {pipeline_mode = #tpu.pipeline_mode<synchronous>, transform_indices = @transform_7, window_bounds = array<i64: 1, 128>}, {pipeline_mode = #tpu.pipeline_mode<synchronous>, transform_indices = @transform_8, window_bounds = array<i64: 128, 128>}, {pipeline_mode = #tpu.pipeline_mode<synchronous>, transform_indices = @transform_9, window_bounds = array<i64: 1, 128>}, {transform_indices = @transform_10, window_bounds = array<i64: 2000, 128>}]} {
    %get3A = arith.constant 0 : index
    %get3A_0 = arith.constant 0 : index
    %get3A_1 = arith.constant 0 : index
    %get3A_2 = vector.load %arg1[%get3A, %get3A_0, %get3A_1] : memref<2x2000x128xf32, #tpu.memory_space<vmem>>, vector<1x2000x128xf32>
    %get3A_3 = vector.shape_cast %get3A_2 : vector<1x2000x128xf32> to vector<2000x128xf32>
    %get3A_4 = arith.constant 1 : index
    %get3A_5 = arith.constant 0 : index
    %get3A_6 = arith.constant 0 : index
    %get3A_7 = vector.load %arg1[%get3A_4, %get3A_5, %get3A_6] : memref<2x2000x128xf32, #tpu.memory_space<vmem>>, vector<1x2000x128xf32>
    %get3A_8 = vector.shape_cast %get3A_7 : vector<1x2000x128xf32> to vector<2000x128xf32>
    %add3A = arith.addf %get3A_3, %get3A_8 : vector<2000x128xf32>
    %get3A_9 = arith.constant 0 : index
    %get3A_10 = arith.constant 0 : index
    %get3A_11 = arith.constant 0 : index
    %get3A_12 = vector.load %arg2[%get3A_9, %get3A_10, %get3A_11] : memref<2x2000x128xf32, #tpu.memory_space<vmem>>, vector<1x2000x1xf32>
    %get3A_13 = vector.shape_cast %get3A_12 : vector<1x2000x1xf32> to vector<2000x1xf32>
    %get3A_14 = arith.constant 1 : index
    %get3A_15 = arith.constant 0 : index
    %get3A_16 = arith.constant 0 : index
    %get3A_17 = vector.load %arg2[%get3A_14, %get3A_15, %get3A_16] : memref<2x2000x128xf32, #tpu.memory_space<vmem>>, vector<1x2000x1xf32>
    %get3A_18 = vector.shape_cast %get3A_17 : vector<1x2000x1xf32> to vector<2000x1xf32>
    %add3A_19 = arith.addf %get3A_13, %get3A_18 : vector<2000x1xf32>
    %max3A = arith.constant 1.000000e+00 : f32
    %max3A_20 = vector.broadcast %max3A : f32 to vector<2000x1xf32>
    %max3A_21 = arith.maximumf %add3A_19, %max3A_20 : vector<2000x1xf32>
    %div3A = arith.constant 1.000000e+00 : f32
    %div3A_22 = vector.broadcast %div3A : f32 to vector<2000x1xf32>
    %div3A_23 = arith.divf %div3A_22, %max3A_21 : vector<2000x1xf32>
    %mul3A = arith.mulf %max3A_21, %div3A_23 : vector<2000x1xf32>
    %sub3A = arith.constant 2.000000e+00 : f32
    %sub3A_24 = vector.broadcast %sub3A : f32 to vector<2000x1xf32>
    %sub3A_25 = arith.subf %sub3A_24, %mul3A : vector<2000x1xf32>
    %mul3A_26 = arith.mulf %div3A_23, %sub3A_25 : vector<2000x1xf32>
    %mul3A_27 = vector.broadcast %mul3A_26 : vector<2000x1xf32> to vector<2000x128xf32>
    %mul3A_28 = arith.mulf %add3A, %mul3A_27 : vector<2000x128xf32>
    %get3A_29 = arith.constant 0 : index
    %get3A_30 = arith.constant 0 : index
    %get3A_31 = vector.load %arg4[%get3A_29, %get3A_30] : memref<128x128xf32, #tpu.memory_space<vmem>>, vector<128x128xf32>
    %convert_element_type3A = arith.truncf %mul3A_28 : vector<2000x128xf32> to vector<2000x128xbf16>
    %convert_element_type3A_32 = arith.truncf %get3A_31 : vector<128x128xf32> to vector<128x128xbf16>
    %dot_general3A = arith.constant dense<0.000000e+00> : vector<2000x128xf32>
    %dot_general3A_33 = tpu.matmul %convert_element_type3A, %convert_element_type3A_32, %dot_general3A {dimension_numbers = #tpu.dot_dimension_numbers<[1], [1], [0], [0], [0, 0, 1, 0], [], []>, transpose_lhs_hint = false} : vector<2000x128xbf16>, vector<128x128xbf16>, vector<2000x128xf32> -> vector<2000x128xf32>
    %get3A_34 = arith.constant 0 : index
    %get3A_35 = arith.constant 0 : index
    %get3A_36 = vector.load %arg5[%get3A_34, %get3A_35] : memref<1x128xf32, #tpu.memory_space<vmem>>, vector<1x128xf32>
    %add3A_37 = vector.broadcast %get3A_36 : vector<1x128xf32> to vector<2000x128xf32>
    %add3A_38 = arith.addf %dot_general3A_33, %add3A_37 : vector<2000x128xf32>
    %get3A_39 = arith.constant 0 : index
    %get3A_40 = arith.constant 0 : index
    %get3A_41 = vector.load %arg3[%get3A_39, %get3A_40] : memref<2000x128xf32, #tpu.memory_space<vmem>>, vector<2000x128xf32>
    %get3A_42 = arith.constant 0 : index
    %get3A_43 = arith.constant 0 : index
    %get3A_44 = vector.load %arg6[%get3A_42, %get3A_43] : memref<128x128xf32, #tpu.memory_space<vmem>>, vector<128x128xf32>
    %convert_element_type3A_45 = arith.truncf %get3A_41 : vector<2000x128xf32> to vector<2000x128xbf16>
    %convert_element_type3A_46 = arith.truncf %get3A_44 : vector<128x128xf32> to vector<128x128xbf16>
    %dot_general3A_47 = arith.constant dense<0.000000e+00> : vector<2000x128xf32>
    %dot_general3A_48 = tpu.matmul %convert_element_type3A_45, %convert_element_type3A_46, %dot_general3A_47 {dimension_numbers = #tpu.dot_dimension_numbers<[1], [1], [0], [0], [0, 0, 1, 0], [], []>, transpose_lhs_hint = false} : vector<2000x128xbf16>, vector<128x128xbf16>, vector<2000x128xf32> -> vector<2000x128xf32>
    %add3A_49 = arith.addf %add3A_38, %dot_general3A_48 : vector<2000x128xf32>
    %max3A_50 = arith.constant 0.000000e+00 : f32
    %max3A_51 = vector.broadcast %max3A_50 : f32 to vector<2000x128xf32>
    %max3A_52 = arith.maximumf %add3A_49, %max3A_51 : vector<2000x128xf32>
    %reduce_sum3A = arith.constant dense<0.000000e+00> : vector<2000xf32>
    %reduce_sum3A_53 = vector.multi_reduction <add>, %max3A_52, %reduce_sum3A [1] : vector<2000x128xf32> to vector<2000xf32>
    %broadcast_in_dim3A = vector.shape_cast %reduce_sum3A_53 : vector<2000xf32> to vector<2000x1xf32>
    %div3A_54 = arith.constant 1.280000e+02 : f32
    %div3A_55 = vector.broadcast %div3A_54 : f32 to vector<2000x1xf32>
    %div3A_56 = arith.divf %broadcast_in_dim3A, %div3A_55 : vector<2000x1xf32>
    %sub3A_57 = vector.broadcast %div3A_56 : vector<2000x1xf32> to vector<2000x128xf32>
    %sub3A_58 = arith.subf %max3A_52, %sub3A_57 : vector<2000x128xf32>
    %sub3A_59 = vector.broadcast %div3A_56 : vector<2000x1xf32> to vector<2000x128xf32>
    %sub3A_60 = arith.subf %max3A_52, %sub3A_59 : vector<2000x128xf32>
    %mul3A_61 = arith.mulf %sub3A_58, %sub3A_60 : vector<2000x128xf32>
    %reduce_sum3A_62 = arith.constant dense<0.000000e+00> : vector<2000xf32>
    %reduce_sum3A_63 = vector.multi_reduction <add>, %mul3A_61, %reduce_sum3A_62 [1] : vector<2000x128xf32> to vector<2000xf32>
    %broadcast_in_dim3A_64 = vector.shape_cast %reduce_sum3A_63 : vector<2000xf32> to vector<2000x1xf32>
    %div3A_65 = arith.constant 1.280000e+02 : f32
    %div3A_66 = vector.broadcast %div3A_65 : f32 to vector<2000x1xf32>
    %div3A_67 = arith.divf %broadcast_in_dim3A_64, %div3A_66 : vector<2000x1xf32>
    %sub3A_68 = vector.broadcast %div3A_56 : vector<2000x1xf32> to vector<2000x128xf32>
    %sub3A_69 = arith.subf %max3A_52, %sub3A_68 : vector<2000x128xf32>
    %add3A_70 = arith.constant 9.99999974E-6 : f32
    %add3A_71 = vector.broadcast %add3A_70 : f32 to vector<2000x1xf32>
    %add3A_72 = arith.addf %div3A_67, %add3A_71 : vector<2000x1xf32>
    %sqrt3A = math.sqrt %add3A_72 : vector<2000x1xf32>
    %div3A_73 = vector.broadcast %sqrt3A : vector<2000x1xf32> to vector<2000x128xf32>
    %div3A_74 = arith.divf %sub3A_69, %div3A_73 : vector<2000x128xf32>
    %get3A_75 = arith.constant 0 : index
    %get3A_76 = arith.constant 0 : index
    %get3A_77 = vector.load %arg7[%get3A_75, %get3A_76] : memref<1x128xf32, #tpu.memory_space<vmem>>, vector<1x128xf32>
    %mul3A_78 = vector.broadcast %get3A_77 : vector<1x128xf32> to vector<2000x128xf32>
    %mul3A_79 = arith.mulf %div3A_74, %mul3A_78 : vector<2000x128xf32>
    %get3A_80 = arith.constant 0 : index
    %get3A_81 = arith.constant 0 : index
    %get3A_82 = vector.load %arg8[%get3A_80, %get3A_81] : memref<1x128xf32, #tpu.memory_space<vmem>>, vector<1x128xf32>
    %add3A_83 = vector.broadcast %get3A_82 : vector<1x128xf32> to vector<2000x128xf32>
    %add3A_84 = arith.addf %mul3A_79, %add3A_83 : vector<2000x128xf32>
    %get3A_85 = arith.constant 0 : index
    %get3A_86 = arith.constant 0 : index
    %get3A_87 = vector.load %arg3[%get3A_85, %get3A_86] : memref<2000x128xf32, #tpu.memory_space<vmem>>, vector<2000x128xf32>
    %get3A_88 = arith.constant 0 : index
    %get3A_89 = arith.constant 0 : index
    %get3A_90 = vector.load %arg9[%get3A_88, %get3A_89] : memref<128x128xf32, #tpu.memory_space<vmem>>, vector<128x128xf32>
    %convert_element_type3A_91 = arith.truncf %get3A_87 : vector<2000x128xf32> to vector<2000x128xbf16>
    %convert_element_type3A_92 = arith.truncf %get3A_90 : vector<128x128xf32> to vector<128x128xbf16>
    %dot_general3A_93 = arith.constant dense<0.000000e+00> : vector<2000x128xf32>
    %dot_general3A_94 = tpu.matmul %convert_element_type3A_91, %convert_element_type3A_92, %dot_general3A_93 {dimension_numbers = #tpu.dot_dimension_numbers<[1], [1], [0], [0], [0, 0, 1, 0], [], []>, transpose_lhs_hint = false} : vector<2000x128xbf16>, vector<128x128xbf16>, vector<2000x128xf32> -> vector<2000x128xf32>
    %add3A_95 = arith.addf %add3A_84, %dot_general3A_94 : vector<2000x128xf32>
    %get3A_96 = arith.constant 0 : index
    %get3A_97 = arith.constant 0 : index
    %get3A_98 = vector.load %arg10[%get3A_96, %get3A_97] : memref<1x128xf32, #tpu.memory_space<vmem>>, vector<1x128xf32>
    %add3A_99 = vector.broadcast %get3A_98 : vector<1x128xf32> to vector<2000x128xf32>
    %add3A_100 = arith.addf %add3A_95, %add3A_99 : vector<2000x128xf32>
    %swap3A = arith.constant 0 : index
    %swap3A_101 = arith.constant 0 : index
    %swap3A_102 = vector.load %arg11[%swap3A, %swap3A_101] : memref<2000x128xf32, #tpu.memory_space<vmem>>, vector<2000x128xf32>
    tpu.vector_store %arg11[%swap3A, %swap3A_101], %add3A_100 {strides = array<i32>} : memref<2000x128xf32, #tpu.memory_space<vmem>>, vector<2000x128xf32>,
    return
  }
  func.func @transform_0(%arg0: i32) -> (i32, i32, i32) {
    %c0_i32 = arith.constant 0 : i32
    %c0_i32_0 = arith.constant 0 : i32
    %c0_i32_1 = arith.constant 0 : i32
    return %c0_i32, %arg0, %c0_i32_0 : i32, i32, i32
  }
  func.func @transform_1(%arg0: i32) -> (i32, i32, i32) {
    %c0_i32 = arith.constant 0 : i32
    %c0_i32_0 = arith.constant 0 : i32
    %c0_i32_1 = arith.constant 0 : i32
    return %c0_i32, %arg0, %c0_i32_0 : i32, i32, i32
  }
  func.func @transform_2(%arg0: i32) -> (i32, i32) {
    %c0_i32 = arith.constant 0 : i32
    %c0_i32_0 = arith.constant 0 : i32
    return %arg0, %c0_i32 : i32, i32
  }
  func.func @transform_3(%arg0: i32) -> (i32, i32) {
    %c0_i32 = arith.constant 0 : i32
    %c0_i32_0 = arith.constant 0 : i32
    %c0_i32_1 = arith.constant 0 : i32
    return %c0_i32, %c0_i32_0 : i32, i32
  }
  func.func @transform_4(%arg0: i32) -> (i32, i32) {
    %c0_i32 = arith.constant 0 : i32
    %c0_i32_0 = arith.constant 0 : i32
    %c0_i32_1 = arith.constant 0 : i32
    return %c0_i32, %c0_i32_0 : i32, i32
  }
  func.func @transform_5(%arg0: i32) -> (i32, i32) {
    %c0_i32 = arith.constant 0 : i32
    %c0_i32_0 = arith.constant 0 : i32
    %c0_i32_1 = arith.constant 0 : i32
    return %c0_i32, %c0_i32_0 : i32, i32
  }
  func.func @transform_6(%arg0: i32) -> (i32, i32) {
    %c0_i32 = arith.constant 0 : i32
    %c0_i32_0 = arith.constant 0 : i32
    %c0_i32_1 = arith.constant 0 : i32
    return %c0_i32, %c0_i32_0 : i32, i32
  }
  func.func @transform_7(%arg0: i32) -> (i32, i32) {
    %c0_i32 = arith.constant 0 : i32
    %c0_i32_0 = arith.constant 0 : i32
    %c0_i32_1 = arith.constant 0 : i32
    return %c0_i32, %c0_i32_0 : i32, i32
  }
  func.func @transform_8(%arg0: i32) -> (i32, i32) {
    %c0_i32 = arith.constant 0 : i32
    %c0_i32_0 = arith.constant 0 : i32
    %c0_i32_1 = arith.constant 0 : i32
    return %c0_i32, %c0_i32_0 : i32, i32
  }
  func.func @transform_9(%arg0: i32) -> (i32, i32) {
    %c0_i32 = arith.constant 0 : i32
    %c0_i32_0 = arith.constant 0 : i32
    %c0_i32_1 = arith.constant 0 : i32
    return %c0_i32, %c0_i32_0 : i32, i32
  }
  func.func @transform_10(%arg0: i32) -> (i32, i32) {
    %c0_i32 = arith.constant 0 : i32
    %c0_i32_0 = arith.constant 0 : i32
    return %arg0, %c0_i32 : i32, i32
  }
}

module attributes {stable_mosaic.version = 14 : i64} {
  func.func @_final_body(%arg0: i32, %arg1: memref<2x2000x128xf32, #tpu.memory_space<vmem>>, %arg2: memref<2x2000x128xf32, #tpu.memory_space<vmem>>, %arg3: memref<2000x128xf32, #tpu.memory_space<vmem>>, %arg4: memref<128x128xf32, #tpu.memory_space<vmem>>, %arg5: memref<1x128xf32, #tpu.memory_space<vmem>>, %arg6: memref<128x128xf32, #tpu.memory_space<vmem>>, %arg7: memref<128x128xf32, #tpu.memory_space<vmem>>, %arg8: memref<1x128xf32, #tpu.memory_space<vmem>>, %arg9: memref<1x2000x1xi32, #tpu.memory_space<vmem>>, %arg10: memref<128x128xf32, #tpu.memory_space<vmem>>, %arg11: memref<128x128xf32, #tpu.memory_space<vmem>>, %arg12: memref<1x128xf32, #tpu.memory_space<vmem>>, %arg13: memref<64x128xf32, #tpu.memory_space<vmem>>, %arg14: memref<1x64xf32, #tpu.memory_space<vmem>>, %arg15: memref<8x64xf32, #tpu.memory_space<vmem>>, %arg16: memref<1x8xf32, #tpu.memory_space<vmem>>, %arg17: memref<64x128xf32, #tpu.memory_space<vmem>>, %arg18: memref<1x64xf32, #tpu.memory_space<vmem>>, %arg19: memref<8x64xf32, #tpu.memory_space<vmem>>, %arg20: memref<1x8xf32, #tpu.memory_space<vmem>>, %arg21: memref<64x8xf32, #tpu.memory_space<vmem>>, %arg22: memref<64x8xf32, #tpu.memory_space<vmem>>, %arg23: memref<64x128xf32, #tpu.memory_space<vmem>>, %arg24: memref<64x128xf32, #tpu.memory_space<vmem>>) attributes {dimension_semantics = [#tpu.dimension_semantics<arbitrary>], iteration_bounds = array<i64: 5>, scalar_prefetch = 0 : i64, scratch_operands = 2 : i64, tpu.core_type = #tpu.core_type<tc>, window_params = [{transform_indices = @transform_0, window_bounds = array<i64: 2, 2000, 128>}, {transform_indices = @transform_1, window_bounds = array<i64: 2, 2000, 128>}, {transform_indices = @transform_2, window_bounds = array<i64: 2000, 128>}, {pipeline_mode = #tpu.pipeline_mode<synchronous>, transform_indices = @transform_3, window_bounds = array<i64: 128, 128>}, {pipeline_mode = #tpu.pipeline_mode<synchronous>, transform_indices = @transform_4, window_bounds = array<i64: 1, 128>}, {pipeline_mode = #tpu.pipeline_mode<synchronous>, transform_indices = @transform_5, window_bounds = array<i64: 128, 128>}, {pipeline_mode = #tpu.pipeline_mode<synchronous>, transform_indices = @transform_6, window_bounds = array<i64: 128, 128>}, {pipeline_mode = #tpu.pipeline_mode<synchronous>, transform_indices = @transform_7, window_bounds = array<i64: 1, 128>}, {transform_indices = @transform_8, window_bounds = array<i64: 1, 2000, 1>}, {pipeline_mode = #tpu.pipeline_mode<synchronous>, transform_indices = @transform_9, window_bounds = array<i64: 128, 128>}, {pipeline_mode = #tpu.pipeline_mode<synchronous>, transform_indices = @transform_10, window_bounds = array<i64: 128, 128>}, {pipeline_mode = #tpu.pipeline_mode<synchronous>, transform_indices = @transform_11, window_bounds = array<i64: 1, 128>}, {pipeline_mode = #tpu.pipeline_mode<synchronous>, transform_indices = @transform_12, window_bounds = array<i64: 64, 128>}, {pipeline_mode = #tpu.pipeline_mode<synchronous>, transform_indices = @transform_13, window_bounds = array<i64: 1, 64>}, {pipeline_mode = #tpu.pipeline_mode<synchronous>, transform_indices = @transform_14, window_bounds = array<i64: 8, 64>}, {pipeline_mode = #tpu.pipeline_mode<synchronous>, transform_indices = @transform_15, window_bounds = array<i64: 1, 8>}, {pipeline_mode = #tpu.pipeline_mode<synchronous>, transform_indices = @transform_16, window_bounds = array<i64: 64, 128>}, {pipeline_mode = #tpu.pipeline_mode<synchronous>, transform_indices = @transform_17, window_bounds = array<i64: 1, 64>}, {pipeline_mode = #tpu.pipeline_mode<synchronous>, transform_indices = @transform_18, window_bounds = array<i64: 8, 64>}, {pipeline_mode = #tpu.pipeline_mode<synchronous>, transform_indices = @transform_19, window_bounds = array<i64: 1, 8>}, {pipeline_mode = #tpu.pipeline_mode<synchronous>, transform_indices = @transform_20, window_bounds = array<i64: 64, 8>}, {pipeline_mode = #tpu.pipeline_mode<synchronous>, transform_indices = @transform_21, window_bounds = array<i64: 64, 8>}]} {
    %get3A = arith.constant 0 : index
    %get3A_0 = arith.constant 0 : index
    %get3A_1 = arith.constant 0 : index
    %get3A_2 = vector.load %arg1[%get3A, %get3A_0, %get3A_1] : memref<2x2000x128xf32, #tpu.memory_space<vmem>>, vector<1x2000x128xf32>
    %get3A_3 = vector.shape_cast %get3A_2 : vector<1x2000x128xf32> to vector<2000x128xf32>
    %get3A_4 = arith.constant 1 : index
    %get3A_5 = arith.constant 0 : index
    %get3A_6 = arith.constant 0 : index
    %get3A_7 = vector.load %arg1[%get3A_4, %get3A_5, %get3A_6] : memref<2x2000x128xf32, #tpu.memory_space<vmem>>, vector<1x2000x128xf32>
    %get3A_8 = vector.shape_cast %get3A_7 : vector<1x2000x128xf32> to vector<2000x128xf32>
    %add3A = arith.addf %get3A_3, %get3A_8 : vector<2000x128xf32>
    %get3A_9 = arith.constant 0 : index
    %get3A_10 = arith.constant 0 : index
    %get3A_11 = arith.constant 0 : index
    %get3A_12 = vector.load %arg2[%get3A_9, %get3A_10, %get3A_11] : memref<2x2000x128xf32, #tpu.memory_space<vmem>>, vector<1x2000x1xf32>
    %get3A_13 = vector.shape_cast %get3A_12 : vector<1x2000x1xf32> to vector<2000x1xf32>
    %get3A_14 = arith.constant 1 : index
    %get3A_15 = arith.constant 0 : index
    %get3A_16 = arith.constant 0 : index
    %get3A_17 = vector.load %arg2[%get3A_14, %get3A_15, %get3A_16] : memref<2x2000x128xf32, #tpu.memory_space<vmem>>, vector<1x2000x1xf32>
    %get3A_18 = vector.shape_cast %get3A_17 : vector<1x2000x1xf32> to vector<2000x1xf32>
    %add3A_19 = arith.addf %get3A_13, %get3A_18 : vector<2000x1xf32>
    %max3A = arith.constant 1.000000e+00 : f32
    %max3A_20 = vector.broadcast %max3A : f32 to vector<2000x1xf32>
    %max3A_21 = arith.maximumf %add3A_19, %max3A_20 : vector<2000x1xf32>
    %div3A = arith.constant 1.000000e+00 : f32
    %div3A_22 = vector.broadcast %div3A : f32 to vector<2000x1xf32>
    %div3A_23 = arith.divf %div3A_22, %max3A_21 : vector<2000x1xf32>
    %mul3A = arith.mulf %max3A_21, %div3A_23 : vector<2000x1xf32>
    %sub3A = arith.constant 2.000000e+00 : f32
    %sub3A_24 = vector.broadcast %sub3A : f32 to vector<2000x1xf32>
    %sub3A_25 = arith.subf %sub3A_24, %mul3A : vector<2000x1xf32>
    %mul3A_26 = arith.mulf %div3A_23, %sub3A_25 : vector<2000x1xf32>
    %mul3A_27 = vector.broadcast %mul3A_26 : vector<2000x1xf32> to vector<2000x128xf32>
    %mul3A_28 = arith.mulf %add3A, %mul3A_27 : vector<2000x128xf32>
    %get3A_29 = arith.constant 0 : index
    %get3A_30 = arith.constant 0 : index
    %get3A_31 = vector.load %arg4[%get3A_29, %get3A_30] : memref<128x128xf32, #tpu.memory_space<vmem>>, vector<128x128xf32>
    %convert_element_type3A = arith.truncf %mul3A_28 : vector<2000x128xf32> to vector<2000x128xbf16>
    %convert_element_type3A_32 = arith.truncf %get3A_31 : vector<128x128xf32> to vector<128x128xbf16>
    %dot_general3A = arith.constant dense<0.000000e+00> : vector<2000x128xf32>
    %dot_general3A_33 = tpu.matmul %convert_element_type3A, %convert_element_type3A_32, %dot_general3A {dimension_numbers = #tpu.dot_dimension_numbers<[1], [1], [0], [0], [0, 0, 1, 0], [], []>, transpose_lhs_hint = false} : vector<2000x128xbf16>, vector<128x128xbf16>, vector<2000x128xf32> -> vector<2000x128xf32>
    %get3A_34 = arith.constant 0 : index
    %get3A_35 = arith.constant 0 : index
    %get3A_36 = vector.load %arg5[%get3A_34, %get3A_35] : memref<1x128xf32, #tpu.memory_space<vmem>>, vector<1x128xf32>
    %add3A_37 = vector.broadcast %get3A_36 : vector<1x128xf32> to vector<2000x128xf32>
    %add3A_38 = arith.addf %dot_general3A_33, %add3A_37 : vector<2000x128xf32>
    %get3A_39 = arith.constant 0 : index
    %get3A_40 = arith.constant 0 : index
    %get3A_41 = vector.load %arg3[%get3A_39, %get3A_40] : memref<2000x128xf32, #tpu.memory_space<vmem>>, vector<2000x128xf32>
    %get3A_42 = arith.constant 0 : index
    %get3A_43 = arith.constant 0 : index
    %get3A_44 = vector.load %arg6[%get3A_42, %get3A_43] : memref<128x128xf32, #tpu.memory_space<vmem>>, vector<128x128xf32>
    %convert_element_type3A_45 = arith.truncf %get3A_41 : vector<2000x128xf32> to vector<2000x128xbf16>
    %convert_element_type3A_46 = arith.truncf %get3A_44 : vector<128x128xf32> to vector<128x128xbf16>
    %dot_general3A_47 = arith.constant dense<0.000000e+00> : vector<2000x128xf32>
    %dot_general3A_48 = tpu.matmul %convert_element_type3A_45, %convert_element_type3A_46, %dot_general3A_47 {dimension_numbers = #tpu.dot_dimension_numbers<[1], [1], [0], [0], [0, 0, 1, 0], [], []>, transpose_lhs_hint = false} : vector<2000x128xbf16>, vector<128x128xbf16>, vector<2000x128xf32> -> vector<2000x128xf32>
    %add3A_49 = arith.addf %add3A_38, %dot_general3A_48 : vector<2000x128xf32>
    %max3A_50 = arith.constant 0.000000e+00 : f32
    %max3A_51 = vector.broadcast %max3A_50 : f32 to vector<2000x128xf32>
    %max3A_52 = arith.maximumf %add3A_49, %max3A_51 : vector<2000x128xf32>
    %get3A_53 = arith.constant 0 : index
    %get3A_54 = arith.constant 0 : index
    %get3A_55 = vector.load %arg3[%get3A_53, %get3A_54] : memref<2000x128xf32, #tpu.memory_space<vmem>>, vector<2000x128xf32>
    %get3A_56 = arith.constant 0 : index
    %get3A_57 = arith.constant 0 : index
    %get3A_58 = vector.load %arg7[%get3A_56, %get3A_57] : memref<128x128xf32, #tpu.memory_space<vmem>>, vector<128x128xf32>
    %convert_element_type3A_59 = arith.truncf %get3A_55 : vector<2000x128xf32> to vector<2000x128xbf16>
    %convert_element_type3A_60 = arith.truncf %get3A_58 : vector<128x128xf32> to vector<128x128xbf16>
    %dot_general3A_61 = arith.constant dense<0.000000e+00> : vector<2000x128xf32>
    %dot_general3A_62 = tpu.matmul %convert_element_type3A_59, %convert_element_type3A_60, %dot_general3A_61 {dimension_numbers = #tpu.dot_dimension_numbers<[1], [1], [0], [0], [0, 0, 1, 0], [], []>, transpose_lhs_hint = false} : vector<2000x128xbf16>, vector<128x128xbf16>, vector<2000x128xf32> -> vector<2000x128xf32>
    %add3A_63 = arith.addf %max3A_52, %dot_general3A_62 : vector<2000x128xf32>
    %get3A_64 = arith.constant 0 : index
    %get3A_65 = arith.constant 0 : index
    %get3A_66 = vector.load %arg8[%get3A_64, %get3A_65] : memref<1x128xf32, #tpu.memory_space<vmem>>, vector<1x128xf32>
    %add3A_67 = vector.broadcast %get3A_66 : vector<1x128xf32> to vector<2000x128xf32>
    %add3A_68 = arith.addf %add3A_63, %add3A_67 : vector<2000x128xf32>
    %get3A_69 = arith.constant 0 : index
    %get3A_70 = arith.constant 0 : index
    %get3A_71 = arith.constant 0 : index
    %get3A_72 = vector.load %arg9[%get3A_69, %get3A_70, %get3A_71] : memref<1x2000x1xi32, #tpu.memory_space<vmem>>, vector<1x2000x1xi32>
    %get3A_73 = vector.shape_cast %get3A_72 : vector<1x2000x1xi32> to vector<2000x1xi32>
    %eq3A = arith.constant 0 : i32
    %eq3A_74 = arith.cmpi eq, %arg0, %eq3A : i32
    %convert_element_type3A_75 = arith.extui %eq3A_74 : i1 to i32
    %cond3A = arith.constant 0 : i32
    %cond3A_76 = arith.cmpi ne, %convert_element_type3A_75, %cond3A : i32
    scf.if %cond3A_76 {
      %broadcast_in_dim3A = arith.constant 0.000000e+00 : f32
      %broadcast_in_dim3A_625 = vector.broadcast %broadcast_in_dim3A : f32 to vector<64x128xf32>
      %swap3A_626 = arith.constant 0 : index
      %swap3A_627 = arith.constant 0 : index
      %swap3A_628 = vector.load %arg23[%swap3A_626, %swap3A_627] : memref<64x128xf32, #tpu.memory_space<vmem>>, vector<64x128xf32>
      tpu.vector_store %arg23[%swap3A_626, %swap3A_627], %broadcast_in_dim3A_625 {strides = array<i32>} : memref<64x128xf32, #tpu.memory_space<vmem>>, vector<64x128xf32>,
      %broadcast_in_dim3A_629 = arith.constant 0xFF800000 : f32
      %broadcast_in_dim3A_630 = vector.broadcast %broadcast_in_dim3A_629 : f32 to vector<64x128xf32>
      %swap3A_631 = arith.constant 0 : index
      %swap3A_632 = arith.constant 0 : index
      %swap3A_633 = vector.load %arg24[%swap3A_631, %swap3A_632] : memref<64x128xf32, #tpu.memory_space<vmem>>, vector<64x128xf32>
      tpu.vector_store %arg24[%swap3A_631, %swap3A_632], %broadcast_in_dim3A_630 {strides = array<i32>} : memref<64x128xf32, #tpu.memory_space<vmem>>, vector<64x128xf32>,
    } else {
    }
    %iota3A = tpu.iota {dimensions = array<i32: 1>} : vector<2000x64xi32>
    %eq3A_77 = vector.broadcast %get3A_73 : vector<2000x1xi32> to vector<2000x64xi32>
    %eq3A_78 = arith.cmpi eq, %eq3A_77, %iota3A : vector<2000x64xi32>
    %convert_element_type3A_79 = arith.extui %eq3A_78 : vector<2000x64xi1> to vector<2000x64xi32>
    %convert_element_type3A_80 = arith.sitofp %convert_element_type3A_79 : vector<2000x64xi32> to vector<2000x64xf32>
    %convert_element_type3A_81 = arith.truncf %convert_element_type3A_80 : vector<2000x64xf32> to vector<2000x64xbf16>
    %convert_element_type3A_82 = arith.truncf %add3A_68 : vector<2000x128xf32> to vector<2000x128xbf16>
    %convert_element_type3A_83 = arith.extf %convert_element_type3A_82 : vector<2000x128xbf16> to vector<2000x128xf32>
    %sub3A_84 = arith.subf %add3A_68, %convert_element_type3A_83 : vector<2000x128xf32>
    %convert_element_type3A_85 = arith.truncf %sub3A_84 : vector<2000x128xf32> to vector<2000x128xbf16>
    %convert_element_type3A_86 = arith.extf %convert_element_type3A_85 : vector<2000x128xbf16> to vector<2000x128xf32>
    %sub3A_87 = arith.subf %sub3A_84, %convert_element_type3A_86 : vector<2000x128xf32>
    %convert_element_type3A_88 = arith.truncf %sub3A_87 : vector<2000x128xf32> to vector<2000x128xbf16>
    %get3A_89 = arith.constant 0 : index
    %get3A_90 = arith.constant 0 : index
    %get3A_91 = vector.load %arg23[%get3A_89, %get3A_90] : memref<64x128xf32, #tpu.memory_space<vmem>>, vector<64x128xf32>
    %dot_general3A_92 = arith.constant dense<0.000000e+00> : vector<64x128xf32>
    %dot_general3A_93 = tpu.matmul %convert_element_type3A_81, %convert_element_type3A_82, %dot_general3A_92 {dimension_numbers = #tpu.dot_dimension_numbers<[0], [0], [1], [1], [0, 1, 1, 1], [], []>, transpose_lhs_hint = false} : vector<2000x64xbf16>, vector<2000x128xbf16>, vector<64x128xf32> -> vector<64x128xf32>
    %dot_general3A_94 = arith.constant dense<0.000000e+00> : vector<64x128xf32>
    %dot_general3A_95 = tpu.matmul %convert_element_type3A_81, %convert_element_type3A_85, %dot_general3A_94 {dimension_numbers = #tpu.dot_dimension_numbers<[0], [0], [1], [1], [0, 1, 1, 1], [], []>, transpose_lhs_hint = false} : vector<2000x64xbf16>, vector<2000x128xbf16>, vector<64x128xf32> -> vector<64x128xf32>
    %add3A_96 = arith.addf %dot_general3A_93, %dot_general3A_95 : vector<64x128xf32>
    %dot_general3A_97 = arith.constant dense<0.000000e+00> : vector<64x128xf32>
    %dot_general3A_98 = tpu.matmul %convert_element_type3A_81, %convert_element_type3A_88, %dot_general3A_97 {dimension_numbers = #tpu.dot_dimension_numbers<[0], [0], [1], [1], [0, 1, 1, 1], [], []>, transpose_lhs_hint = false} : vector<2000x64xbf16>, vector<2000x128xbf16>, vector<64x128xf32> -> vector<64x128xf32>
    %add3A_99 = arith.addf %add3A_96, %dot_general3A_98 : vector<64x128xf32>
    %add3A_100 = arith.addf %get3A_91, %add3A_99 : vector<64x128xf32>
    %swap3A = arith.constant 0 : index
    %swap3A_101 = arith.constant 0 : index
    %swap3A_102 = vector.load %arg23[%swap3A, %swap3A_101] : memref<64x128xf32, #tpu.memory_space<vmem>>, vector<64x128xf32>
    tpu.vector_store %arg23[%swap3A, %swap3A_101], %add3A_100 {strides = array<i32>} : memref<64x128xf32, #tpu.memory_space<vmem>>, vector<64x128xf32>,
    %reduce_min3A = vector.shape_cast %get3A_73 : vector<2000x1xi32> to vector<1x2000x1xi32>
    %reduce_min3A_103 = arith.constant dense<2147483647> : vector<1xi32>
    %reduce_min3A_104 = vector.multi_reduction <minsi>, %reduce_min3A, %reduce_min3A_103 [1, 2] : vector<1x2000x1xi32> to vector<1xi32>
    %reduce_min3A_105 = vector.shape_cast %reduce_min3A_104 : vector<1xi32> to vector<1x1x1xi32>
    %reduce_min3A_106 = vector.extract %reduce_min3A_105[0, 0, 0] : i32 from vector<1x1x1xi32>
    %reduce_max3A = vector.shape_cast %get3A_73 : vector<2000x1xi32> to vector<1x2000x1xi32>
    %reduce_max3A_107 = arith.constant dense<-2147483648> : vector<1xi32>
    %reduce_max3A_108 = vector.multi_reduction <maxsi>, %reduce_max3A, %reduce_max3A_107 [1, 2] : vector<1x2000x1xi32> to vector<1xi32>
    %reduce_max3A_109 = vector.shape_cast %reduce_max3A_108 : vector<1xi32> to vector<1x1x1xi32>
    %reduce_max3A_110 = vector.extract %reduce_max3A_109[0, 0, 0] : i32 from vector<1x1x1xi32>
    %le3A = arith.constant 0 : i32
    %le3A_111 = arith.cmpi sle, %reduce_min3A_106, %le3A : i32
    %ge3A = arith.constant 0 : i32
    %ge3A_112 = arith.cmpi sge, %reduce_max3A_110, %ge3A : i32
    %and3A = arith.andi %le3A_111, %ge3A_112 : i1
    %convert_element_type3A_113 = arith.extui %and3A : i1 to i32
    %cond3A_114 = arith.constant 0 : i32
    %cond3A_115 = arith.cmpi ne, %convert_element_type3A_113, %cond3A_114 : i32
    scf.if %cond3A_115 {
      %eq3A_625 = arith.constant 0 : i32
      %eq3A_626 = vector.broadcast %eq3A_625 : i32 to vector<2000x1xi32>
      %eq3A_627 = arith.cmpi eq, %get3A_73, %eq3A_626 : vector<2000x1xi32>
      %jit3A = arith.constant 0xFF800000 : f32
      %broadcast_in_dim3A = vector.shape_cast %eq3A_627 : vector<2000x1xi1> to vector<2000x1xi1>
      %broadcast_in_dim3A_628 = vector.broadcast %broadcast_in_dim3A : vector<2000x1xi1> to vector<2000x128xi1>
      %broadcast_in_dim3A_629 = vector.broadcast %jit3A : f32 to vector<2000x128xf32>
      %select_n3A = arith.select %broadcast_in_dim3A_628, %add3A_68, %broadcast_in_dim3A_629 : vector<2000x128xi1>, vector<2000x128xf32>
      %get3A_630 = arith.constant 0 : index
      %get3A_631 = arith.constant 0 : index
      %get3A_632 = vector.load %arg24[%get3A_630, %get3A_631] : memref<64x128xf32, #tpu.memory_space<vmem>>, vector<1x128xf32>
      %reduce_max3A_633 = arith.constant dense<0xFF800000> : vector<128xf32>
      %reduce_max3A_634 = vector.multi_reduction <maximumf>, %select_n3A, %reduce_max3A_633 [0] : vector<2000x128xf32> to vector<128xf32>
      %broadcast_in_dim3A_635 = vector.shape_cast %reduce_max3A_634 : vector<128xf32> to vector<1x128xf32>
      %max3A_636 = arith.maximumf %get3A_632, %broadcast_in_dim3A_635 : vector<1x128xf32>
      %swap3A_637 = arith.constant 0 : index
      %swap3A_638 = arith.constant 0 : index
      %swap3A_639 = vector.load %arg24[%swap3A_637, %swap3A_638] : memref<64x128xf32, #tpu.memory_space<vmem>>, vector<1x128xf32>
      tpu.vector_store %arg24[%swap3A_637, %swap3A_638], %max3A_636 {strides = array<i32>} : memref<64x128xf32, #tpu.memory_space<vmem>>, vector<1x128xf32>,
    } else {
    }
    %le3A_116 = arith.constant 1 : i32
    %le3A_117 = arith.cmpi sle, %reduce_min3A_106, %le3A_116 : i32
    %ge3A_118 = arith.constant 1 : i32
    %ge3A_119 = arith.cmpi sge, %reduce_max3A_110, %ge3A_118 : i32
    %and3A_120 = arith.andi %le3A_117, %ge3A_119 : i1
    %convert_element_type3A_121 = arith.extui %and3A_120 : i1 to i32
    %cond3A_122 = arith.constant 0 : i32
    %cond3A_123 = arith.cmpi ne, %convert_element_type3A_121, %cond3A_122 : i32
    scf.if %cond3A_123 {
      %eq3A_625 = arith.constant 1 : i32
      %eq3A_626 = vector.broadcast %eq3A_625 : i32 to vector<2000x1xi32>
      %eq3A_627 = arith.cmpi eq, %get3A_73, %eq3A_626 : vector<2000x1xi32>
      %jit3A = arith.constant 0xFF800000 : f32
      %broadcast_in_dim3A = vector.shape_cast %eq3A_627 : vector<2000x1xi1> to vector<2000x1xi1>
      %broadcast_in_dim3A_628 = vector.broadcast %broadcast_in_dim3A : vector<2000x1xi1> to vector<2000x128xi1>
      %broadcast_in_dim3A_629 = vector.broadcast %jit3A : f32 to vector<2000x128xf32>
      %select_n3A = arith.select %broadcast_in_dim3A_628, %add3A_68, %broadcast_in_dim3A_629 : vector<2000x128xi1>, vector<2000x128xf32>
      %get3A_630 = arith.constant 1 : index
      %get3A_631 = arith.constant 0 : index
      %get3A_632 = vector.load %arg24[%get3A_630, %get3A_631] : memref<64x128xf32, #tpu.memory_space<vmem>>, vector<1x128xf32>
      %reduce_max3A_633 = arith.constant dense<0xFF800000> : vector<128xf32>
      %reduce_max3A_634 = vector.multi_reduction <maximumf>, %select_n3A, %reduce_max3A_633 [0] : vector<2000x128xf32> to vector<128xf32>
      %broadcast_in_dim3A_635 = vector.shape_cast %reduce_max3A_634 : vector<128xf32> to vector<1x128xf32>
      %max3A_636 = arith.maximumf %get3A_632, %broadcast_in_dim3A_635 : vector<1x128xf32>
      %swap3A_637 = arith.constant 1 : index
      %swap3A_638 = arith.constant 0 : index
      %swap3A_639 = vector.load %arg24[%swap3A_637, %swap3A_638] : memref<64x128xf32, #tpu.memory_space<vmem>>, vector<1x128xf32>
      tpu.vector_store %arg24[%swap3A_637, %swap3A_638], %max3A_636 {strides = array<i32>} : memref<64x128xf32, #tpu.memory_space<vmem>>, vector<1x128xf32>,
    } else {
    }
    %le3A_124 = arith.constant 2 : i32
    %le3A_125 = arith.cmpi sle, %reduce_min3A_106, %le3A_124 : i32
    %ge3A_126 = arith.constant 2 : i32
    %ge3A_127 = arith.cmpi sge, %reduce_max3A_110, %ge3A_126 : i32
    %and3A_128 = arith.andi %le3A_125, %ge3A_127 : i1
    %convert_element_type3A_129 = arith.extui %and3A_128 : i1 to i32
    %cond3A_130 = arith.constant 0 : i32
    %cond3A_131 = arith.cmpi ne, %convert_element_type3A_129, %cond3A_130 : i32
    scf.if %cond3A_131 {
      %eq3A_625 = arith.constant 2 : i32
      %eq3A_626 = vector.broadcast %eq3A_625 : i32 to vector<2000x1xi32>
      %eq3A_627 = arith.cmpi eq, %get3A_73, %eq3A_626 : vector<2000x1xi32>
      %jit3A = arith.constant 0xFF800000 : f32
      %broadcast_in_dim3A = vector.shape_cast %eq3A_627 : vector<2000x1xi1> to vector<2000x1xi1>
      %broadcast_in_dim3A_628 = vector.broadcast %broadcast_in_dim3A : vector<2000x1xi1> to vector<2000x128xi1>
      %broadcast_in_dim3A_629 = vector.broadcast %jit3A : f32 to vector<2000x128xf32>
      %select_n3A = arith.select %broadcast_in_dim3A_628, %add3A_68, %broadcast_in_dim3A_629 : vector<2000x128xi1>, vector<2000x128xf32>
      %get3A_630 = arith.constant 2 : index
      %get3A_631 = arith.constant 0 : index
      %get3A_632 = vector.load %arg24[%get3A_630, %get3A_631] : memref<64x128xf32, #tpu.memory_space<vmem>>, vector<1x128xf32>
      %reduce_max3A_633 = arith.constant dense<0xFF800000> : vector<128xf32>
      %reduce_max3A_634 = vector.multi_reduction <maximumf>, %select_n3A, %reduce_max3A_633 [0] : vector<2000x128xf32> to vector<128xf32>
      %broadcast_in_dim3A_635 = vector.shape_cast %reduce_max3A_634 : vector<128xf32> to vector<1x128xf32>
      %max3A_636 = arith.maximumf %get3A_632, %broadcast_in_dim3A_635 : vector<1x128xf32>
      %swap3A_637 = arith.constant 2 : index
      %swap3A_638 = arith.constant 0 : index
      %swap3A_639 = vector.load %arg24[%swap3A_637, %swap3A_638] : memref<64x128xf32, #tpu.memory_space<vmem>>, vector<1x128xf32>
      tpu.vector_store %arg24[%swap3A_637, %swap3A_638], %max3A_636 {strides = array<i32>} : memref<64x128xf32, #tpu.memory_space<vmem>>, vector<1x128xf32>,
    } else {
    }
    %le3A_132 = arith.constant 3 : i32
    %le3A_133 = arith.cmpi sle, %reduce_min3A_106, %le3A_132 : i32
    %ge3A_134 = arith.constant 3 : i32
    %ge3A_135 = arith.cmpi sge, %reduce_max3A_110, %ge3A_134 : i32
    %and3A_136 = arith.andi %le3A_133, %ge3A_135 : i1
    %convert_element_type3A_137 = arith.extui %and3A_136 : i1 to i32
    %cond3A_138 = arith.constant 0 : i32
    %cond3A_139 = arith.cmpi ne, %convert_element_type3A_137, %cond3A_138 : i32
    scf.if %cond3A_139 {
      %eq3A_625 = arith.constant 3 : i32
      %eq3A_626 = vector.broadcast %eq3A_625 : i32 to vector<2000x1xi32>
      %eq3A_627 = arith.cmpi eq, %get3A_73, %eq3A_626 : vector<2000x1xi32>
      %jit3A = arith.constant 0xFF800000 : f32
      %broadcast_in_dim3A = vector.shape_cast %eq3A_627 : vector<2000x1xi1> to vector<2000x1xi1>
      %broadcast_in_dim3A_628 = vector.broadcast %broadcast_in_dim3A : vector<2000x1xi1> to vector<2000x128xi1>
      %broadcast_in_dim3A_629 = vector.broadcast %jit3A : f32 to vector<2000x128xf32>
      %select_n3A = arith.select %broadcast_in_dim3A_628, %add3A_68, %broadcast_in_dim3A_629 : vector<2000x128xi1>, vector<2000x128xf32>
      %get3A_630 = arith.constant 3 : index
      %get3A_631 = arith.constant 0 : index
      %get3A_632 = vector.load %arg24[%get3A_630, %get3A_631] : memref<64x128xf32, #tpu.memory_space<vmem>>, vector<1x128xf32>
      %reduce_max3A_633 = arith.constant dense<0xFF800000> : vector<128xf32>
      %reduce_max3A_634 = vector.multi_reduction <maximumf>, %select_n3A, %reduce_max3A_633 [0] : vector<2000x128xf32> to vector<128xf32>
      %broadcast_in_dim3A_635 = vector.shape_cast %reduce_max3A_634 : vector<128xf32> to vector<1x128xf32>
      %max3A_636 = arith.maximumf %get3A_632, %broadcast_in_dim3A_635 : vector<1x128xf32>
      %swap3A_637 = arith.constant 3 : index
      %swap3A_638 = arith.constant 0 : index
      %swap3A_639 = vector.load %arg24[%swap3A_637, %swap3A_638] : memref<64x128xf32, #tpu.memory_space<vmem>>, vector<1x128xf32>
      tpu.vector_store %arg24[%swap3A_637, %swap3A_638], %max3A_636 {strides = array<i32>} : memref<64x128xf32, #tpu.memory_space<vmem>>, vector<1x128xf32>,
    } else {
    }
    %le3A_140 = arith.constant 4 : i32
    %le3A_141 = arith.cmpi sle, %reduce_min3A_106, %le3A_140 : i32
    %ge3A_142 = arith.constant 4 : i32
    %ge3A_143 = arith.cmpi sge, %reduce_max3A_110, %ge3A_142 : i32
    %and3A_144 = arith.andi %le3A_141, %ge3A_143 : i1
    %convert_element_type3A_145 = arith.extui %and3A_144 : i1 to i32
    %cond3A_146 = arith.constant 0 : i32
    %cond3A_147 = arith.cmpi ne, %convert_element_type3A_145, %cond3A_146 : i32
    scf.if %cond3A_147 {
      %eq3A_625 = arith.constant 4 : i32
      %eq3A_626 = vector.broadcast %eq3A_625 : i32 to vector<2000x1xi32>
      %eq3A_627 = arith.cmpi eq, %get3A_73, %eq3A_626 : vector<2000x1xi32>
      %jit3A = arith.constant 0xFF800000 : f32
      %broadcast_in_dim3A = vector.shape_cast %eq3A_627 : vector<2000x1xi1> to vector<2000x1xi1>
      %broadcast_in_dim3A_628 = vector.broadcast %broadcast_in_dim3A : vector<2000x1xi1> to vector<2000x128xi1>
      %broadcast_in_dim3A_629 = vector.broadcast %jit3A : f32 to vector<2000x128xf32>
      %select_n3A = arith.select %broadcast_in_dim3A_628, %add3A_68, %broadcast_in_dim3A_629 : vector<2000x128xi1>, vector<2000x128xf32>
      %get3A_630 = arith.constant 4 : index
      %get3A_631 = arith.constant 0 : index
      %get3A_632 = vector.load %arg24[%get3A_630, %get3A_631] : memref<64x128xf32, #tpu.memory_space<vmem>>, vector<1x128xf32>
      %reduce_max3A_633 = arith.constant dense<0xFF800000> : vector<128xf32>
      %reduce_max3A_634 = vector.multi_reduction <maximumf>, %select_n3A, %reduce_max3A_633 [0] : vector<2000x128xf32> to vector<128xf32>
      %broadcast_in_dim3A_635 = vector.shape_cast %reduce_max3A_634 : vector<128xf32> to vector<1x128xf32>
      %max3A_636 = arith.maximumf %get3A_632, %broadcast_in_dim3A_635 : vector<1x128xf32>
      %swap3A_637 = arith.constant 4 : index
      %swap3A_638 = arith.constant 0 : index
      %swap3A_639 = vector.load %arg24[%swap3A_637, %swap3A_638] : memref<64x128xf32, #tpu.memory_space<vmem>>, vector<1x128xf32>
      tpu.vector_store %arg24[%swap3A_637, %swap3A_638], %max3A_636 {strides = array<i32>} : memref<64x128xf32, #tpu.memory_space<vmem>>, vector<1x128xf32>,
    } else {
    }
    %le3A_148 = arith.constant 5 : i32
    %le3A_149 = arith.cmpi sle, %reduce_min3A_106, %le3A_148 : i32
    %ge3A_150 = arith.constant 5 : i32
    %ge3A_151 = arith.cmpi sge, %reduce_max3A_110, %ge3A_150 : i32
    %and3A_152 = arith.andi %le3A_149, %ge3A_151 : i1
    %convert_element_type3A_153 = arith.extui %and3A_152 : i1 to i32
    %cond3A_154 = arith.constant 0 : i32
    %cond3A_155 = arith.cmpi ne, %convert_element_type3A_153, %cond3A_154 : i32
    scf.if %cond3A_155 {
      %eq3A_625 = arith.constant 5 : i32
      %eq3A_626 = vector.broadcast %eq3A_625 : i32 to vector<2000x1xi32>
      %eq3A_627 = arith.cmpi eq, %get3A_73, %eq3A_626 : vector<2000x1xi32>
      %jit3A = arith.constant 0xFF800000 : f32
      %broadcast_in_dim3A = vector.shape_cast %eq3A_627 : vector<2000x1xi1> to vector<2000x1xi1>
      %broadcast_in_dim3A_628 = vector.broadcast %broadcast_in_dim3A : vector<2000x1xi1> to vector<2000x128xi1>
      %broadcast_in_dim3A_629 = vector.broadcast %jit3A : f32 to vector<2000x128xf32>
      %select_n3A = arith.select %broadcast_in_dim3A_628, %add3A_68, %broadcast_in_dim3A_629 : vector<2000x128xi1>, vector<2000x128xf32>
      %get3A_630 = arith.constant 5 : index
      %get3A_631 = arith.constant 0 : index
      %get3A_632 = vector.load %arg24[%get3A_630, %get3A_631] : memref<64x128xf32, #tpu.memory_space<vmem>>, vector<1x128xf32>
      %reduce_max3A_633 = arith.constant dense<0xFF800000> : vector<128xf32>
      %reduce_max3A_634 = vector.multi_reduction <maximumf>, %select_n3A, %reduce_max3A_633 [0] : vector<2000x128xf32> to vector<128xf32>
      %broadcast_in_dim3A_635 = vector.shape_cast %reduce_max3A_634 : vector<128xf32> to vector<1x128xf32>
      %max3A_636 = arith.maximumf %get3A_632, %broadcast_in_dim3A_635 : vector<1x128xf32>
      %swap3A_637 = arith.constant 5 : index
      %swap3A_638 = arith.constant 0 : index
      %swap3A_639 = vector.load %arg24[%swap3A_637, %swap3A_638] : memref<64x128xf32, #tpu.memory_space<vmem>>, vector<1x128xf32>
      tpu.vector_store %arg24[%swap3A_637, %swap3A_638], %max3A_636 {strides = array<i32>} : memref<64x128xf32, #tpu.memory_space<vmem>>, vector<1x128xf32>,
    } else {
    }
    %le3A_156 = arith.constant 6 : i32
    %le3A_157 = arith.cmpi sle, %reduce_min3A_106, %le3A_156 : i32
    %ge3A_158 = arith.constant 6 : i32
    %ge3A_159 = arith.cmpi sge, %reduce_max3A_110, %ge3A_158 : i32
    %and3A_160 = arith.andi %le3A_157, %ge3A_159 : i1
    %convert_element_type3A_161 = arith.extui %and3A_160 : i1 to i32
    %cond3A_162 = arith.constant 0 : i32
    %cond3A_163 = arith.cmpi ne, %convert_element_type3A_161, %cond3A_162 : i32
    scf.if %cond3A_163 {
      %eq3A_625 = arith.constant 6 : i32
      %eq3A_626 = vector.broadcast %eq3A_625 : i32 to vector<2000x1xi32>
      %eq3A_627 = arith.cmpi eq, %get3A_73, %eq3A_626 : vector<2000x1xi32>
      %jit3A = arith.constant 0xFF800000 : f32
      %broadcast_in_dim3A = vector.shape_cast %eq3A_627 : vector<2000x1xi1> to vector<2000x1xi1>
      %broadcast_in_dim3A_628 = vector.broadcast %broadcast_in_dim3A : vector<2000x1xi1> to vector<2000x128xi1>
      %broadcast_in_dim3A_629 = vector.broadcast %jit3A : f32 to vector<2000x128xf32>
      %select_n3A = arith.select %broadcast_in_dim3A_628, %add3A_68, %broadcast_in_dim3A_629 : vector<2000x128xi1>, vector<2000x128xf32>
      %get3A_630 = arith.constant 6 : index
      %get3A_631 = arith.constant 0 : index
      %get3A_632 = vector.load %arg24[%get3A_630, %get3A_631] : memref<64x128xf32, #tpu.memory_space<vmem>>, vector<1x128xf32>
      %reduce_max3A_633 = arith.constant dense<0xFF800000> : vector<128xf32>
      %reduce_max3A_634 = vector.multi_reduction <maximumf>, %select_n3A, %reduce_max3A_633 [0] : vector<2000x128xf32> to vector<128xf32>
      %broadcast_in_dim3A_635 = vector.shape_cast %reduce_max3A_634 : vector<128xf32> to vector<1x128xf32>
      %max3A_636 = arith.maximumf %get3A_632, %broadcast_in_dim3A_635 : vector<1x128xf32>
      %swap3A_637 = arith.constant 6 : index
      %swap3A_638 = arith.constant 0 : index
      %swap3A_639 = vector.load %arg24[%swap3A_637, %swap3A_638] : memref<64x128xf32, #tpu.memory_space<vmem>>, vector<1x128xf32>
      tpu.vector_store %arg24[%swap3A_637, %swap3A_638], %max3A_636 {strides = array<i32>} : memref<64x128xf32, #tpu.memory_space<vmem>>, vector<1x128xf32>,
    } else {
    }
    %le3A_164 = arith.constant 7 : i32
    %le3A_165 = arith.cmpi sle, %reduce_min3A_106, %le3A_164 : i32
    %ge3A_166 = arith.constant 7 : i32
    %ge3A_167 = arith.cmpi sge, %reduce_max3A_110, %ge3A_166 : i32
    %and3A_168 = arith.andi %le3A_165, %ge3A_167 : i1
    %convert_element_type3A_169 = arith.extui %and3A_168 : i1 to i32
    %cond3A_170 = arith.constant 0 : i32
    %cond3A_171 = arith.cmpi ne, %convert_element_type3A_169, %cond3A_170 : i32
    scf.if %cond3A_171 {
      %eq3A_625 = arith.constant 7 : i32
      %eq3A_626 = vector.broadcast %eq3A_625 : i32 to vector<2000x1xi32>
      %eq3A_627 = arith.cmpi eq, %get3A_73, %eq3A_626 : vector<2000x1xi32>
      %jit3A = arith.constant 0xFF800000 : f32
      %broadcast_in_dim3A = vector.shape_cast %eq3A_627 : vector<2000x1xi1> to vector<2000x1xi1>
      %broadcast_in_dim3A_628 = vector.broadcast %broadcast_in_dim3A : vector<2000x1xi1> to vector<2000x128xi1>
      %broadcast_in_dim3A_629 = vector.broadcast %jit3A : f32 to vector<2000x128xf32>
      %select_n3A = arith.select %broadcast_in_dim3A_628, %add3A_68, %broadcast_in_dim3A_629 : vector<2000x128xi1>, vector<2000x128xf32>
      %get3A_630 = arith.constant 7 : index
      %get3A_631 = arith.constant 0 : index
      %get3A_632 = vector.load %arg24[%get3A_630, %get3A_631] : memref<64x128xf32, #tpu.memory_space<vmem>>, vector<1x128xf32>
      %reduce_max3A_633 = arith.constant dense<0xFF800000> : vector<128xf32>
      %reduce_max3A_634 = vector.multi_reduction <maximumf>, %select_n3A, %reduce_max3A_633 [0] : vector<2000x128xf32> to vector<128xf32>
      %broadcast_in_dim3A_635 = vector.shape_cast %reduce_max3A_634 : vector<128xf32> to vector<1x128xf32>
      %max3A_636 = arith.maximumf %get3A_632, %broadcast_in_dim3A_635 : vector<1x128xf32>
      %swap3A_637 = arith.constant 7 : index
      %swap3A_638 = arith.constant 0 : index
      %swap3A_639 = vector.load %arg24[%swap3A_637, %swap3A_638] : memref<64x128xf32, #tpu.memory_space<vmem>>, vector<1x128xf32>
      tpu.vector_store %arg24[%swap3A_637, %swap3A_638], %max3A_636 {strides = array<i32>} : memref<64x128xf32, #tpu.memory_space<vmem>>, vector<1x128xf32>,
    } else {
    }
    %le3A_172 = arith.constant 8 : i32
    %le3A_173 = arith.cmpi sle, %reduce_min3A_106, %le3A_172 : i32
    %ge3A_174 = arith.constant 8 : i32
    %ge3A_175 = arith.cmpi sge, %reduce_max3A_110, %ge3A_174 : i32
    %and3A_176 = arith.andi %le3A_173, %ge3A_175 : i1
    %convert_element_type3A_177 = arith.extui %and3A_176 : i1 to i32
    %cond3A_178 = arith.constant 0 : i32
    %cond3A_179 = arith.cmpi ne, %convert_element_type3A_177, %cond3A_178 : i32
    scf.if %cond3A_179 {
      %eq3A_625 = arith.constant 8 : i32
      %eq3A_626 = vector.broadcast %eq3A_625 : i32 to vector<2000x1xi32>
      %eq3A_627 = arith.cmpi eq, %get3A_73, %eq3A_626 : vector<2000x1xi32>
      %jit3A = arith.constant 0xFF800000 : f32
      %broadcast_in_dim3A = vector.shape_cast %eq3A_627 : vector<2000x1xi1> to vector<2000x1xi1>
      %broadcast_in_dim3A_628 = vector.broadcast %broadcast_in_dim3A : vector<2000x1xi1> to vector<2000x128xi1>
      %broadcast_in_dim3A_629 = vector.broadcast %jit3A : f32 to vector<2000x128xf32>
      %select_n3A = arith.select %broadcast_in_dim3A_628, %add3A_68, %broadcast_in_dim3A_629 : vector<2000x128xi1>, vector<2000x128xf32>
      %get3A_630 = arith.constant 8 : index
      %get3A_631 = arith.constant 0 : index
      %get3A_632 = vector.load %arg24[%get3A_630, %get3A_631] : memref<64x128xf32, #tpu.memory_space<vmem>>, vector<1x128xf32>
      %reduce_max3A_633 = arith.constant dense<0xFF800000> : vector<128xf32>
      %reduce_max3A_634 = vector.multi_reduction <maximumf>, %select_n3A, %reduce_max3A_633 [0] : vector<2000x128xf32> to vector<128xf32>
      %broadcast_in_dim3A_635 = vector.shape_cast %reduce_max3A_634 : vector<128xf32> to vector<1x128xf32>
      %max3A_636 = arith.maximumf %get3A_632, %broadcast_in_dim3A_635 : vector<1x128xf32>
      %swap3A_637 = arith.constant 8 : index
      %swap3A_638 = arith.constant 0 : index
      %swap3A_639 = vector.load %arg24[%swap3A_637, %swap3A_638] : memref<64x128xf32, #tpu.memory_space<vmem>>, vector<1x128xf32>
      tpu.vector_store %arg24[%swap3A_637, %swap3A_638], %max3A_636 {strides = array<i32>} : memref<64x128xf32, #tpu.memory_space<vmem>>, vector<1x128xf32>,
    } else {
    }
    %le3A_180 = arith.constant 9 : i32
    %le3A_181 = arith.cmpi sle, %reduce_min3A_106, %le3A_180 : i32
    %ge3A_182 = arith.constant 9 : i32
    %ge3A_183 = arith.cmpi sge, %reduce_max3A_110, %ge3A_182 : i32
    %and3A_184 = arith.andi %le3A_181, %ge3A_183 : i1
    %convert_element_type3A_185 = arith.extui %and3A_184 : i1 to i32
    %cond3A_186 = arith.constant 0 : i32
    %cond3A_187 = arith.cmpi ne, %convert_element_type3A_185, %cond3A_186 : i32
    scf.if %cond3A_187 {
      %eq3A_625 = arith.constant 9 : i32
      %eq3A_626 = vector.broadcast %eq3A_625 : i32 to vector<2000x1xi32>
      %eq3A_627 = arith.cmpi eq, %get3A_73, %eq3A_626 : vector<2000x1xi32>
      %jit3A = arith.constant 0xFF800000 : f32
      %broadcast_in_dim3A = vector.shape_cast %eq3A_627 : vector<2000x1xi1> to vector<2000x1xi1>
      %broadcast_in_dim3A_628 = vector.broadcast %broadcast_in_dim3A : vector<2000x1xi1> to vector<2000x128xi1>
      %broadcast_in_dim3A_629 = vector.broadcast %jit3A : f32 to vector<2000x128xf32>
      %select_n3A = arith.select %broadcast_in_dim3A_628, %add3A_68, %broadcast_in_dim3A_629 : vector<2000x128xi1>, vector<2000x128xf32>
      %get3A_630 = arith.constant 9 : index
      %get3A_631 = arith.constant 0 : index
      %get3A_632 = vector.load %arg24[%get3A_630, %get3A_631] : memref<64x128xf32, #tpu.memory_space<vmem>>, vector<1x128xf32>
      %reduce_max3A_633 = arith.constant dense<0xFF800000> : vector<128xf32>
      %reduce_max3A_634 = vector.multi_reduction <maximumf>, %select_n3A, %reduce_max3A_633 [0] : vector<2000x128xf32> to vector<128xf32>
      %broadcast_in_dim3A_635 = vector.shape_cast %reduce_max3A_634 : vector<128xf32> to vector<1x128xf32>
      %max3A_636 = arith.maximumf %get3A_632, %broadcast_in_dim3A_635 : vector<1x128xf32>
      %swap3A_637 = arith.constant 9 : index
      %swap3A_638 = arith.constant 0 : index
      %swap3A_639 = vector.load %arg24[%swap3A_637, %swap3A_638] : memref<64x128xf32, #tpu.memory_space<vmem>>, vector<1x128xf32>
      tpu.vector_store %arg24[%swap3A_637, %swap3A_638], %max3A_636 {strides = array<i32>} : memref<64x128xf32, #tpu.memory_space<vmem>>, vector<1x128xf32>,
    } else {
    }
    %le3A_188 = arith.constant 10 : i32
    %le3A_189 = arith.cmpi sle, %reduce_min3A_106, %le3A_188 : i32
    %ge3A_190 = arith.constant 10 : i32
    %ge3A_191 = arith.cmpi sge, %reduce_max3A_110, %ge3A_190 : i32
    %and3A_192 = arith.andi %le3A_189, %ge3A_191 : i1
    %convert_element_type3A_193 = arith.extui %and3A_192 : i1 to i32
    %cond3A_194 = arith.constant 0 : i32
    %cond3A_195 = arith.cmpi ne, %convert_element_type3A_193, %cond3A_194 : i32
    scf.if %cond3A_195 {
      %eq3A_625 = arith.constant 10 : i32
      %eq3A_626 = vector.broadcast %eq3A_625 : i32 to vector<2000x1xi32>
      %eq3A_627 = arith.cmpi eq, %get3A_73, %eq3A_626 : vector<2000x1xi32>
      %jit3A = arith.constant 0xFF800000 : f32
      %broadcast_in_dim3A = vector.shape_cast %eq3A_627 : vector<2000x1xi1> to vector<2000x1xi1>
      %broadcast_in_dim3A_628 = vector.broadcast %broadcast_in_dim3A : vector<2000x1xi1> to vector<2000x128xi1>
      %broadcast_in_dim3A_629 = vector.broadcast %jit3A : f32 to vector<2000x128xf32>
      %select_n3A = arith.select %broadcast_in_dim3A_628, %add3A_68, %broadcast_in_dim3A_629 : vector<2000x128xi1>, vector<2000x128xf32>
      %get3A_630 = arith.constant 10 : index
      %get3A_631 = arith.constant 0 : index
      %get3A_632 = vector.load %arg24[%get3A_630, %get3A_631] : memref<64x128xf32, #tpu.memory_space<vmem>>, vector<1x128xf32>
      %reduce_max3A_633 = arith.constant dense<0xFF800000> : vector<128xf32>
      %reduce_max3A_634 = vector.multi_reduction <maximumf>, %select_n3A, %reduce_max3A_633 [0] : vector<2000x128xf32> to vector<128xf32>
      %broadcast_in_dim3A_635 = vector.shape_cast %reduce_max3A_634 : vector<128xf32> to vector<1x128xf32>
      %max3A_636 = arith.maximumf %get3A_632, %broadcast_in_dim3A_635 : vector<1x128xf32>
      %swap3A_637 = arith.constant 10 : index
      %swap3A_638 = arith.constant 0 : index
      %swap3A_639 = vector.load %arg24[%swap3A_637, %swap3A_638] : memref<64x128xf32, #tpu.memory_space<vmem>>, vector<1x128xf32>
      tpu.vector_store %arg24[%swap3A_637, %swap3A_638], %max3A_636 {strides = array<i32>} : memref<64x128xf32, #tpu.memory_space<vmem>>, vector<1x128xf32>,
    } else {
    }
    %le3A_196 = arith.constant 11 : i32
    %le3A_197 = arith.cmpi sle, %reduce_min3A_106, %le3A_196 : i32
    %ge3A_198 = arith.constant 11 : i32
    %ge3A_199 = arith.cmpi sge, %reduce_max3A_110, %ge3A_198 : i32
    %and3A_200 = arith.andi %le3A_197, %ge3A_199 : i1
    %convert_element_type3A_201 = arith.extui %and3A_200 : i1 to i32
    %cond3A_202 = arith.constant 0 : i32
    %cond3A_203 = arith.cmpi ne, %convert_element_type3A_201, %cond3A_202 : i32
    scf.if %cond3A_203 {
      %eq3A_625 = arith.constant 11 : i32
      %eq3A_626 = vector.broadcast %eq3A_625 : i32 to vector<2000x1xi32>
      %eq3A_627 = arith.cmpi eq, %get3A_73, %eq3A_626 : vector<2000x1xi32>
      %jit3A = arith.constant 0xFF800000 : f32
      %broadcast_in_dim3A = vector.shape_cast %eq3A_627 : vector<2000x1xi1> to vector<2000x1xi1>
      %broadcast_in_dim3A_628 = vector.broadcast %broadcast_in_dim3A : vector<2000x1xi1> to vector<2000x128xi1>
      %broadcast_in_dim3A_629 = vector.broadcast %jit3A : f32 to vector<2000x128xf32>
      %select_n3A = arith.select %broadcast_in_dim3A_628, %add3A_68, %broadcast_in_dim3A_629 : vector<2000x128xi1>, vector<2000x128xf32>
      %get3A_630 = arith.constant 11 : index
      %get3A_631 = arith.constant 0 : index
      %get3A_632 = vector.load %arg24[%get3A_630, %get3A_631] : memref<64x128xf32, #tpu.memory_space<vmem>>, vector<1x128xf32>
      %reduce_max3A_633 = arith.constant dense<0xFF800000> : vector<128xf32>
      %reduce_max3A_634 = vector.multi_reduction <maximumf>, %select_n3A, %reduce_max3A_633 [0] : vector<2000x128xf32> to vector<128xf32>
      %broadcast_in_dim3A_635 = vector.shape_cast %reduce_max3A_634 : vector<128xf32> to vector<1x128xf32>
      %max3A_636 = arith.maximumf %get3A_632, %broadcast_in_dim3A_635 : vector<1x128xf32>
      %swap3A_637 = arith.constant 11 : index
      %swap3A_638 = arith.constant 0 : index
      %swap3A_639 = vector.load %arg24[%swap3A_637, %swap3A_638] : memref<64x128xf32, #tpu.memory_space<vmem>>, vector<1x128xf32>
      tpu.vector_store %arg24[%swap3A_637, %swap3A_638], %max3A_636 {strides = array<i32>} : memref<64x128xf32, #tpu.memory_space<vmem>>, vector<1x128xf32>,
    } else {
    }
    %le3A_204 = arith.constant 12 : i32
    %le3A_205 = arith.cmpi sle, %reduce_min3A_106, %le3A_204 : i32
    %ge3A_206 = arith.constant 12 : i32
    %ge3A_207 = arith.cmpi sge, %reduce_max3A_110, %ge3A_206 : i32
    %and3A_208 = arith.andi %le3A_205, %ge3A_207 : i1
    %convert_element_type3A_209 = arith.extui %and3A_208 : i1 to i32
    %cond3A_210 = arith.constant 0 : i32
    %cond3A_211 = arith.cmpi ne, %convert_element_type3A_209, %cond3A_210 : i32
    scf.if %cond3A_211 {
      %eq3A_625 = arith.constant 12 : i32
      %eq3A_626 = vector.broadcast %eq3A_625 : i32 to vector<2000x1xi32>
      %eq3A_627 = arith.cmpi eq, %get3A_73, %eq3A_626 : vector<2000x1xi32>
      %jit3A = arith.constant 0xFF800000 : f32
      %broadcast_in_dim3A = vector.shape_cast %eq3A_627 : vector<2000x1xi1> to vector<2000x1xi1>
      %broadcast_in_dim3A_628 = vector.broadcast %broadcast_in_dim3A : vector<2000x1xi1> to vector<2000x128xi1>
      %broadcast_in_dim3A_629 = vector.broadcast %jit3A : f32 to vector<2000x128xf32>
      %select_n3A = arith.select %broadcast_in_dim3A_628, %add3A_68, %broadcast_in_dim3A_629 : vector<2000x128xi1>, vector<2000x128xf32>
      %get3A_630 = arith.constant 12 : index
      %get3A_631 = arith.constant 0 : index
      %get3A_632 = vector.load %arg24[%get3A_630, %get3A_631] : memref<64x128xf32, #tpu.memory_space<vmem>>, vector<1x128xf32>
      %reduce_max3A_633 = arith.constant dense<0xFF800000> : vector<128xf32>
      %reduce_max3A_634 = vector.multi_reduction <maximumf>, %select_n3A, %reduce_max3A_633 [0] : vector<2000x128xf32> to vector<128xf32>
      %broadcast_in_dim3A_635 = vector.shape_cast %reduce_max3A_634 : vector<128xf32> to vector<1x128xf32>
      %max3A_636 = arith.maximumf %get3A_632, %broadcast_in_dim3A_635 : vector<1x128xf32>
      %swap3A_637 = arith.constant 12 : index
      %swap3A_638 = arith.constant 0 : index
      %swap3A_639 = vector.load %arg24[%swap3A_637, %swap3A_638] : memref<64x128xf32, #tpu.memory_space<vmem>>, vector<1x128xf32>
      tpu.vector_store %arg24[%swap3A_637, %swap3A_638], %max3A_636 {strides = array<i32>} : memref<64x128xf32, #tpu.memory_space<vmem>>, vector<1x128xf32>,
    } else {
    }
    %le3A_212 = arith.constant 13 : i32
    %le3A_213 = arith.cmpi sle, %reduce_min3A_106, %le3A_212 : i32
    %ge3A_214 = arith.constant 13 : i32
    %ge3A_215 = arith.cmpi sge, %reduce_max3A_110, %ge3A_214 : i32
    %and3A_216 = arith.andi %le3A_213, %ge3A_215 : i1
    %convert_element_type3A_217 = arith.extui %and3A_216 : i1 to i32
    %cond3A_218 = arith.constant 0 : i32
    %cond3A_219 = arith.cmpi ne, %convert_element_type3A_217, %cond3A_218 : i32
    scf.if %cond3A_219 {
      %eq3A_625 = arith.constant 13 : i32
      %eq3A_626 = vector.broadcast %eq3A_625 : i32 to vector<2000x1xi32>
      %eq3A_627 = arith.cmpi eq, %get3A_73, %eq3A_626 : vector<2000x1xi32>
      %jit3A = arith.constant 0xFF800000 : f32
      %broadcast_in_dim3A = vector.shape_cast %eq3A_627 : vector<2000x1xi1> to vector<2000x1xi1>
      %broadcast_in_dim3A_628 = vector.broadcast %broadcast_in_dim3A : vector<2000x1xi1> to vector<2000x128xi1>
      %broadcast_in_dim3A_629 = vector.broadcast %jit3A : f32 to vector<2000x128xf32>
      %select_n3A = arith.select %broadcast_in_dim3A_628, %add3A_68, %broadcast_in_dim3A_629 : vector<2000x128xi1>, vector<2000x128xf32>
      %get3A_630 = arith.constant 13 : index
      %get3A_631 = arith.constant 0 : index
      %get3A_632 = vector.load %arg24[%get3A_630, %get3A_631] : memref<64x128xf32, #tpu.memory_space<vmem>>, vector<1x128xf32>
      %reduce_max3A_633 = arith.constant dense<0xFF800000> : vector<128xf32>
      %reduce_max3A_634 = vector.multi_reduction <maximumf>, %select_n3A, %reduce_max3A_633 [0] : vector<2000x128xf32> to vector<128xf32>
      %broadcast_in_dim3A_635 = vector.shape_cast %reduce_max3A_634 : vector<128xf32> to vector<1x128xf32>
      %max3A_636 = arith.maximumf %get3A_632, %broadcast_in_dim3A_635 : vector<1x128xf32>
      %swap3A_637 = arith.constant 13 : index
      %swap3A_638 = arith.constant 0 : index
      %swap3A_639 = vector.load %arg24[%swap3A_637, %swap3A_638] : memref<64x128xf32, #tpu.memory_space<vmem>>, vector<1x128xf32>
      tpu.vector_store %arg24[%swap3A_637, %swap3A_638], %max3A_636 {strides = array<i32>} : memref<64x128xf32, #tpu.memory_space<vmem>>, vector<1x128xf32>,
    } else {
    }
    %le3A_220 = arith.constant 14 : i32
    %le3A_221 = arith.cmpi sle, %reduce_min3A_106, %le3A_220 : i32
    %ge3A_222 = arith.constant 14 : i32
    %ge3A_223 = arith.cmpi sge, %reduce_max3A_110, %ge3A_222 : i32
    %and3A_224 = arith.andi %le3A_221, %ge3A_223 : i1
    %convert_element_type3A_225 = arith.extui %and3A_224 : i1 to i32
    %cond3A_226 = arith.constant 0 : i32
    %cond3A_227 = arith.cmpi ne, %convert_element_type3A_225, %cond3A_226 : i32
    scf.if %cond3A_227 {
      %eq3A_625 = arith.constant 14 : i32
      %eq3A_626 = vector.broadcast %eq3A_625 : i32 to vector<2000x1xi32>
      %eq3A_627 = arith.cmpi eq, %get3A_73, %eq3A_626 : vector<2000x1xi32>
      %jit3A = arith.constant 0xFF800000 : f32
      %broadcast_in_dim3A = vector.shape_cast %eq3A_627 : vector<2000x1xi1> to vector<2000x1xi1>
      %broadcast_in_dim3A_628 = vector.broadcast %broadcast_in_dim3A : vector<2000x1xi1> to vector<2000x128xi1>
      %broadcast_in_dim3A_629 = vector.broadcast %jit3A : f32 to vector<2000x128xf32>
      %select_n3A = arith.select %broadcast_in_dim3A_628, %add3A_68, %broadcast_in_dim3A_629 : vector<2000x128xi1>, vector<2000x128xf32>
      %get3A_630 = arith.constant 14 : index
      %get3A_631 = arith.constant 0 : index
      %get3A_632 = vector.load %arg24[%get3A_630, %get3A_631] : memref<64x128xf32, #tpu.memory_space<vmem>>, vector<1x128xf32>
      %reduce_max3A_633 = arith.constant dense<0xFF800000> : vector<128xf32>
      %reduce_max3A_634 = vector.multi_reduction <maximumf>, %select_n3A, %reduce_max3A_633 [0] : vector<2000x128xf32> to vector<128xf32>
      %broadcast_in_dim3A_635 = vector.shape_cast %reduce_max3A_634 : vector<128xf32> to vector<1x128xf32>
      %max3A_636 = arith.maximumf %get3A_632, %broadcast_in_dim3A_635 : vector<1x128xf32>
      %swap3A_637 = arith.constant 14 : index
      %swap3A_638 = arith.constant 0 : index
      %swap3A_639 = vector.load %arg24[%swap3A_637, %swap3A_638] : memref<64x128xf32, #tpu.memory_space<vmem>>, vector<1x128xf32>
      tpu.vector_store %arg24[%swap3A_637, %swap3A_638], %max3A_636 {strides = array<i32>} : memref<64x128xf32, #tpu.memory_space<vmem>>, vector<1x128xf32>,
    } else {
    }
    %le3A_228 = arith.constant 15 : i32
    %le3A_229 = arith.cmpi sle, %reduce_min3A_106, %le3A_228 : i32
    %ge3A_230 = arith.constant 15 : i32
    %ge3A_231 = arith.cmpi sge, %reduce_max3A_110, %ge3A_230 : i32
    %and3A_232 = arith.andi %le3A_229, %ge3A_231 : i1
    %convert_element_type3A_233 = arith.extui %and3A_232 : i1 to i32
    %cond3A_234 = arith.constant 0 : i32
    %cond3A_235 = arith.cmpi ne, %convert_element_type3A_233, %cond3A_234 : i32
    scf.if %cond3A_235 {
      %eq3A_625 = arith.constant 15 : i32
      %eq3A_626 = vector.broadcast %eq3A_625 : i32 to vector<2000x1xi32>
      %eq3A_627 = arith.cmpi eq, %get3A_73, %eq3A_626 : vector<2000x1xi32>
      %jit3A = arith.constant 0xFF800000 : f32
      %broadcast_in_dim3A = vector.shape_cast %eq3A_627 : vector<2000x1xi1> to vector<2000x1xi1>
      %broadcast_in_dim3A_628 = vector.broadcast %broadcast_in_dim3A : vector<2000x1xi1> to vector<2000x128xi1>
      %broadcast_in_dim3A_629 = vector.broadcast %jit3A : f32 to vector<2000x128xf32>
      %select_n3A = arith.select %broadcast_in_dim3A_628, %add3A_68, %broadcast_in_dim3A_629 : vector<2000x128xi1>, vector<2000x128xf32>
      %get3A_630 = arith.constant 15 : index
      %get3A_631 = arith.constant 0 : index
      %get3A_632 = vector.load %arg24[%get3A_630, %get3A_631] : memref<64x128xf32, #tpu.memory_space<vmem>>, vector<1x128xf32>
      %reduce_max3A_633 = arith.constant dense<0xFF800000> : vector<128xf32>
      %reduce_max3A_634 = vector.multi_reduction <maximumf>, %select_n3A, %reduce_max3A_633 [0] : vector<2000x128xf32> to vector<128xf32>
      %broadcast_in_dim3A_635 = vector.shape_cast %reduce_max3A_634 : vector<128xf32> to vector<1x128xf32>
      %max3A_636 = arith.maximumf %get3A_632, %broadcast_in_dim3A_635 : vector<1x128xf32>
      %swap3A_637 = arith.constant 15 : index
      %swap3A_638 = arith.constant 0 : index
      %swap3A_639 = vector.load %arg24[%swap3A_637, %swap3A_638] : memref<64x128xf32, #tpu.memory_space<vmem>>, vector<1x128xf32>
      tpu.vector_store %arg24[%swap3A_637, %swap3A_638], %max3A_636 {strides = array<i32>} : memref<64x128xf32, #tpu.memory_space<vmem>>, vector<1x128xf32>,
    } else {
    }
    %le3A_236 = arith.constant 16 : i32
    %le3A_237 = arith.cmpi sle, %reduce_min3A_106, %le3A_236 : i32
    %ge3A_238 = arith.constant 16 : i32
    %ge3A_239 = arith.cmpi sge, %reduce_max3A_110, %ge3A_238 : i32
    %and3A_240 = arith.andi %le3A_237, %ge3A_239 : i1
    %convert_element_type3A_241 = arith.extui %and3A_240 : i1 to i32
    %cond3A_242 = arith.constant 0 : i32
    %cond3A_243 = arith.cmpi ne, %convert_element_type3A_241, %cond3A_242 : i32
    scf.if %cond3A_243 {
      %eq3A_625 = arith.constant 16 : i32
      %eq3A_626 = vector.broadcast %eq3A_625 : i32 to vector<2000x1xi32>
      %eq3A_627 = arith.cmpi eq, %get3A_73, %eq3A_626 : vector<2000x1xi32>
      %jit3A = arith.constant 0xFF800000 : f32
      %broadcast_in_dim3A = vector.shape_cast %eq3A_627 : vector<2000x1xi1> to vector<2000x1xi1>
      %broadcast_in_dim3A_628 = vector.broadcast %broadcast_in_dim3A : vector<2000x1xi1> to vector<2000x128xi1>
      %broadcast_in_dim3A_629 = vector.broadcast %jit3A : f32 to vector<2000x128xf32>
      %select_n3A = arith.select %broadcast_in_dim3A_628, %add3A_68, %broadcast_in_dim3A_629 : vector<2000x128xi1>, vector<2000x128xf32>
      %get3A_630 = arith.constant 16 : index
      %get3A_631 = arith.constant 0 : index
      %get3A_632 = vector.load %arg24[%get3A_630, %get3A_631] : memref<64x128xf32, #tpu.memory_space<vmem>>, vector<1x128xf32>
      %reduce_max3A_633 = arith.constant dense<0xFF800000> : vector<128xf32>
      %reduce_max3A_634 = vector.multi_reduction <maximumf>, %select_n3A, %reduce_max3A_633 [0] : vector<2000x128xf32> to vector<128xf32>
      %broadcast_in_dim3A_635 = vector.shape_cast %reduce_max3A_634 : vector<128xf32> to vector<1x128xf32>
      %max3A_636 = arith.maximumf %get3A_632, %broadcast_in_dim3A_635 : vector<1x128xf32>
      %swap3A_637 = arith.constant 16 : index
      %swap3A_638 = arith.constant 0 : index
      %swap3A_639 = vector.load %arg24[%swap3A_637, %swap3A_638] : memref<64x128xf32, #tpu.memory_space<vmem>>, vector<1x128xf32>
      tpu.vector_store %arg24[%swap3A_637, %swap3A_638], %max3A_636 {strides = array<i32>} : memref<64x128xf32, #tpu.memory_space<vmem>>, vector<1x128xf32>,
    } else {
    }
    %le3A_244 = arith.constant 17 : i32
    %le3A_245 = arith.cmpi sle, %reduce_min3A_106, %le3A_244 : i32
    %ge3A_246 = arith.constant 17 : i32
    %ge3A_247 = arith.cmpi sge, %reduce_max3A_110, %ge3A_246 : i32
    %and3A_248 = arith.andi %le3A_245, %ge3A_247 : i1
    %convert_element_type3A_249 = arith.extui %and3A_248 : i1 to i32
    %cond3A_250 = arith.constant 0 : i32
    %cond3A_251 = arith.cmpi ne, %convert_element_type3A_249, %cond3A_250 : i32
    scf.if %cond3A_251 {
      %eq3A_625 = arith.constant 17 : i32
      %eq3A_626 = vector.broadcast %eq3A_625 : i32 to vector<2000x1xi32>
      %eq3A_627 = arith.cmpi eq, %get3A_73, %eq3A_626 : vector<2000x1xi32>
      %jit3A = arith.constant 0xFF800000 : f32
      %broadcast_in_dim3A = vector.shape_cast %eq3A_627 : vector<2000x1xi1> to vector<2000x1xi1>
      %broadcast_in_dim3A_628 = vector.broadcast %broadcast_in_dim3A : vector<2000x1xi1> to vector<2000x128xi1>
      %broadcast_in_dim3A_629 = vector.broadcast %jit3A : f32 to vector<2000x128xf32>
      %select_n3A = arith.select %broadcast_in_dim3A_628, %add3A_68, %broadcast_in_dim3A_629 : vector<2000x128xi1>, vector<2000x128xf32>
      %get3A_630 = arith.constant 17 : index
      %get3A_631 = arith.constant 0 : index
      %get3A_632 = vector.load %arg24[%get3A_630, %get3A_631] : memref<64x128xf32, #tpu.memory_space<vmem>>, vector<1x128xf32>
      %reduce_max3A_633 = arith.constant dense<0xFF800000> : vector<128xf32>
      %reduce_max3A_634 = vector.multi_reduction <maximumf>, %select_n3A, %reduce_max3A_633 [0] : vector<2000x128xf32> to vector<128xf32>
      %broadcast_in_dim3A_635 = vector.shape_cast %reduce_max3A_634 : vector<128xf32> to vector<1x128xf32>
      %max3A_636 = arith.maximumf %get3A_632, %broadcast_in_dim3A_635 : vector<1x128xf32>
      %swap3A_637 = arith.constant 17 : index
      %swap3A_638 = arith.constant 0 : index
      %swap3A_639 = vector.load %arg24[%swap3A_637, %swap3A_638] : memref<64x128xf32, #tpu.memory_space<vmem>>, vector<1x128xf32>
      tpu.vector_store %arg24[%swap3A_637, %swap3A_638], %max3A_636 {strides = array<i32>} : memref<64x128xf32, #tpu.memory_space<vmem>>, vector<1x128xf32>,
    } else {
    }
    %le3A_252 = arith.constant 18 : i32
    %le3A_253 = arith.cmpi sle, %reduce_min3A_106, %le3A_252 : i32
    %ge3A_254 = arith.constant 18 : i32
    %ge3A_255 = arith.cmpi sge, %reduce_max3A_110, %ge3A_254 : i32
    %and3A_256 = arith.andi %le3A_253, %ge3A_255 : i1
    %convert_element_type3A_257 = arith.extui %and3A_256 : i1 to i32
    %cond3A_258 = arith.constant 0 : i32
    %cond3A_259 = arith.cmpi ne, %convert_element_type3A_257, %cond3A_258 : i32
    scf.if %cond3A_259 {
      %eq3A_625 = arith.constant 18 : i32
      %eq3A_626 = vector.broadcast %eq3A_625 : i32 to vector<2000x1xi32>
      %eq3A_627 = arith.cmpi eq, %get3A_73, %eq3A_626 : vector<2000x1xi32>
      %jit3A = arith.constant 0xFF800000 : f32
      %broadcast_in_dim3A = vector.shape_cast %eq3A_627 : vector<2000x1xi1> to vector<2000x1xi1>
      %broadcast_in_dim3A_628 = vector.broadcast %broadcast_in_dim3A : vector<2000x1xi1> to vector<2000x128xi1>
      %broadcast_in_dim3A_629 = vector.broadcast %jit3A : f32 to vector<2000x128xf32>
      %select_n3A = arith.select %broadcast_in_dim3A_628, %add3A_68, %broadcast_in_dim3A_629 : vector<2000x128xi1>, vector<2000x128xf32>
      %get3A_630 = arith.constant 18 : index
      %get3A_631 = arith.constant 0 : index
      %get3A_632 = vector.load %arg24[%get3A_630, %get3A_631] : memref<64x128xf32, #tpu.memory_space<vmem>>, vector<1x128xf32>
      %reduce_max3A_633 = arith.constant dense<0xFF800000> : vector<128xf32>
      %reduce_max3A_634 = vector.multi_reduction <maximumf>, %select_n3A, %reduce_max3A_633 [0] : vector<2000x128xf32> to vector<128xf32>
      %broadcast_in_dim3A_635 = vector.shape_cast %reduce_max3A_634 : vector<128xf32> to vector<1x128xf32>
      %max3A_636 = arith.maximumf %get3A_632, %broadcast_in_dim3A_635 : vector<1x128xf32>
      %swap3A_637 = arith.constant 18 : index
      %swap3A_638 = arith.constant 0 : index
      %swap3A_639 = vector.load %arg24[%swap3A_637, %swap3A_638] : memref<64x128xf32, #tpu.memory_space<vmem>>, vector<1x128xf32>
      tpu.vector_store %arg24[%swap3A_637, %swap3A_638], %max3A_636 {strides = array<i32>} : memref<64x128xf32, #tpu.memory_space<vmem>>, vector<1x128xf32>,
    } else {
    }
    %le3A_260 = arith.constant 19 : i32
    %le3A_261 = arith.cmpi sle, %reduce_min3A_106, %le3A_260 : i32
    %ge3A_262 = arith.constant 19 : i32
    %ge3A_263 = arith.cmpi sge, %reduce_max3A_110, %ge3A_262 : i32
    %and3A_264 = arith.andi %le3A_261, %ge3A_263 : i1
    %convert_element_type3A_265 = arith.extui %and3A_264 : i1 to i32
    %cond3A_266 = arith.constant 0 : i32
    %cond3A_267 = arith.cmpi ne, %convert_element_type3A_265, %cond3A_266 : i32
    scf.if %cond3A_267 {
      %eq3A_625 = arith.constant 19 : i32
      %eq3A_626 = vector.broadcast %eq3A_625 : i32 to vector<2000x1xi32>
      %eq3A_627 = arith.cmpi eq, %get3A_73, %eq3A_626 : vector<2000x1xi32>
      %jit3A = arith.constant 0xFF800000 : f32
      %broadcast_in_dim3A = vector.shape_cast %eq3A_627 : vector<2000x1xi1> to vector<2000x1xi1>
      %broadcast_in_dim3A_628 = vector.broadcast %broadcast_in_dim3A : vector<2000x1xi1> to vector<2000x128xi1>
      %broadcast_in_dim3A_629 = vector.broadcast %jit3A : f32 to vector<2000x128xf32>
      %select_n3A = arith.select %broadcast_in_dim3A_628, %add3A_68, %broadcast_in_dim3A_629 : vector<2000x128xi1>, vector<2000x128xf32>
      %get3A_630 = arith.constant 19 : index
      %get3A_631 = arith.constant 0 : index
      %get3A_632 = vector.load %arg24[%get3A_630, %get3A_631] : memref<64x128xf32, #tpu.memory_space<vmem>>, vector<1x128xf32>
      %reduce_max3A_633 = arith.constant dense<0xFF800000> : vector<128xf32>
      %reduce_max3A_634 = vector.multi_reduction <maximumf>, %select_n3A, %reduce_max3A_633 [0] : vector<2000x128xf32> to vector<128xf32>
      %broadcast_in_dim3A_635 = vector.shape_cast %reduce_max3A_634 : vector<128xf32> to vector<1x128xf32>
      %max3A_636 = arith.maximumf %get3A_632, %broadcast_in_dim3A_635 : vector<1x128xf32>
      %swap3A_637 = arith.constant 19 : index
      %swap3A_638 = arith.constant 0 : index
      %swap3A_639 = vector.load %arg24[%swap3A_637, %swap3A_638] : memref<64x128xf32, #tpu.memory_space<vmem>>, vector<1x128xf32>
      tpu.vector_store %arg24[%swap3A_637, %swap3A_638], %max3A_636 {strides = array<i32>} : memref<64x128xf32, #tpu.memory_space<vmem>>, vector<1x128xf32>,
    } else {
    }
    %le3A_268 = arith.constant 20 : i32
    %le3A_269 = arith.cmpi sle, %reduce_min3A_106, %le3A_268 : i32
    %ge3A_270 = arith.constant 20 : i32
    %ge3A_271 = arith.cmpi sge, %reduce_max3A_110, %ge3A_270 : i32
    %and3A_272 = arith.andi %le3A_269, %ge3A_271 : i1
    %convert_element_type3A_273 = arith.extui %and3A_272 : i1 to i32
    %cond3A_274 = arith.constant 0 : i32
    %cond3A_275 = arith.cmpi ne, %convert_element_type3A_273, %cond3A_274 : i32
    scf.if %cond3A_275 {
      %eq3A_625 = arith.constant 20 : i32
      %eq3A_626 = vector.broadcast %eq3A_625 : i32 to vector<2000x1xi32>
      %eq3A_627 = arith.cmpi eq, %get3A_73, %eq3A_626 : vector<2000x1xi32>
      %jit3A = arith.constant 0xFF800000 : f32
      %broadcast_in_dim3A = vector.shape_cast %eq3A_627 : vector<2000x1xi1> to vector<2000x1xi1>
      %broadcast_in_dim3A_628 = vector.broadcast %broadcast_in_dim3A : vector<2000x1xi1> to vector<2000x128xi1>
      %broadcast_in_dim3A_629 = vector.broadcast %jit3A : f32 to vector<2000x128xf32>
      %select_n3A = arith.select %broadcast_in_dim3A_628, %add3A_68, %broadcast_in_dim3A_629 : vector<2000x128xi1>, vector<2000x128xf32>
      %get3A_630 = arith.constant 20 : index
      %get3A_631 = arith.constant 0 : index
      %get3A_632 = vector.load %arg24[%get3A_630, %get3A_631] : memref<64x128xf32, #tpu.memory_space<vmem>>, vector<1x128xf32>
      %reduce_max3A_633 = arith.constant dense<0xFF800000> : vector<128xf32>
      %reduce_max3A_634 = vector.multi_reduction <maximumf>, %select_n3A, %reduce_max3A_633 [0] : vector<2000x128xf32> to vector<128xf32>
      %broadcast_in_dim3A_635 = vector.shape_cast %reduce_max3A_634 : vector<128xf32> to vector<1x128xf32>
      %max3A_636 = arith.maximumf %get3A_632, %broadcast_in_dim3A_635 : vector<1x128xf32>
      %swap3A_637 = arith.constant 20 : index
      %swap3A_638 = arith.constant 0 : index
      %swap3A_639 = vector.load %arg24[%swap3A_637, %swap3A_638] : memref<64x128xf32, #tpu.memory_space<vmem>>, vector<1x128xf32>
      tpu.vector_store %arg24[%swap3A_637, %swap3A_638], %max3A_636 {strides = array<i32>} : memref<64x128xf32, #tpu.memory_space<vmem>>, vector<1x128xf32>,
    } else {
    }
    %le3A_276 = arith.constant 21 : i32
    %le3A_277 = arith.cmpi sle, %reduce_min3A_106, %le3A_276 : i32
    %ge3A_278 = arith.constant 21 : i32
    %ge3A_279 = arith.cmpi sge, %reduce_max3A_110, %ge3A_278 : i32
    %and3A_280 = arith.andi %le3A_277, %ge3A_279 : i1
    %convert_element_type3A_281 = arith.extui %and3A_280 : i1 to i32
    %cond3A_282 = arith.constant 0 : i32
    %cond3A_283 = arith.cmpi ne, %convert_element_type3A_281, %cond3A_282 : i32
    scf.if %cond3A_283 {
      %eq3A_625 = arith.constant 21 : i32
      %eq3A_626 = vector.broadcast %eq3A_625 : i32 to vector<2000x1xi32>
      %eq3A_627 = arith.cmpi eq, %get3A_73, %eq3A_626 : vector<2000x1xi32>
      %jit3A = arith.constant 0xFF800000 : f32
      %broadcast_in_dim3A = vector.shape_cast %eq3A_627 : vector<2000x1xi1> to vector<2000x1xi1>
      %broadcast_in_dim3A_628 = vector.broadcast %broadcast_in_dim3A : vector<2000x1xi1> to vector<2000x128xi1>
      %broadcast_in_dim3A_629 = vector.broadcast %jit3A : f32 to vector<2000x128xf32>
      %select_n3A = arith.select %broadcast_in_dim3A_628, %add3A_68, %broadcast_in_dim3A_629 : vector<2000x128xi1>, vector<2000x128xf32>
      %get3A_630 = arith.constant 21 : index
      %get3A_631 = arith.constant 0 : index
      %get3A_632 = vector.load %arg24[%get3A_630, %get3A_631] : memref<64x128xf32, #tpu.memory_space<vmem>>, vector<1x128xf32>
      %reduce_max3A_633 = arith.constant dense<0xFF800000> : vector<128xf32>
      %reduce_max3A_634 = vector.multi_reduction <maximumf>, %select_n3A, %reduce_max3A_633 [0] : vector<2000x128xf32> to vector<128xf32>
      %broadcast_in_dim3A_635 = vector.shape_cast %reduce_max3A_634 : vector<128xf32> to vector<1x128xf32>
      %max3A_636 = arith.maximumf %get3A_632, %broadcast_in_dim3A_635 : vector<1x128xf32>
      %swap3A_637 = arith.constant 21 : index
      %swap3A_638 = arith.constant 0 : index
      %swap3A_639 = vector.load %arg24[%swap3A_637, %swap3A_638] : memref<64x128xf32, #tpu.memory_space<vmem>>, vector<1x128xf32>
      tpu.vector_store %arg24[%swap3A_637, %swap3A_638], %max3A_636 {strides = array<i32>} : memref<64x128xf32, #tpu.memory_space<vmem>>, vector<1x128xf32>,
    } else {
    }
    %le3A_284 = arith.constant 22 : i32
    %le3A_285 = arith.cmpi sle, %reduce_min3A_106, %le3A_284 : i32
    %ge3A_286 = arith.constant 22 : i32
    %ge3A_287 = arith.cmpi sge, %reduce_max3A_110, %ge3A_286 : i32
    %and3A_288 = arith.andi %le3A_285, %ge3A_287 : i1
    %convert_element_type3A_289 = arith.extui %and3A_288 : i1 to i32
    %cond3A_290 = arith.constant 0 : i32
    %cond3A_291 = arith.cmpi ne, %convert_element_type3A_289, %cond3A_290 : i32
    scf.if %cond3A_291 {
      %eq3A_625 = arith.constant 22 : i32
      %eq3A_626 = vector.broadcast %eq3A_625 : i32 to vector<2000x1xi32>
      %eq3A_627 = arith.cmpi eq, %get3A_73, %eq3A_626 : vector<2000x1xi32>
      %jit3A = arith.constant 0xFF800000 : f32
      %broadcast_in_dim3A = vector.shape_cast %eq3A_627 : vector<2000x1xi1> to vector<2000x1xi1>
      %broadcast_in_dim3A_628 = vector.broadcast %broadcast_in_dim3A : vector<2000x1xi1> to vector<2000x128xi1>
      %broadcast_in_dim3A_629 = vector.broadcast %jit3A : f32 to vector<2000x128xf32>
      %select_n3A = arith.select %broadcast_in_dim3A_628, %add3A_68, %broadcast_in_dim3A_629 : vector<2000x128xi1>, vector<2000x128xf32>
      %get3A_630 = arith.constant 22 : index
      %get3A_631 = arith.constant 0 : index
      %get3A_632 = vector.load %arg24[%get3A_630, %get3A_631] : memref<64x128xf32, #tpu.memory_space<vmem>>, vector<1x128xf32>
      %reduce_max3A_633 = arith.constant dense<0xFF800000> : vector<128xf32>
      %reduce_max3A_634 = vector.multi_reduction <maximumf>, %select_n3A, %reduce_max3A_633 [0] : vector<2000x128xf32> to vector<128xf32>
      %broadcast_in_dim3A_635 = vector.shape_cast %reduce_max3A_634 : vector<128xf32> to vector<1x128xf32>
      %max3A_636 = arith.maximumf %get3A_632, %broadcast_in_dim3A_635 : vector<1x128xf32>
      %swap3A_637 = arith.constant 22 : index
      %swap3A_638 = arith.constant 0 : index
      %swap3A_639 = vector.load %arg24[%swap3A_637, %swap3A_638] : memref<64x128xf32, #tpu.memory_space<vmem>>, vector<1x128xf32>
      tpu.vector_store %arg24[%swap3A_637, %swap3A_638], %max3A_636 {strides = array<i32>} : memref<64x128xf32, #tpu.memory_space<vmem>>, vector<1x128xf32>,
    } else {
    }
    %le3A_292 = arith.constant 23 : i32
    %le3A_293 = arith.cmpi sle, %reduce_min3A_106, %le3A_292 : i32
    %ge3A_294 = arith.constant 23 : i32
    %ge3A_295 = arith.cmpi sge, %reduce_max3A_110, %ge3A_294 : i32
    %and3A_296 = arith.andi %le3A_293, %ge3A_295 : i1
    %convert_element_type3A_297 = arith.extui %and3A_296 : i1 to i32
    %cond3A_298 = arith.constant 0 : i32
    %cond3A_299 = arith.cmpi ne, %convert_element_type3A_297, %cond3A_298 : i32
    scf.if %cond3A_299 {
      %eq3A_625 = arith.constant 23 : i32
      %eq3A_626 = vector.broadcast %eq3A_625 : i32 to vector<2000x1xi32>
      %eq3A_627 = arith.cmpi eq, %get3A_73, %eq3A_626 : vector<2000x1xi32>
      %jit3A = arith.constant 0xFF800000 : f32
      %broadcast_in_dim3A = vector.shape_cast %eq3A_627 : vector<2000x1xi1> to vector<2000x1xi1>
      %broadcast_in_dim3A_628 = vector.broadcast %broadcast_in_dim3A : vector<2000x1xi1> to vector<2000x128xi1>
      %broadcast_in_dim3A_629 = vector.broadcast %jit3A : f32 to vector<2000x128xf32>
      %select_n3A = arith.select %broadcast_in_dim3A_628, %add3A_68, %broadcast_in_dim3A_629 : vector<2000x128xi1>, vector<2000x128xf32>
      %get3A_630 = arith.constant 23 : index
      %get3A_631 = arith.constant 0 : index
      %get3A_632 = vector.load %arg24[%get3A_630, %get3A_631] : memref<64x128xf32, #tpu.memory_space<vmem>>, vector<1x128xf32>
      %reduce_max3A_633 = arith.constant dense<0xFF800000> : vector<128xf32>
      %reduce_max3A_634 = vector.multi_reduction <maximumf>, %select_n3A, %reduce_max3A_633 [0] : vector<2000x128xf32> to vector<128xf32>
      %broadcast_in_dim3A_635 = vector.shape_cast %reduce_max3A_634 : vector<128xf32> to vector<1x128xf32>
      %max3A_636 = arith.maximumf %get3A_632, %broadcast_in_dim3A_635 : vector<1x128xf32>
      %swap3A_637 = arith.constant 23 : index
      %swap3A_638 = arith.constant 0 : index
      %swap3A_639 = vector.load %arg24[%swap3A_637, %swap3A_638] : memref<64x128xf32, #tpu.memory_space<vmem>>, vector<1x128xf32>
      tpu.vector_store %arg24[%swap3A_637, %swap3A_638], %max3A_636 {strides = array<i32>} : memref<64x128xf32, #tpu.memory_space<vmem>>, vector<1x128xf32>,
    } else {
    }
    %le3A_300 = arith.constant 24 : i32
    %le3A_301 = arith.cmpi sle, %reduce_min3A_106, %le3A_300 : i32
    %ge3A_302 = arith.constant 24 : i32
    %ge3A_303 = arith.cmpi sge, %reduce_max3A_110, %ge3A_302 : i32
    %and3A_304 = arith.andi %le3A_301, %ge3A_303 : i1
    %convert_element_type3A_305 = arith.extui %and3A_304 : i1 to i32
    %cond3A_306 = arith.constant 0 : i32
    %cond3A_307 = arith.cmpi ne, %convert_element_type3A_305, %cond3A_306 : i32
    scf.if %cond3A_307 {
      %eq3A_625 = arith.constant 24 : i32
      %eq3A_626 = vector.broadcast %eq3A_625 : i32 to vector<2000x1xi32>
      %eq3A_627 = arith.cmpi eq, %get3A_73, %eq3A_626 : vector<2000x1xi32>
      %jit3A = arith.constant 0xFF800000 : f32
      %broadcast_in_dim3A = vector.shape_cast %eq3A_627 : vector<2000x1xi1> to vector<2000x1xi1>
      %broadcast_in_dim3A_628 = vector.broadcast %broadcast_in_dim3A : vector<2000x1xi1> to vector<2000x128xi1>
      %broadcast_in_dim3A_629 = vector.broadcast %jit3A : f32 to vector<2000x128xf32>
      %select_n3A = arith.select %broadcast_in_dim3A_628, %add3A_68, %broadcast_in_dim3A_629 : vector<2000x128xi1>, vector<2000x128xf32>
      %get3A_630 = arith.constant 24 : index
      %get3A_631 = arith.constant 0 : index
      %get3A_632 = vector.load %arg24[%get3A_630, %get3A_631] : memref<64x128xf32, #tpu.memory_space<vmem>>, vector<1x128xf32>
      %reduce_max3A_633 = arith.constant dense<0xFF800000> : vector<128xf32>
      %reduce_max3A_634 = vector.multi_reduction <maximumf>, %select_n3A, %reduce_max3A_633 [0] : vector<2000x128xf32> to vector<128xf32>
      %broadcast_in_dim3A_635 = vector.shape_cast %reduce_max3A_634 : vector<128xf32> to vector<1x128xf32>
      %max3A_636 = arith.maximumf %get3A_632, %broadcast_in_dim3A_635 : vector<1x128xf32>
      %swap3A_637 = arith.constant 24 : index
      %swap3A_638 = arith.constant 0 : index
      %swap3A_639 = vector.load %arg24[%swap3A_637, %swap3A_638] : memref<64x128xf32, #tpu.memory_space<vmem>>, vector<1x128xf32>
      tpu.vector_store %arg24[%swap3A_637, %swap3A_638], %max3A_636 {strides = array<i32>} : memref<64x128xf32, #tpu.memory_space<vmem>>, vector<1x128xf32>,
    } else {
    }
    %le3A_308 = arith.constant 25 : i32
    %le3A_309 = arith.cmpi sle, %reduce_min3A_106, %le3A_308 : i32
    %ge3A_310 = arith.constant 25 : i32
    %ge3A_311 = arith.cmpi sge, %reduce_max3A_110, %ge3A_310 : i32
    %and3A_312 = arith.andi %le3A_309, %ge3A_311 : i1
    %convert_element_type3A_313 = arith.extui %and3A_312 : i1 to i32
    %cond3A_314 = arith.constant 0 : i32
    %cond3A_315 = arith.cmpi ne, %convert_element_type3A_313, %cond3A_314 : i32
    scf.if %cond3A_315 {
      %eq3A_625 = arith.constant 25 : i32
      %eq3A_626 = vector.broadcast %eq3A_625 : i32 to vector<2000x1xi32>
      %eq3A_627 = arith.cmpi eq, %get3A_73, %eq3A_626 : vector<2000x1xi32>
      %jit3A = arith.constant 0xFF800000 : f32
      %broadcast_in_dim3A = vector.shape_cast %eq3A_627 : vector<2000x1xi1> to vector<2000x1xi1>
      %broadcast_in_dim3A_628 = vector.broadcast %broadcast_in_dim3A : vector<2000x1xi1> to vector<2000x128xi1>
      %broadcast_in_dim3A_629 = vector.broadcast %jit3A : f32 to vector<2000x128xf32>
      %select_n3A = arith.select %broadcast_in_dim3A_628, %add3A_68, %broadcast_in_dim3A_629 : vector<2000x128xi1>, vector<2000x128xf32>
      %get3A_630 = arith.constant 25 : index
      %get3A_631 = arith.constant 0 : index
      %get3A_632 = vector.load %arg24[%get3A_630, %get3A_631] : memref<64x128xf32, #tpu.memory_space<vmem>>, vector<1x128xf32>
      %reduce_max3A_633 = arith.constant dense<0xFF800000> : vector<128xf32>
      %reduce_max3A_634 = vector.multi_reduction <maximumf>, %select_n3A, %reduce_max3A_633 [0] : vector<2000x128xf32> to vector<128xf32>
      %broadcast_in_dim3A_635 = vector.shape_cast %reduce_max3A_634 : vector<128xf32> to vector<1x128xf32>
      %max3A_636 = arith.maximumf %get3A_632, %broadcast_in_dim3A_635 : vector<1x128xf32>
      %swap3A_637 = arith.constant 25 : index
      %swap3A_638 = arith.constant 0 : index
      %swap3A_639 = vector.load %arg24[%swap3A_637, %swap3A_638] : memref<64x128xf32, #tpu.memory_space<vmem>>, vector<1x128xf32>
      tpu.vector_store %arg24[%swap3A_637, %swap3A_638], %max3A_636 {strides = array<i32>} : memref<64x128xf32, #tpu.memory_space<vmem>>, vector<1x128xf32>,
    } else {
    }
    %le3A_316 = arith.constant 26 : i32
    %le3A_317 = arith.cmpi sle, %reduce_min3A_106, %le3A_316 : i32
    %ge3A_318 = arith.constant 26 : i32
    %ge3A_319 = arith.cmpi sge, %reduce_max3A_110, %ge3A_318 : i32
    %and3A_320 = arith.andi %le3A_317, %ge3A_319 : i1
    %convert_element_type3A_321 = arith.extui %and3A_320 : i1 to i32
    %cond3A_322 = arith.constant 0 : i32
    %cond3A_323 = arith.cmpi ne, %convert_element_type3A_321, %cond3A_322 : i32
    scf.if %cond3A_323 {
      %eq3A_625 = arith.constant 26 : i32
      %eq3A_626 = vector.broadcast %eq3A_625 : i32 to vector<2000x1xi32>
      %eq3A_627 = arith.cmpi eq, %get3A_73, %eq3A_626 : vector<2000x1xi32>
      %jit3A = arith.constant 0xFF800000 : f32
      %broadcast_in_dim3A = vector.shape_cast %eq3A_627 : vector<2000x1xi1> to vector<2000x1xi1>
      %broadcast_in_dim3A_628 = vector.broadcast %broadcast_in_dim3A : vector<2000x1xi1> to vector<2000x128xi1>
      %broadcast_in_dim3A_629 = vector.broadcast %jit3A : f32 to vector<2000x128xf32>
      %select_n3A = arith.select %broadcast_in_dim3A_628, %add3A_68, %broadcast_in_dim3A_629 : vector<2000x128xi1>, vector<2000x128xf32>
      %get3A_630 = arith.constant 26 : index
      %get3A_631 = arith.constant 0 : index
      %get3A_632 = vector.load %arg24[%get3A_630, %get3A_631] : memref<64x128xf32, #tpu.memory_space<vmem>>, vector<1x128xf32>
      %reduce_max3A_633 = arith.constant dense<0xFF800000> : vector<128xf32>
      %reduce_max3A_634 = vector.multi_reduction <maximumf>, %select_n3A, %reduce_max3A_633 [0] : vector<2000x128xf32> to vector<128xf32>
      %broadcast_in_dim3A_635 = vector.shape_cast %reduce_max3A_634 : vector<128xf32> to vector<1x128xf32>
      %max3A_636 = arith.maximumf %get3A_632, %broadcast_in_dim3A_635 : vector<1x128xf32>
      %swap3A_637 = arith.constant 26 : index
      %swap3A_638 = arith.constant 0 : index
      %swap3A_639 = vector.load %arg24[%swap3A_637, %swap3A_638] : memref<64x128xf32, #tpu.memory_space<vmem>>, vector<1x128xf32>
      tpu.vector_store %arg24[%swap3A_637, %swap3A_638], %max3A_636 {strides = array<i32>} : memref<64x128xf32, #tpu.memory_space<vmem>>, vector<1x128xf32>,
    } else {
    }
    %le3A_324 = arith.constant 27 : i32
    %le3A_325 = arith.cmpi sle, %reduce_min3A_106, %le3A_324 : i32
    %ge3A_326 = arith.constant 27 : i32
    %ge3A_327 = arith.cmpi sge, %reduce_max3A_110, %ge3A_326 : i32
    %and3A_328 = arith.andi %le3A_325, %ge3A_327 : i1
    %convert_element_type3A_329 = arith.extui %and3A_328 : i1 to i32
    %cond3A_330 = arith.constant 0 : i32
    %cond3A_331 = arith.cmpi ne, %convert_element_type3A_329, %cond3A_330 : i32
    scf.if %cond3A_331 {
      %eq3A_625 = arith.constant 27 : i32
      %eq3A_626 = vector.broadcast %eq3A_625 : i32 to vector<2000x1xi32>
      %eq3A_627 = arith.cmpi eq, %get3A_73, %eq3A_626 : vector<2000x1xi32>
      %jit3A = arith.constant 0xFF800000 : f32
      %broadcast_in_dim3A = vector.shape_cast %eq3A_627 : vector<2000x1xi1> to vector<2000x1xi1>
      %broadcast_in_dim3A_628 = vector.broadcast %broadcast_in_dim3A : vector<2000x1xi1> to vector<2000x128xi1>
      %broadcast_in_dim3A_629 = vector.broadcast %jit3A : f32 to vector<2000x128xf32>
      %select_n3A = arith.select %broadcast_in_dim3A_628, %add3A_68, %broadcast_in_dim3A_629 : vector<2000x128xi1>, vector<2000x128xf32>
      %get3A_630 = arith.constant 27 : index
      %get3A_631 = arith.constant 0 : index
      %get3A_632 = vector.load %arg24[%get3A_630, %get3A_631] : memref<64x128xf32, #tpu.memory_space<vmem>>, vector<1x128xf32>
      %reduce_max3A_633 = arith.constant dense<0xFF800000> : vector<128xf32>
      %reduce_max3A_634 = vector.multi_reduction <maximumf>, %select_n3A, %reduce_max3A_633 [0] : vector<2000x128xf32> to vector<128xf32>
      %broadcast_in_dim3A_635 = vector.shape_cast %reduce_max3A_634 : vector<128xf32> to vector<1x128xf32>
      %max3A_636 = arith.maximumf %get3A_632, %broadcast_in_dim3A_635 : vector<1x128xf32>
      %swap3A_637 = arith.constant 27 : index
      %swap3A_638 = arith.constant 0 : index
      %swap3A_639 = vector.load %arg24[%swap3A_637, %swap3A_638] : memref<64x128xf32, #tpu.memory_space<vmem>>, vector<1x128xf32>
      tpu.vector_store %arg24[%swap3A_637, %swap3A_638], %max3A_636 {strides = array<i32>} : memref<64x128xf32, #tpu.memory_space<vmem>>, vector<1x128xf32>,
    } else {
    }
    %le3A_332 = arith.constant 28 : i32
    %le3A_333 = arith.cmpi sle, %reduce_min3A_106, %le3A_332 : i32
    %ge3A_334 = arith.constant 28 : i32
    %ge3A_335 = arith.cmpi sge, %reduce_max3A_110, %ge3A_334 : i32
    %and3A_336 = arith.andi %le3A_333, %ge3A_335 : i1
    %convert_element_type3A_337 = arith.extui %and3A_336 : i1 to i32
    %cond3A_338 = arith.constant 0 : i32
    %cond3A_339 = arith.cmpi ne, %convert_element_type3A_337, %cond3A_338 : i32
    scf.if %cond3A_339 {
      %eq3A_625 = arith.constant 28 : i32
      %eq3A_626 = vector.broadcast %eq3A_625 : i32 to vector<2000x1xi32>
      %eq3A_627 = arith.cmpi eq, %get3A_73, %eq3A_626 : vector<2000x1xi32>
      %jit3A = arith.constant 0xFF800000 : f32
      %broadcast_in_dim3A = vector.shape_cast %eq3A_627 : vector<2000x1xi1> to vector<2000x1xi1>
      %broadcast_in_dim3A_628 = vector.broadcast %broadcast_in_dim3A : vector<2000x1xi1> to vector<2000x128xi1>
      %broadcast_in_dim3A_629 = vector.broadcast %jit3A : f32 to vector<2000x128xf32>
      %select_n3A = arith.select %broadcast_in_dim3A_628, %add3A_68, %broadcast_in_dim3A_629 : vector<2000x128xi1>, vector<2000x128xf32>
      %get3A_630 = arith.constant 28 : index
      %get3A_631 = arith.constant 0 : index
      %get3A_632 = vector.load %arg24[%get3A_630, %get3A_631] : memref<64x128xf32, #tpu.memory_space<vmem>>, vector<1x128xf32>
      %reduce_max3A_633 = arith.constant dense<0xFF800000> : vector<128xf32>
      %reduce_max3A_634 = vector.multi_reduction <maximumf>, %select_n3A, %reduce_max3A_633 [0] : vector<2000x128xf32> to vector<128xf32>
      %broadcast_in_dim3A_635 = vector.shape_cast %reduce_max3A_634 : vector<128xf32> to vector<1x128xf32>
      %max3A_636 = arith.maximumf %get3A_632, %broadcast_in_dim3A_635 : vector<1x128xf32>
      %swap3A_637 = arith.constant 28 : index
      %swap3A_638 = arith.constant 0 : index
      %swap3A_639 = vector.load %arg24[%swap3A_637, %swap3A_638] : memref<64x128xf32, #tpu.memory_space<vmem>>, vector<1x128xf32>
      tpu.vector_store %arg24[%swap3A_637, %swap3A_638], %max3A_636 {strides = array<i32>} : memref<64x128xf32, #tpu.memory_space<vmem>>, vector<1x128xf32>,
    } else {
    }
    %le3A_340 = arith.constant 29 : i32
    %le3A_341 = arith.cmpi sle, %reduce_min3A_106, %le3A_340 : i32
    %ge3A_342 = arith.constant 29 : i32
    %ge3A_343 = arith.cmpi sge, %reduce_max3A_110, %ge3A_342 : i32
    %and3A_344 = arith.andi %le3A_341, %ge3A_343 : i1
    %convert_element_type3A_345 = arith.extui %and3A_344 : i1 to i32
    %cond3A_346 = arith.constant 0 : i32
    %cond3A_347 = arith.cmpi ne, %convert_element_type3A_345, %cond3A_346 : i32
    scf.if %cond3A_347 {
      %eq3A_625 = arith.constant 29 : i32
      %eq3A_626 = vector.broadcast %eq3A_625 : i32 to vector<2000x1xi32>
      %eq3A_627 = arith.cmpi eq, %get3A_73, %eq3A_626 : vector<2000x1xi32>
      %jit3A = arith.constant 0xFF800000 : f32
      %broadcast_in_dim3A = vector.shape_cast %eq3A_627 : vector<2000x1xi1> to vector<2000x1xi1>
      %broadcast_in_dim3A_628 = vector.broadcast %broadcast_in_dim3A : vector<2000x1xi1> to vector<2000x128xi1>
      %broadcast_in_dim3A_629 = vector.broadcast %jit3A : f32 to vector<2000x128xf32>
      %select_n3A = arith.select %broadcast_in_dim3A_628, %add3A_68, %broadcast_in_dim3A_629 : vector<2000x128xi1>, vector<2000x128xf32>
      %get3A_630 = arith.constant 29 : index
      %get3A_631 = arith.constant 0 : index
      %get3A_632 = vector.load %arg24[%get3A_630, %get3A_631] : memref<64x128xf32, #tpu.memory_space<vmem>>, vector<1x128xf32>
      %reduce_max3A_633 = arith.constant dense<0xFF800000> : vector<128xf32>
      %reduce_max3A_634 = vector.multi_reduction <maximumf>, %select_n3A, %reduce_max3A_633 [0] : vector<2000x128xf32> to vector<128xf32>
      %broadcast_in_dim3A_635 = vector.shape_cast %reduce_max3A_634 : vector<128xf32> to vector<1x128xf32>
      %max3A_636 = arith.maximumf %get3A_632, %broadcast_in_dim3A_635 : vector<1x128xf32>
      %swap3A_637 = arith.constant 29 : index
      %swap3A_638 = arith.constant 0 : index
      %swap3A_639 = vector.load %arg24[%swap3A_637, %swap3A_638] : memref<64x128xf32, #tpu.memory_space<vmem>>, vector<1x128xf32>
      tpu.vector_store %arg24[%swap3A_637, %swap3A_638], %max3A_636 {strides = array<i32>} : memref<64x128xf32, #tpu.memory_space<vmem>>, vector<1x128xf32>,
    } else {
    }
    %le3A_348 = arith.constant 30 : i32
    %le3A_349 = arith.cmpi sle, %reduce_min3A_106, %le3A_348 : i32
    %ge3A_350 = arith.constant 30 : i32
    %ge3A_351 = arith.cmpi sge, %reduce_max3A_110, %ge3A_350 : i32
    %and3A_352 = arith.andi %le3A_349, %ge3A_351 : i1
    %convert_element_type3A_353 = arith.extui %and3A_352 : i1 to i32
    %cond3A_354 = arith.constant 0 : i32
    %cond3A_355 = arith.cmpi ne, %convert_element_type3A_353, %cond3A_354 : i32
    scf.if %cond3A_355 {
      %eq3A_625 = arith.constant 30 : i32
      %eq3A_626 = vector.broadcast %eq3A_625 : i32 to vector<2000x1xi32>
      %eq3A_627 = arith.cmpi eq, %get3A_73, %eq3A_626 : vector<2000x1xi32>
      %jit3A = arith.constant 0xFF800000 : f32
      %broadcast_in_dim3A = vector.shape_cast %eq3A_627 : vector<2000x1xi1> to vector<2000x1xi1>
      %broadcast_in_dim3A_628 = vector.broadcast %broadcast_in_dim3A : vector<2000x1xi1> to vector<2000x128xi1>
      %broadcast_in_dim3A_629 = vector.broadcast %jit3A : f32 to vector<2000x128xf32>
      %select_n3A = arith.select %broadcast_in_dim3A_628, %add3A_68, %broadcast_in_dim3A_629 : vector<2000x128xi1>, vector<2000x128xf32>
      %get3A_630 = arith.constant 30 : index
      %get3A_631 = arith.constant 0 : index
      %get3A_632 = vector.load %arg24[%get3A_630, %get3A_631] : memref<64x128xf32, #tpu.memory_space<vmem>>, vector<1x128xf32>
      %reduce_max3A_633 = arith.constant dense<0xFF800000> : vector<128xf32>
      %reduce_max3A_634 = vector.multi_reduction <maximumf>, %select_n3A, %reduce_max3A_633 [0] : vector<2000x128xf32> to vector<128xf32>
      %broadcast_in_dim3A_635 = vector.shape_cast %reduce_max3A_634 : vector<128xf32> to vector<1x128xf32>
      %max3A_636 = arith.maximumf %get3A_632, %broadcast_in_dim3A_635 : vector<1x128xf32>
      %swap3A_637 = arith.constant 30 : index
      %swap3A_638 = arith.constant 0 : index
      %swap3A_639 = vector.load %arg24[%swap3A_637, %swap3A_638] : memref<64x128xf32, #tpu.memory_space<vmem>>, vector<1x128xf32>
      tpu.vector_store %arg24[%swap3A_637, %swap3A_638], %max3A_636 {strides = array<i32>} : memref<64x128xf32, #tpu.memory_space<vmem>>, vector<1x128xf32>,
    } else {
    }
    %le3A_356 = arith.constant 31 : i32
    %le3A_357 = arith.cmpi sle, %reduce_min3A_106, %le3A_356 : i32
    %ge3A_358 = arith.constant 31 : i32
    %ge3A_359 = arith.cmpi sge, %reduce_max3A_110, %ge3A_358 : i32
    %and3A_360 = arith.andi %le3A_357, %ge3A_359 : i1
    %convert_element_type3A_361 = arith.extui %and3A_360 : i1 to i32
    %cond3A_362 = arith.constant 0 : i32
    %cond3A_363 = arith.cmpi ne, %convert_element_type3A_361, %cond3A_362 : i32
    scf.if %cond3A_363 {
      %eq3A_625 = arith.constant 31 : i32
      %eq3A_626 = vector.broadcast %eq3A_625 : i32 to vector<2000x1xi32>
      %eq3A_627 = arith.cmpi eq, %get3A_73, %eq3A_626 : vector<2000x1xi32>
      %jit3A = arith.constant 0xFF800000 : f32
      %broadcast_in_dim3A = vector.shape_cast %eq3A_627 : vector<2000x1xi1> to vector<2000x1xi1>
      %broadcast_in_dim3A_628 = vector.broadcast %broadcast_in_dim3A : vector<2000x1xi1> to vector<2000x128xi1>
      %broadcast_in_dim3A_629 = vector.broadcast %jit3A : f32 to vector<2000x128xf32>
      %select_n3A = arith.select %broadcast_in_dim3A_628, %add3A_68, %broadcast_in_dim3A_629 : vector<2000x128xi1>, vector<2000x128xf32>
      %get3A_630 = arith.constant 31 : index
      %get3A_631 = arith.constant 0 : index
      %get3A_632 = vector.load %arg24[%get3A_630, %get3A_631] : memref<64x128xf32, #tpu.memory_space<vmem>>, vector<1x128xf32>
      %reduce_max3A_633 = arith.constant dense<0xFF800000> : vector<128xf32>
      %reduce_max3A_634 = vector.multi_reduction <maximumf>, %select_n3A, %reduce_max3A_633 [0] : vector<2000x128xf32> to vector<128xf32>
      %broadcast_in_dim3A_635 = vector.shape_cast %reduce_max3A_634 : vector<128xf32> to vector<1x128xf32>
      %max3A_636 = arith.maximumf %get3A_632, %broadcast_in_dim3A_635 : vector<1x128xf32>
      %swap3A_637 = arith.constant 31 : index
      %swap3A_638 = arith.constant 0 : index
      %swap3A_639 = vector.load %arg24[%swap3A_637, %swap3A_638] : memref<64x128xf32, #tpu.memory_space<vmem>>, vector<1x128xf32>
      tpu.vector_store %arg24[%swap3A_637, %swap3A_638], %max3A_636 {strides = array<i32>} : memref<64x128xf32, #tpu.memory_space<vmem>>, vector<1x128xf32>,
    } else {
    }
    %le3A_364 = arith.constant 32 : i32
    %le3A_365 = arith.cmpi sle, %reduce_min3A_106, %le3A_364 : i32
    %ge3A_366 = arith.constant 32 : i32
    %ge3A_367 = arith.cmpi sge, %reduce_max3A_110, %ge3A_366 : i32
    %and3A_368 = arith.andi %le3A_365, %ge3A_367 : i1
    %convert_element_type3A_369 = arith.extui %and3A_368 : i1 to i32
    %cond3A_370 = arith.constant 0 : i32
    %cond3A_371 = arith.cmpi ne, %convert_element_type3A_369, %cond3A_370 : i32
    scf.if %cond3A_371 {
      %eq3A_625 = arith.constant 32 : i32
      %eq3A_626 = vector.broadcast %eq3A_625 : i32 to vector<2000x1xi32>
      %eq3A_627 = arith.cmpi eq, %get3A_73, %eq3A_626 : vector<2000x1xi32>
      %jit3A = arith.constant 0xFF800000 : f32
      %broadcast_in_dim3A = vector.shape_cast %eq3A_627 : vector<2000x1xi1> to vector<2000x1xi1>
      %broadcast_in_dim3A_628 = vector.broadcast %broadcast_in_dim3A : vector<2000x1xi1> to vector<2000x128xi1>
      %broadcast_in_dim3A_629 = vector.broadcast %jit3A : f32 to vector<2000x128xf32>
      %select_n3A = arith.select %broadcast_in_dim3A_628, %add3A_68, %broadcast_in_dim3A_629 : vector<2000x128xi1>, vector<2000x128xf32>
      %get3A_630 = arith.constant 32 : index
      %get3A_631 = arith.constant 0 : index
      %get3A_632 = vector.load %arg24[%get3A_630, %get3A_631] : memref<64x128xf32, #tpu.memory_space<vmem>>, vector<1x128xf32>
      %reduce_max3A_633 = arith.constant dense<0xFF800000> : vector<128xf32>
      %reduce_max3A_634 = vector.multi_reduction <maximumf>, %select_n3A, %reduce_max3A_633 [0] : vector<2000x128xf32> to vector<128xf32>
      %broadcast_in_dim3A_635 = vector.shape_cast %reduce_max3A_634 : vector<128xf32> to vector<1x128xf32>
      %max3A_636 = arith.maximumf %get3A_632, %broadcast_in_dim3A_635 : vector<1x128xf32>
      %swap3A_637 = arith.constant 32 : index
      %swap3A_638 = arith.constant 0 : index
      %swap3A_639 = vector.load %arg24[%swap3A_637, %swap3A_638] : memref<64x128xf32, #tpu.memory_space<vmem>>, vector<1x128xf32>
      tpu.vector_store %arg24[%swap3A_637, %swap3A_638], %max3A_636 {strides = array<i32>} : memref<64x128xf32, #tpu.memory_space<vmem>>, vector<1x128xf32>,
    } else {
    }
    %le3A_372 = arith.constant 33 : i32
    %le3A_373 = arith.cmpi sle, %reduce_min3A_106, %le3A_372 : i32
    %ge3A_374 = arith.constant 33 : i32
    %ge3A_375 = arith.cmpi sge, %reduce_max3A_110, %ge3A_374 : i32
    %and3A_376 = arith.andi %le3A_373, %ge3A_375 : i1
    %convert_element_type3A_377 = arith.extui %and3A_376 : i1 to i32
    %cond3A_378 = arith.constant 0 : i32
    %cond3A_379 = arith.cmpi ne, %convert_element_type3A_377, %cond3A_378 : i32
    scf.if %cond3A_379 {
      %eq3A_625 = arith.constant 33 : i32
      %eq3A_626 = vector.broadcast %eq3A_625 : i32 to vector<2000x1xi32>
      %eq3A_627 = arith.cmpi eq, %get3A_73, %eq3A_626 : vector<2000x1xi32>
      %jit3A = arith.constant 0xFF800000 : f32
      %broadcast_in_dim3A = vector.shape_cast %eq3A_627 : vector<2000x1xi1> to vector<2000x1xi1>
      %broadcast_in_dim3A_628 = vector.broadcast %broadcast_in_dim3A : vector<2000x1xi1> to vector<2000x128xi1>
      %broadcast_in_dim3A_629 = vector.broadcast %jit3A : f32 to vector<2000x128xf32>
      %select_n3A = arith.select %broadcast_in_dim3A_628, %add3A_68, %broadcast_in_dim3A_629 : vector<2000x128xi1>, vector<2000x128xf32>
      %get3A_630 = arith.constant 33 : index
      %get3A_631 = arith.constant 0 : index
      %get3A_632 = vector.load %arg24[%get3A_630, %get3A_631] : memref<64x128xf32, #tpu.memory_space<vmem>>, vector<1x128xf32>
      %reduce_max3A_633 = arith.constant dense<0xFF800000> : vector<128xf32>
      %reduce_max3A_634 = vector.multi_reduction <maximumf>, %select_n3A, %reduce_max3A_633 [0] : vector<2000x128xf32> to vector<128xf32>
      %broadcast_in_dim3A_635 = vector.shape_cast %reduce_max3A_634 : vector<128xf32> to vector<1x128xf32>
      %max3A_636 = arith.maximumf %get3A_632, %broadcast_in_dim3A_635 : vector<1x128xf32>
      %swap3A_637 = arith.constant 33 : index
      %swap3A_638 = arith.constant 0 : index
      %swap3A_639 = vector.load %arg24[%swap3A_637, %swap3A_638] : memref<64x128xf32, #tpu.memory_space<vmem>>, vector<1x128xf32>
      tpu.vector_store %arg24[%swap3A_637, %swap3A_638], %max3A_636 {strides = array<i32>} : memref<64x128xf32, #tpu.memory_space<vmem>>, vector<1x128xf32>,
    } else {
    }
    %le3A_380 = arith.constant 34 : i32
    %le3A_381 = arith.cmpi sle, %reduce_min3A_106, %le3A_380 : i32
    %ge3A_382 = arith.constant 34 : i32
    %ge3A_383 = arith.cmpi sge, %reduce_max3A_110, %ge3A_382 : i32
    %and3A_384 = arith.andi %le3A_381, %ge3A_383 : i1
    %convert_element_type3A_385 = arith.extui %and3A_384 : i1 to i32
    %cond3A_386 = arith.constant 0 : i32
    %cond3A_387 = arith.cmpi ne, %convert_element_type3A_385, %cond3A_386 : i32
    scf.if %cond3A_387 {
      %eq3A_625 = arith.constant 34 : i32
      %eq3A_626 = vector.broadcast %eq3A_625 : i32 to vector<2000x1xi32>
      %eq3A_627 = arith.cmpi eq, %get3A_73, %eq3A_626 : vector<2000x1xi32>
      %jit3A = arith.constant 0xFF800000 : f32
      %broadcast_in_dim3A = vector.shape_cast %eq3A_627 : vector<2000x1xi1> to vector<2000x1xi1>
      %broadcast_in_dim3A_628 = vector.broadcast %broadcast_in_dim3A : vector<2000x1xi1> to vector<2000x128xi1>
      %broadcast_in_dim3A_629 = vector.broadcast %jit3A : f32 to vector<2000x128xf32>
      %select_n3A = arith.select %broadcast_in_dim3A_628, %add3A_68, %broadcast_in_dim3A_629 : vector<2000x128xi1>, vector<2000x128xf32>
      %get3A_630 = arith.constant 34 : index
      %get3A_631 = arith.constant 0 : index
      %get3A_632 = vector.load %arg24[%get3A_630, %get3A_631] : memref<64x128xf32, #tpu.memory_space<vmem>>, vector<1x128xf32>
      %reduce_max3A_633 = arith.constant dense<0xFF800000> : vector<128xf32>
      %reduce_max3A_634 = vector.multi_reduction <maximumf>, %select_n3A, %reduce_max3A_633 [0] : vector<2000x128xf32> to vector<128xf32>
      %broadcast_in_dim3A_635 = vector.shape_cast %reduce_max3A_634 : vector<128xf32> to vector<1x128xf32>
      %max3A_636 = arith.maximumf %get3A_632, %broadcast_in_dim3A_635 : vector<1x128xf32>
      %swap3A_637 = arith.constant 34 : index
      %swap3A_638 = arith.constant 0 : index
      %swap3A_639 = vector.load %arg24[%swap3A_637, %swap3A_638] : memref<64x128xf32, #tpu.memory_space<vmem>>, vector<1x128xf32>
      tpu.vector_store %arg24[%swap3A_637, %swap3A_638], %max3A_636 {strides = array<i32>} : memref<64x128xf32, #tpu.memory_space<vmem>>, vector<1x128xf32>,
    } else {
    }
    %le3A_388 = arith.constant 35 : i32
    %le3A_389 = arith.cmpi sle, %reduce_min3A_106, %le3A_388 : i32
    %ge3A_390 = arith.constant 35 : i32
    %ge3A_391 = arith.cmpi sge, %reduce_max3A_110, %ge3A_390 : i32
    %and3A_392 = arith.andi %le3A_389, %ge3A_391 : i1
    %convert_element_type3A_393 = arith.extui %and3A_392 : i1 to i32
    %cond3A_394 = arith.constant 0 : i32
    %cond3A_395 = arith.cmpi ne, %convert_element_type3A_393, %cond3A_394 : i32
    scf.if %cond3A_395 {
      %eq3A_625 = arith.constant 35 : i32
      %eq3A_626 = vector.broadcast %eq3A_625 : i32 to vector<2000x1xi32>
      %eq3A_627 = arith.cmpi eq, %get3A_73, %eq3A_626 : vector<2000x1xi32>
      %jit3A = arith.constant 0xFF800000 : f32
      %broadcast_in_dim3A = vector.shape_cast %eq3A_627 : vector<2000x1xi1> to vector<2000x1xi1>
      %broadcast_in_dim3A_628 = vector.broadcast %broadcast_in_dim3A : vector<2000x1xi1> to vector<2000x128xi1>
      %broadcast_in_dim3A_629 = vector.broadcast %jit3A : f32 to vector<2000x128xf32>
      %select_n3A = arith.select %broadcast_in_dim3A_628, %add3A_68, %broadcast_in_dim3A_629 : vector<2000x128xi1>, vector<2000x128xf32>
      %get3A_630 = arith.constant 35 : index
      %get3A_631 = arith.constant 0 : index
      %get3A_632 = vector.load %arg24[%get3A_630, %get3A_631] : memref<64x128xf32, #tpu.memory_space<vmem>>, vector<1x128xf32>
      %reduce_max3A_633 = arith.constant dense<0xFF800000> : vector<128xf32>
      %reduce_max3A_634 = vector.multi_reduction <maximumf>, %select_n3A, %reduce_max3A_633 [0] : vector<2000x128xf32> to vector<128xf32>
      %broadcast_in_dim3A_635 = vector.shape_cast %reduce_max3A_634 : vector<128xf32> to vector<1x128xf32>
      %max3A_636 = arith.maximumf %get3A_632, %broadcast_in_dim3A_635 : vector<1x128xf32>
      %swap3A_637 = arith.constant 35 : index
      %swap3A_638 = arith.constant 0 : index
      %swap3A_639 = vector.load %arg24[%swap3A_637, %swap3A_638] : memref<64x128xf32, #tpu.memory_space<vmem>>, vector<1x128xf32>
      tpu.vector_store %arg24[%swap3A_637, %swap3A_638], %max3A_636 {strides = array<i32>} : memref<64x128xf32, #tpu.memory_space<vmem>>, vector<1x128xf32>,
    } else {
    }
    %le3A_396 = arith.constant 36 : i32
    %le3A_397 = arith.cmpi sle, %reduce_min3A_106, %le3A_396 : i32
    %ge3A_398 = arith.constant 36 : i32
    %ge3A_399 = arith.cmpi sge, %reduce_max3A_110, %ge3A_398 : i32
    %and3A_400 = arith.andi %le3A_397, %ge3A_399 : i1
    %convert_element_type3A_401 = arith.extui %and3A_400 : i1 to i32
    %cond3A_402 = arith.constant 0 : i32
    %cond3A_403 = arith.cmpi ne, %convert_element_type3A_401, %cond3A_402 : i32
    scf.if %cond3A_403 {
      %eq3A_625 = arith.constant 36 : i32
      %eq3A_626 = vector.broadcast %eq3A_625 : i32 to vector<2000x1xi32>
      %eq3A_627 = arith.cmpi eq, %get3A_73, %eq3A_626 : vector<2000x1xi32>
      %jit3A = arith.constant 0xFF800000 : f32
      %broadcast_in_dim3A = vector.shape_cast %eq3A_627 : vector<2000x1xi1> to vector<2000x1xi1>
      %broadcast_in_dim3A_628 = vector.broadcast %broadcast_in_dim3A : vector<2000x1xi1> to vector<2000x128xi1>
      %broadcast_in_dim3A_629 = vector.broadcast %jit3A : f32 to vector<2000x128xf32>
      %select_n3A = arith.select %broadcast_in_dim3A_628, %add3A_68, %broadcast_in_dim3A_629 : vector<2000x128xi1>, vector<2000x128xf32>
      %get3A_630 = arith.constant 36 : index
      %get3A_631 = arith.constant 0 : index
      %get3A_632 = vector.load %arg24[%get3A_630, %get3A_631] : memref<64x128xf32, #tpu.memory_space<vmem>>, vector<1x128xf32>
      %reduce_max3A_633 = arith.constant dense<0xFF800000> : vector<128xf32>
      %reduce_max3A_634 = vector.multi_reduction <maximumf>, %select_n3A, %reduce_max3A_633 [0] : vector<2000x128xf32> to vector<128xf32>
      %broadcast_in_dim3A_635 = vector.shape_cast %reduce_max3A_634 : vector<128xf32> to vector<1x128xf32>
      %max3A_636 = arith.maximumf %get3A_632, %broadcast_in_dim3A_635 : vector<1x128xf32>
      %swap3A_637 = arith.constant 36 : index
      %swap3A_638 = arith.constant 0 : index
      %swap3A_639 = vector.load %arg24[%swap3A_637, %swap3A_638] : memref<64x128xf32, #tpu.memory_space<vmem>>, vector<1x128xf32>
      tpu.vector_store %arg24[%swap3A_637, %swap3A_638], %max3A_636 {strides = array<i32>} : memref<64x128xf32, #tpu.memory_space<vmem>>, vector<1x128xf32>,
    } else {
    }
    %le3A_404 = arith.constant 37 : i32
    %le3A_405 = arith.cmpi sle, %reduce_min3A_106, %le3A_404 : i32
    %ge3A_406 = arith.constant 37 : i32
    %ge3A_407 = arith.cmpi sge, %reduce_max3A_110, %ge3A_406 : i32
    %and3A_408 = arith.andi %le3A_405, %ge3A_407 : i1
    %convert_element_type3A_409 = arith.extui %and3A_408 : i1 to i32
    %cond3A_410 = arith.constant 0 : i32
    %cond3A_411 = arith.cmpi ne, %convert_element_type3A_409, %cond3A_410 : i32
    scf.if %cond3A_411 {
      %eq3A_625 = arith.constant 37 : i32
      %eq3A_626 = vector.broadcast %eq3A_625 : i32 to vector<2000x1xi32>
      %eq3A_627 = arith.cmpi eq, %get3A_73, %eq3A_626 : vector<2000x1xi32>
      %jit3A = arith.constant 0xFF800000 : f32
      %broadcast_in_dim3A = vector.shape_cast %eq3A_627 : vector<2000x1xi1> to vector<2000x1xi1>
      %broadcast_in_dim3A_628 = vector.broadcast %broadcast_in_dim3A : vector<2000x1xi1> to vector<2000x128xi1>
      %broadcast_in_dim3A_629 = vector.broadcast %jit3A : f32 to vector<2000x128xf32>
      %select_n3A = arith.select %broadcast_in_dim3A_628, %add3A_68, %broadcast_in_dim3A_629 : vector<2000x128xi1>, vector<2000x128xf32>
      %get3A_630 = arith.constant 37 : index
      %get3A_631 = arith.constant 0 : index
      %get3A_632 = vector.load %arg24[%get3A_630, %get3A_631] : memref<64x128xf32, #tpu.memory_space<vmem>>, vector<1x128xf32>
      %reduce_max3A_633 = arith.constant dense<0xFF800000> : vector<128xf32>
      %reduce_max3A_634 = vector.multi_reduction <maximumf>, %select_n3A, %reduce_max3A_633 [0] : vector<2000x128xf32> to vector<128xf32>
      %broadcast_in_dim3A_635 = vector.shape_cast %reduce_max3A_634 : vector<128xf32> to vector<1x128xf32>
      %max3A_636 = arith.maximumf %get3A_632, %broadcast_in_dim3A_635 : vector<1x128xf32>
      %swap3A_637 = arith.constant 37 : index
      %swap3A_638 = arith.constant 0 : index
      %swap3A_639 = vector.load %arg24[%swap3A_637, %swap3A_638] : memref<64x128xf32, #tpu.memory_space<vmem>>, vector<1x128xf32>
      tpu.vector_store %arg24[%swap3A_637, %swap3A_638], %max3A_636 {strides = array<i32>} : memref<64x128xf32, #tpu.memory_space<vmem>>, vector<1x128xf32>,
    } else {
    }
    %le3A_412 = arith.constant 38 : i32
    %le3A_413 = arith.cmpi sle, %reduce_min3A_106, %le3A_412 : i32
    %ge3A_414 = arith.constant 38 : i32
    %ge3A_415 = arith.cmpi sge, %reduce_max3A_110, %ge3A_414 : i32
    %and3A_416 = arith.andi %le3A_413, %ge3A_415 : i1
    %convert_element_type3A_417 = arith.extui %and3A_416 : i1 to i32
    %cond3A_418 = arith.constant 0 : i32
    %cond3A_419 = arith.cmpi ne, %convert_element_type3A_417, %cond3A_418 : i32
    scf.if %cond3A_419 {
      %eq3A_625 = arith.constant 38 : i32
      %eq3A_626 = vector.broadcast %eq3A_625 : i32 to vector<2000x1xi32>
      %eq3A_627 = arith.cmpi eq, %get3A_73, %eq3A_626 : vector<2000x1xi32>
      %jit3A = arith.constant 0xFF800000 : f32
      %broadcast_in_dim3A = vector.shape_cast %eq3A_627 : vector<2000x1xi1> to vector<2000x1xi1>
      %broadcast_in_dim3A_628 = vector.broadcast %broadcast_in_dim3A : vector<2000x1xi1> to vector<2000x128xi1>
      %broadcast_in_dim3A_629 = vector.broadcast %jit3A : f32 to vector<2000x128xf32>
      %select_n3A = arith.select %broadcast_in_dim3A_628, %add3A_68, %broadcast_in_dim3A_629 : vector<2000x128xi1>, vector<2000x128xf32>
      %get3A_630 = arith.constant 38 : index
      %get3A_631 = arith.constant 0 : index
      %get3A_632 = vector.load %arg24[%get3A_630, %get3A_631] : memref<64x128xf32, #tpu.memory_space<vmem>>, vector<1x128xf32>
      %reduce_max3A_633 = arith.constant dense<0xFF800000> : vector<128xf32>
      %reduce_max3A_634 = vector.multi_reduction <maximumf>, %select_n3A, %reduce_max3A_633 [0] : vector<2000x128xf32> to vector<128xf32>
      %broadcast_in_dim3A_635 = vector.shape_cast %reduce_max3A_634 : vector<128xf32> to vector<1x128xf32>
      %max3A_636 = arith.maximumf %get3A_632, %broadcast_in_dim3A_635 : vector<1x128xf32>
      %swap3A_637 = arith.constant 38 : index
      %swap3A_638 = arith.constant 0 : index
      %swap3A_639 = vector.load %arg24[%swap3A_637, %swap3A_638] : memref<64x128xf32, #tpu.memory_space<vmem>>, vector<1x128xf32>
      tpu.vector_store %arg24[%swap3A_637, %swap3A_638], %max3A_636 {strides = array<i32>} : memref<64x128xf32, #tpu.memory_space<vmem>>, vector<1x128xf32>,
    } else {
    }
    %le3A_420 = arith.constant 39 : i32
    %le3A_421 = arith.cmpi sle, %reduce_min3A_106, %le3A_420 : i32
    %ge3A_422 = arith.constant 39 : i32
    %ge3A_423 = arith.cmpi sge, %reduce_max3A_110, %ge3A_422 : i32
    %and3A_424 = arith.andi %le3A_421, %ge3A_423 : i1
    %convert_element_type3A_425 = arith.extui %and3A_424 : i1 to i32
    %cond3A_426 = arith.constant 0 : i32
    %cond3A_427 = arith.cmpi ne, %convert_element_type3A_425, %cond3A_426 : i32
    scf.if %cond3A_427 {
      %eq3A_625 = arith.constant 39 : i32
      %eq3A_626 = vector.broadcast %eq3A_625 : i32 to vector<2000x1xi32>
      %eq3A_627 = arith.cmpi eq, %get3A_73, %eq3A_626 : vector<2000x1xi32>
      %jit3A = arith.constant 0xFF800000 : f32
      %broadcast_in_dim3A = vector.shape_cast %eq3A_627 : vector<2000x1xi1> to vector<2000x1xi1>
      %broadcast_in_dim3A_628 = vector.broadcast %broadcast_in_dim3A : vector<2000x1xi1> to vector<2000x128xi1>
      %broadcast_in_dim3A_629 = vector.broadcast %jit3A : f32 to vector<2000x128xf32>
      %select_n3A = arith.select %broadcast_in_dim3A_628, %add3A_68, %broadcast_in_dim3A_629 : vector<2000x128xi1>, vector<2000x128xf32>
      %get3A_630 = arith.constant 39 : index
      %get3A_631 = arith.constant 0 : index
      %get3A_632 = vector.load %arg24[%get3A_630, %get3A_631] : memref<64x128xf32, #tpu.memory_space<vmem>>, vector<1x128xf32>
      %reduce_max3A_633 = arith.constant dense<0xFF800000> : vector<128xf32>
      %reduce_max3A_634 = vector.multi_reduction <maximumf>, %select_n3A, %reduce_max3A_633 [0] : vector<2000x128xf32> to vector<128xf32>
      %broadcast_in_dim3A_635 = vector.shape_cast %reduce_max3A_634 : vector<128xf32> to vector<1x128xf32>
      %max3A_636 = arith.maximumf %get3A_632, %broadcast_in_dim3A_635 : vector<1x128xf32>
      %swap3A_637 = arith.constant 39 : index
      %swap3A_638 = arith.constant 0 : index
      %swap3A_639 = vector.load %arg24[%swap3A_637, %swap3A_638] : memref<64x128xf32, #tpu.memory_space<vmem>>, vector<1x128xf32>
      tpu.vector_store %arg24[%swap3A_637, %swap3A_638], %max3A_636 {strides = array<i32>} : memref<64x128xf32, #tpu.memory_space<vmem>>, vector<1x128xf32>,
    } else {
    }
    %le3A_428 = arith.constant 40 : i32
    %le3A_429 = arith.cmpi sle, %reduce_min3A_106, %le3A_428 : i32
    %ge3A_430 = arith.constant 40 : i32
    %ge3A_431 = arith.cmpi sge, %reduce_max3A_110, %ge3A_430 : i32
    %and3A_432 = arith.andi %le3A_429, %ge3A_431 : i1
    %convert_element_type3A_433 = arith.extui %and3A_432 : i1 to i32
    %cond3A_434 = arith.constant 0 : i32
    %cond3A_435 = arith.cmpi ne, %convert_element_type3A_433, %cond3A_434 : i32
    scf.if %cond3A_435 {
      %eq3A_625 = arith.constant 40 : i32
      %eq3A_626 = vector.broadcast %eq3A_625 : i32 to vector<2000x1xi32>
      %eq3A_627 = arith.cmpi eq, %get3A_73, %eq3A_626 : vector<2000x1xi32>
      %jit3A = arith.constant 0xFF800000 : f32
      %broadcast_in_dim3A = vector.shape_cast %eq3A_627 : vector<2000x1xi1> to vector<2000x1xi1>
      %broadcast_in_dim3A_628 = vector.broadcast %broadcast_in_dim3A : vector<2000x1xi1> to vector<2000x128xi1>
      %broadcast_in_dim3A_629 = vector.broadcast %jit3A : f32 to vector<2000x128xf32>
      %select_n3A = arith.select %broadcast_in_dim3A_628, %add3A_68, %broadcast_in_dim3A_629 : vector<2000x128xi1>, vector<2000x128xf32>
      %get3A_630 = arith.constant 40 : index
      %get3A_631 = arith.constant 0 : index
      %get3A_632 = vector.load %arg24[%get3A_630, %get3A_631] : memref<64x128xf32, #tpu.memory_space<vmem>>, vector<1x128xf32>
      %reduce_max3A_633 = arith.constant dense<0xFF800000> : vector<128xf32>
      %reduce_max3A_634 = vector.multi_reduction <maximumf>, %select_n3A, %reduce_max3A_633 [0] : vector<2000x128xf32> to vector<128xf32>
      %broadcast_in_dim3A_635 = vector.shape_cast %reduce_max3A_634 : vector<128xf32> to vector<1x128xf32>
      %max3A_636 = arith.maximumf %get3A_632, %broadcast_in_dim3A_635 : vector<1x128xf32>
      %swap3A_637 = arith.constant 40 : index
      %swap3A_638 = arith.constant 0 : index
      %swap3A_639 = vector.load %arg24[%swap3A_637, %swap3A_638] : memref<64x128xf32, #tpu.memory_space<vmem>>, vector<1x128xf32>
      tpu.vector_store %arg24[%swap3A_637, %swap3A_638], %max3A_636 {strides = array<i32>} : memref<64x128xf32, #tpu.memory_space<vmem>>, vector<1x128xf32>,
    } else {
    }
    %le3A_436 = arith.constant 41 : i32
    %le3A_437 = arith.cmpi sle, %reduce_min3A_106, %le3A_436 : i32
    %ge3A_438 = arith.constant 41 : i32
    %ge3A_439 = arith.cmpi sge, %reduce_max3A_110, %ge3A_438 : i32
    %and3A_440 = arith.andi %le3A_437, %ge3A_439 : i1
    %convert_element_type3A_441 = arith.extui %and3A_440 : i1 to i32
    %cond3A_442 = arith.constant 0 : i32
    %cond3A_443 = arith.cmpi ne, %convert_element_type3A_441, %cond3A_442 : i32
    scf.if %cond3A_443 {
      %eq3A_625 = arith.constant 41 : i32
      %eq3A_626 = vector.broadcast %eq3A_625 : i32 to vector<2000x1xi32>
      %eq3A_627 = arith.cmpi eq, %get3A_73, %eq3A_626 : vector<2000x1xi32>
      %jit3A = arith.constant 0xFF800000 : f32
      %broadcast_in_dim3A = vector.shape_cast %eq3A_627 : vector<2000x1xi1> to vector<2000x1xi1>
      %broadcast_in_dim3A_628 = vector.broadcast %broadcast_in_dim3A : vector<2000x1xi1> to vector<2000x128xi1>
      %broadcast_in_dim3A_629 = vector.broadcast %jit3A : f32 to vector<2000x128xf32>
      %select_n3A = arith.select %broadcast_in_dim3A_628, %add3A_68, %broadcast_in_dim3A_629 : vector<2000x128xi1>, vector<2000x128xf32>
      %get3A_630 = arith.constant 41 : index
      %get3A_631 = arith.constant 0 : index
      %get3A_632 = vector.load %arg24[%get3A_630, %get3A_631] : memref<64x128xf32, #tpu.memory_space<vmem>>, vector<1x128xf32>
      %reduce_max3A_633 = arith.constant dense<0xFF800000> : vector<128xf32>
      %reduce_max3A_634 = vector.multi_reduction <maximumf>, %select_n3A, %reduce_max3A_633 [0] : vector<2000x128xf32> to vector<128xf32>
      %broadcast_in_dim3A_635 = vector.shape_cast %reduce_max3A_634 : vector<128xf32> to vector<1x128xf32>
      %max3A_636 = arith.maximumf %get3A_632, %broadcast_in_dim3A_635 : vector<1x128xf32>
      %swap3A_637 = arith.constant 41 : index
      %swap3A_638 = arith.constant 0 : index
      %swap3A_639 = vector.load %arg24[%swap3A_637, %swap3A_638] : memref<64x128xf32, #tpu.memory_space<vmem>>, vector<1x128xf32>
      tpu.vector_store %arg24[%swap3A_637, %swap3A_638], %max3A_636 {strides = array<i32>} : memref<64x128xf32, #tpu.memory_space<vmem>>, vector<1x128xf32>,
    } else {
    }
    %le3A_444 = arith.constant 42 : i32
    %le3A_445 = arith.cmpi sle, %reduce_min3A_106, %le3A_444 : i32
    %ge3A_446 = arith.constant 42 : i32
    %ge3A_447 = arith.cmpi sge, %reduce_max3A_110, %ge3A_446 : i32
    %and3A_448 = arith.andi %le3A_445, %ge3A_447 : i1
    %convert_element_type3A_449 = arith.extui %and3A_448 : i1 to i32
    %cond3A_450 = arith.constant 0 : i32
    %cond3A_451 = arith.cmpi ne, %convert_element_type3A_449, %cond3A_450 : i32
    scf.if %cond3A_451 {
      %eq3A_625 = arith.constant 42 : i32
      %eq3A_626 = vector.broadcast %eq3A_625 : i32 to vector<2000x1xi32>
      %eq3A_627 = arith.cmpi eq, %get3A_73, %eq3A_626 : vector<2000x1xi32>
      %jit3A = arith.constant 0xFF800000 : f32
      %broadcast_in_dim3A = vector.shape_cast %eq3A_627 : vector<2000x1xi1> to vector<2000x1xi1>
      %broadcast_in_dim3A_628 = vector.broadcast %broadcast_in_dim3A : vector<2000x1xi1> to vector<2000x128xi1>
      %broadcast_in_dim3A_629 = vector.broadcast %jit3A : f32 to vector<2000x128xf32>
      %select_n3A = arith.select %broadcast_in_dim3A_628, %add3A_68, %broadcast_in_dim3A_629 : vector<2000x128xi1>, vector<2000x128xf32>
      %get3A_630 = arith.constant 42 : index
      %get3A_631 = arith.constant 0 : index
      %get3A_632 = vector.load %arg24[%get3A_630, %get3A_631] : memref<64x128xf32, #tpu.memory_space<vmem>>, vector<1x128xf32>
      %reduce_max3A_633 = arith.constant dense<0xFF800000> : vector<128xf32>
      %reduce_max3A_634 = vector.multi_reduction <maximumf>, %select_n3A, %reduce_max3A_633 [0] : vector<2000x128xf32> to vector<128xf32>
      %broadcast_in_dim3A_635 = vector.shape_cast %reduce_max3A_634 : vector<128xf32> to vector<1x128xf32>
      %max3A_636 = arith.maximumf %get3A_632, %broadcast_in_dim3A_635 : vector<1x128xf32>
      %swap3A_637 = arith.constant 42 : index
      %swap3A_638 = arith.constant 0 : index
      %swap3A_639 = vector.load %arg24[%swap3A_637, %swap3A_638] : memref<64x128xf32, #tpu.memory_space<vmem>>, vector<1x128xf32>
      tpu.vector_store %arg24[%swap3A_637, %swap3A_638], %max3A_636 {strides = array<i32>} : memref<64x128xf32, #tpu.memory_space<vmem>>, vector<1x128xf32>,
    } else {
    }
    %le3A_452 = arith.constant 43 : i32
    %le3A_453 = arith.cmpi sle, %reduce_min3A_106, %le3A_452 : i32
    %ge3A_454 = arith.constant 43 : i32
    %ge3A_455 = arith.cmpi sge, %reduce_max3A_110, %ge3A_454 : i32
    %and3A_456 = arith.andi %le3A_453, %ge3A_455 : i1
    %convert_element_type3A_457 = arith.extui %and3A_456 : i1 to i32
    %cond3A_458 = arith.constant 0 : i32
    %cond3A_459 = arith.cmpi ne, %convert_element_type3A_457, %cond3A_458 : i32
    scf.if %cond3A_459 {
      %eq3A_625 = arith.constant 43 : i32
      %eq3A_626 = vector.broadcast %eq3A_625 : i32 to vector<2000x1xi32>
      %eq3A_627 = arith.cmpi eq, %get3A_73, %eq3A_626 : vector<2000x1xi32>
      %jit3A = arith.constant 0xFF800000 : f32
      %broadcast_in_dim3A = vector.shape_cast %eq3A_627 : vector<2000x1xi1> to vector<2000x1xi1>
      %broadcast_in_dim3A_628 = vector.broadcast %broadcast_in_dim3A : vector<2000x1xi1> to vector<2000x128xi1>
      %broadcast_in_dim3A_629 = vector.broadcast %jit3A : f32 to vector<2000x128xf32>
      %select_n3A = arith.select %broadcast_in_dim3A_628, %add3A_68, %broadcast_in_dim3A_629 : vector<2000x128xi1>, vector<2000x128xf32>
      %get3A_630 = arith.constant 43 : index
      %get3A_631 = arith.constant 0 : index
      %get3A_632 = vector.load %arg24[%get3A_630, %get3A_631] : memref<64x128xf32, #tpu.memory_space<vmem>>, vector<1x128xf32>
      %reduce_max3A_633 = arith.constant dense<0xFF800000> : vector<128xf32>
      %reduce_max3A_634 = vector.multi_reduction <maximumf>, %select_n3A, %reduce_max3A_633 [0] : vector<2000x128xf32> to vector<128xf32>
      %broadcast_in_dim3A_635 = vector.shape_cast %reduce_max3A_634 : vector<128xf32> to vector<1x128xf32>
      %max3A_636 = arith.maximumf %get3A_632, %broadcast_in_dim3A_635 : vector<1x128xf32>
      %swap3A_637 = arith.constant 43 : index
      %swap3A_638 = arith.constant 0 : index
      %swap3A_639 = vector.load %arg24[%swap3A_637, %swap3A_638] : memref<64x128xf32, #tpu.memory_space<vmem>>, vector<1x128xf32>
      tpu.vector_store %arg24[%swap3A_637, %swap3A_638], %max3A_636 {strides = array<i32>} : memref<64x128xf32, #tpu.memory_space<vmem>>, vector<1x128xf32>,
    } else {
    }
    %le3A_460 = arith.constant 44 : i32
    %le3A_461 = arith.cmpi sle, %reduce_min3A_106, %le3A_460 : i32
    %ge3A_462 = arith.constant 44 : i32
    %ge3A_463 = arith.cmpi sge, %reduce_max3A_110, %ge3A_462 : i32
    %and3A_464 = arith.andi %le3A_461, %ge3A_463 : i1
    %convert_element_type3A_465 = arith.extui %and3A_464 : i1 to i32
    %cond3A_466 = arith.constant 0 : i32
    %cond3A_467 = arith.cmpi ne, %convert_element_type3A_465, %cond3A_466 : i32
    scf.if %cond3A_467 {
      %eq3A_625 = arith.constant 44 : i32
      %eq3A_626 = vector.broadcast %eq3A_625 : i32 to vector<2000x1xi32>
      %eq3A_627 = arith.cmpi eq, %get3A_73, %eq3A_626 : vector<2000x1xi32>
      %jit3A = arith.constant 0xFF800000 : f32
      %broadcast_in_dim3A = vector.shape_cast %eq3A_627 : vector<2000x1xi1> to vector<2000x1xi1>
      %broadcast_in_dim3A_628 = vector.broadcast %broadcast_in_dim3A : vector<2000x1xi1> to vector<2000x128xi1>
      %broadcast_in_dim3A_629 = vector.broadcast %jit3A : f32 to vector<2000x128xf32>
      %select_n3A = arith.select %broadcast_in_dim3A_628, %add3A_68, %broadcast_in_dim3A_629 : vector<2000x128xi1>, vector<2000x128xf32>
      %get3A_630 = arith.constant 44 : index
      %get3A_631 = arith.constant 0 : index
      %get3A_632 = vector.load %arg24[%get3A_630, %get3A_631] : memref<64x128xf32, #tpu.memory_space<vmem>>, vector<1x128xf32>
      %reduce_max3A_633 = arith.constant dense<0xFF800000> : vector<128xf32>
      %reduce_max3A_634 = vector.multi_reduction <maximumf>, %select_n3A, %reduce_max3A_633 [0] : vector<2000x128xf32> to vector<128xf32>
      %broadcast_in_dim3A_635 = vector.shape_cast %reduce_max3A_634 : vector<128xf32> to vector<1x128xf32>
      %max3A_636 = arith.maximumf %get3A_632, %broadcast_in_dim3A_635 : vector<1x128xf32>
      %swap3A_637 = arith.constant 44 : index
      %swap3A_638 = arith.constant 0 : index
      %swap3A_639 = vector.load %arg24[%swap3A_637, %swap3A_638] : memref<64x128xf32, #tpu.memory_space<vmem>>, vector<1x128xf32>
      tpu.vector_store %arg24[%swap3A_637, %swap3A_638], %max3A_636 {strides = array<i32>} : memref<64x128xf32, #tpu.memory_space<vmem>>, vector<1x128xf32>,
    } else {
    }
    %le3A_468 = arith.constant 45 : i32
    %le3A_469 = arith.cmpi sle, %reduce_min3A_106, %le3A_468 : i32
    %ge3A_470 = arith.constant 45 : i32
    %ge3A_471 = arith.cmpi sge, %reduce_max3A_110, %ge3A_470 : i32
    %and3A_472 = arith.andi %le3A_469, %ge3A_471 : i1
    %convert_element_type3A_473 = arith.extui %and3A_472 : i1 to i32
    %cond3A_474 = arith.constant 0 : i32
    %cond3A_475 = arith.cmpi ne, %convert_element_type3A_473, %cond3A_474 : i32
    scf.if %cond3A_475 {
      %eq3A_625 = arith.constant 45 : i32
      %eq3A_626 = vector.broadcast %eq3A_625 : i32 to vector<2000x1xi32>
      %eq3A_627 = arith.cmpi eq, %get3A_73, %eq3A_626 : vector<2000x1xi32>
      %jit3A = arith.constant 0xFF800000 : f32
      %broadcast_in_dim3A = vector.shape_cast %eq3A_627 : vector<2000x1xi1> to vector<2000x1xi1>
      %broadcast_in_dim3A_628 = vector.broadcast %broadcast_in_dim3A : vector<2000x1xi1> to vector<2000x128xi1>
      %broadcast_in_dim3A_629 = vector.broadcast %jit3A : f32 to vector<2000x128xf32>
      %select_n3A = arith.select %broadcast_in_dim3A_628, %add3A_68, %broadcast_in_dim3A_629 : vector<2000x128xi1>, vector<2000x128xf32>
      %get3A_630 = arith.constant 45 : index
      %get3A_631 = arith.constant 0 : index
      %get3A_632 = vector.load %arg24[%get3A_630, %get3A_631] : memref<64x128xf32, #tpu.memory_space<vmem>>, vector<1x128xf32>
      %reduce_max3A_633 = arith.constant dense<0xFF800000> : vector<128xf32>
      %reduce_max3A_634 = vector.multi_reduction <maximumf>, %select_n3A, %reduce_max3A_633 [0] : vector<2000x128xf32> to vector<128xf32>
      %broadcast_in_dim3A_635 = vector.shape_cast %reduce_max3A_634 : vector<128xf32> to vector<1x128xf32>
      %max3A_636 = arith.maximumf %get3A_632, %broadcast_in_dim3A_635 : vector<1x128xf32>
      %swap3A_637 = arith.constant 45 : index
      %swap3A_638 = arith.constant 0 : index
      %swap3A_639 = vector.load %arg24[%swap3A_637, %swap3A_638] : memref<64x128xf32, #tpu.memory_space<vmem>>, vector<1x128xf32>
      tpu.vector_store %arg24[%swap3A_637, %swap3A_638], %max3A_636 {strides = array<i32>} : memref<64x128xf32, #tpu.memory_space<vmem>>, vector<1x128xf32>,
    } else {
    }
    %le3A_476 = arith.constant 46 : i32
    %le3A_477 = arith.cmpi sle, %reduce_min3A_106, %le3A_476 : i32
    %ge3A_478 = arith.constant 46 : i32
    %ge3A_479 = arith.cmpi sge, %reduce_max3A_110, %ge3A_478 : i32
    %and3A_480 = arith.andi %le3A_477, %ge3A_479 : i1
    %convert_element_type3A_481 = arith.extui %and3A_480 : i1 to i32
    %cond3A_482 = arith.constant 0 : i32
    %cond3A_483 = arith.cmpi ne, %convert_element_type3A_481, %cond3A_482 : i32
    scf.if %cond3A_483 {
      %eq3A_625 = arith.constant 46 : i32
      %eq3A_626 = vector.broadcast %eq3A_625 : i32 to vector<2000x1xi32>
      %eq3A_627 = arith.cmpi eq, %get3A_73, %eq3A_626 : vector<2000x1xi32>
      %jit3A = arith.constant 0xFF800000 : f32
      %broadcast_in_dim3A = vector.shape_cast %eq3A_627 : vector<2000x1xi1> to vector<2000x1xi1>
      %broadcast_in_dim3A_628 = vector.broadcast %broadcast_in_dim3A : vector<2000x1xi1> to vector<2000x128xi1>
      %broadcast_in_dim3A_629 = vector.broadcast %jit3A : f32 to vector<2000x128xf32>
      %select_n3A = arith.select %broadcast_in_dim3A_628, %add3A_68, %broadcast_in_dim3A_629 : vector<2000x128xi1>, vector<2000x128xf32>
      %get3A_630 = arith.constant 46 : index
      %get3A_631 = arith.constant 0 : index
      %get3A_632 = vector.load %arg24[%get3A_630, %get3A_631] : memref<64x128xf32, #tpu.memory_space<vmem>>, vector<1x128xf32>
      %reduce_max3A_633 = arith.constant dense<0xFF800000> : vector<128xf32>
      %reduce_max3A_634 = vector.multi_reduction <maximumf>, %select_n3A, %reduce_max3A_633 [0] : vector<2000x128xf32> to vector<128xf32>
      %broadcast_in_dim3A_635 = vector.shape_cast %reduce_max3A_634 : vector<128xf32> to vector<1x128xf32>
      %max3A_636 = arith.maximumf %get3A_632, %broadcast_in_dim3A_635 : vector<1x128xf32>
      %swap3A_637 = arith.constant 46 : index
      %swap3A_638 = arith.constant 0 : index
      %swap3A_639 = vector.load %arg24[%swap3A_637, %swap3A_638] : memref<64x128xf32, #tpu.memory_space<vmem>>, vector<1x128xf32>
      tpu.vector_store %arg24[%swap3A_637, %swap3A_638], %max3A_636 {strides = array<i32>} : memref<64x128xf32, #tpu.memory_space<vmem>>, vector<1x128xf32>,
    } else {
    }
    %le3A_484 = arith.constant 47 : i32
    %le3A_485 = arith.cmpi sle, %reduce_min3A_106, %le3A_484 : i32
    %ge3A_486 = arith.constant 47 : i32
    %ge3A_487 = arith.cmpi sge, %reduce_max3A_110, %ge3A_486 : i32
    %and3A_488 = arith.andi %le3A_485, %ge3A_487 : i1
    %convert_element_type3A_489 = arith.extui %and3A_488 : i1 to i32
    %cond3A_490 = arith.constant 0 : i32
    %cond3A_491 = arith.cmpi ne, %convert_element_type3A_489, %cond3A_490 : i32
    scf.if %cond3A_491 {
      %eq3A_625 = arith.constant 47 : i32
      %eq3A_626 = vector.broadcast %eq3A_625 : i32 to vector<2000x1xi32>
      %eq3A_627 = arith.cmpi eq, %get3A_73, %eq3A_626 : vector<2000x1xi32>
      %jit3A = arith.constant 0xFF800000 : f32
      %broadcast_in_dim3A = vector.shape_cast %eq3A_627 : vector<2000x1xi1> to vector<2000x1xi1>
      %broadcast_in_dim3A_628 = vector.broadcast %broadcast_in_dim3A : vector<2000x1xi1> to vector<2000x128xi1>
      %broadcast_in_dim3A_629 = vector.broadcast %jit3A : f32 to vector<2000x128xf32>
      %select_n3A = arith.select %broadcast_in_dim3A_628, %add3A_68, %broadcast_in_dim3A_629 : vector<2000x128xi1>, vector<2000x128xf32>
      %get3A_630 = arith.constant 47 : index
      %get3A_631 = arith.constant 0 : index
      %get3A_632 = vector.load %arg24[%get3A_630, %get3A_631] : memref<64x128xf32, #tpu.memory_space<vmem>>, vector<1x128xf32>
      %reduce_max3A_633 = arith.constant dense<0xFF800000> : vector<128xf32>
      %reduce_max3A_634 = vector.multi_reduction <maximumf>, %select_n3A, %reduce_max3A_633 [0] : vector<2000x128xf32> to vector<128xf32>
      %broadcast_in_dim3A_635 = vector.shape_cast %reduce_max3A_634 : vector<128xf32> to vector<1x128xf32>
      %max3A_636 = arith.maximumf %get3A_632, %broadcast_in_dim3A_635 : vector<1x128xf32>
      %swap3A_637 = arith.constant 47 : index
      %swap3A_638 = arith.constant 0 : index
      %swap3A_639 = vector.load %arg24[%swap3A_637, %swap3A_638] : memref<64x128xf32, #tpu.memory_space<vmem>>, vector<1x128xf32>
      tpu.vector_store %arg24[%swap3A_637, %swap3A_638], %max3A_636 {strides = array<i32>} : memref<64x128xf32, #tpu.memory_space<vmem>>, vector<1x128xf32>,
    } else {
    }
    %le3A_492 = arith.constant 48 : i32
    %le3A_493 = arith.cmpi sle, %reduce_min3A_106, %le3A_492 : i32
    %ge3A_494 = arith.constant 48 : i32
    %ge3A_495 = arith.cmpi sge, %reduce_max3A_110, %ge3A_494 : i32
    %and3A_496 = arith.andi %le3A_493, %ge3A_495 : i1
    %convert_element_type3A_497 = arith.extui %and3A_496 : i1 to i32
    %cond3A_498 = arith.constant 0 : i32
    %cond3A_499 = arith.cmpi ne, %convert_element_type3A_497, %cond3A_498 : i32
    scf.if %cond3A_499 {
      %eq3A_625 = arith.constant 48 : i32
      %eq3A_626 = vector.broadcast %eq3A_625 : i32 to vector<2000x1xi32>
      %eq3A_627 = arith.cmpi eq, %get3A_73, %eq3A_626 : vector<2000x1xi32>
      %jit3A = arith.constant 0xFF800000 : f32
      %broadcast_in_dim3A = vector.shape_cast %eq3A_627 : vector<2000x1xi1> to vector<2000x1xi1>
      %broadcast_in_dim3A_628 = vector.broadcast %broadcast_in_dim3A : vector<2000x1xi1> to vector<2000x128xi1>
      %broadcast_in_dim3A_629 = vector.broadcast %jit3A : f32 to vector<2000x128xf32>
      %select_n3A = arith.select %broadcast_in_dim3A_628, %add3A_68, %broadcast_in_dim3A_629 : vector<2000x128xi1>, vector<2000x128xf32>
      %get3A_630 = arith.constant 48 : index
      %get3A_631 = arith.constant 0 : index
      %get3A_632 = vector.load %arg24[%get3A_630, %get3A_631] : memref<64x128xf32, #tpu.memory_space<vmem>>, vector<1x128xf32>
      %reduce_max3A_633 = arith.constant dense<0xFF800000> : vector<128xf32>
      %reduce_max3A_634 = vector.multi_reduction <maximumf>, %select_n3A, %reduce_max3A_633 [0] : vector<2000x128xf32> to vector<128xf32>
      %broadcast_in_dim3A_635 = vector.shape_cast %reduce_max3A_634 : vector<128xf32> to vector<1x128xf32>
      %max3A_636 = arith.maximumf %get3A_632, %broadcast_in_dim3A_635 : vector<1x128xf32>
      %swap3A_637 = arith.constant 48 : index
      %swap3A_638 = arith.constant 0 : index
      %swap3A_639 = vector.load %arg24[%swap3A_637, %swap3A_638] : memref<64x128xf32, #tpu.memory_space<vmem>>, vector<1x128xf32>
      tpu.vector_store %arg24[%swap3A_637, %swap3A_638], %max3A_636 {strides = array<i32>} : memref<64x128xf32, #tpu.memory_space<vmem>>, vector<1x128xf32>,
    } else {
    }
    %le3A_500 = arith.constant 49 : i32
    %le3A_501 = arith.cmpi sle, %reduce_min3A_106, %le3A_500 : i32
    %ge3A_502 = arith.constant 49 : i32
    %ge3A_503 = arith.cmpi sge, %reduce_max3A_110, %ge3A_502 : i32
    %and3A_504 = arith.andi %le3A_501, %ge3A_503 : i1
    %convert_element_type3A_505 = arith.extui %and3A_504 : i1 to i32
    %cond3A_506 = arith.constant 0 : i32
    %cond3A_507 = arith.cmpi ne, %convert_element_type3A_505, %cond3A_506 : i32
    scf.if %cond3A_507 {
      %eq3A_625 = arith.constant 49 : i32
      %eq3A_626 = vector.broadcast %eq3A_625 : i32 to vector<2000x1xi32>
      %eq3A_627 = arith.cmpi eq, %get3A_73, %eq3A_626 : vector<2000x1xi32>
      %jit3A = arith.constant 0xFF800000 : f32
      %broadcast_in_dim3A = vector.shape_cast %eq3A_627 : vector<2000x1xi1> to vector<2000x1xi1>
      %broadcast_in_dim3A_628 = vector.broadcast %broadcast_in_dim3A : vector<2000x1xi1> to vector<2000x128xi1>
      %broadcast_in_dim3A_629 = vector.broadcast %jit3A : f32 to vector<2000x128xf32>
      %select_n3A = arith.select %broadcast_in_dim3A_628, %add3A_68, %broadcast_in_dim3A_629 : vector<2000x128xi1>, vector<2000x128xf32>
      %get3A_630 = arith.constant 49 : index
      %get3A_631 = arith.constant 0 : index
      %get3A_632 = vector.load %arg24[%get3A_630, %get3A_631] : memref<64x128xf32, #tpu.memory_space<vmem>>, vector<1x128xf32>
      %reduce_max3A_633 = arith.constant dense<0xFF800000> : vector<128xf32>
      %reduce_max3A_634 = vector.multi_reduction <maximumf>, %select_n3A, %reduce_max3A_633 [0] : vector<2000x128xf32> to vector<128xf32>
      %broadcast_in_dim3A_635 = vector.shape_cast %reduce_max3A_634 : vector<128xf32> to vector<1x128xf32>
      %max3A_636 = arith.maximumf %get3A_632, %broadcast_in_dim3A_635 : vector<1x128xf32>
      %swap3A_637 = arith.constant 49 : index
      %swap3A_638 = arith.constant 0 : index
      %swap3A_639 = vector.load %arg24[%swap3A_637, %swap3A_638] : memref<64x128xf32, #tpu.memory_space<vmem>>, vector<1x128xf32>
      tpu.vector_store %arg24[%swap3A_637, %swap3A_638], %max3A_636 {strides = array<i32>} : memref<64x128xf32, #tpu.memory_space<vmem>>, vector<1x128xf32>,
    } else {
    }
    %le3A_508 = arith.constant 50 : i32
    %le3A_509 = arith.cmpi sle, %reduce_min3A_106, %le3A_508 : i32
    %ge3A_510 = arith.constant 50 : i32
    %ge3A_511 = arith.cmpi sge, %reduce_max3A_110, %ge3A_510 : i32
    %and3A_512 = arith.andi %le3A_509, %ge3A_511 : i1
    %convert_element_type3A_513 = arith.extui %and3A_512 : i1 to i32
    %cond3A_514 = arith.constant 0 : i32
    %cond3A_515 = arith.cmpi ne, %convert_element_type3A_513, %cond3A_514 : i32
    scf.if %cond3A_515 {
      %eq3A_625 = arith.constant 50 : i32
      %eq3A_626 = vector.broadcast %eq3A_625 : i32 to vector<2000x1xi32>
      %eq3A_627 = arith.cmpi eq, %get3A_73, %eq3A_626 : vector<2000x1xi32>
      %jit3A = arith.constant 0xFF800000 : f32
      %broadcast_in_dim3A = vector.shape_cast %eq3A_627 : vector<2000x1xi1> to vector<2000x1xi1>
      %broadcast_in_dim3A_628 = vector.broadcast %broadcast_in_dim3A : vector<2000x1xi1> to vector<2000x128xi1>
      %broadcast_in_dim3A_629 = vector.broadcast %jit3A : f32 to vector<2000x128xf32>
      %select_n3A = arith.select %broadcast_in_dim3A_628, %add3A_68, %broadcast_in_dim3A_629 : vector<2000x128xi1>, vector<2000x128xf32>
      %get3A_630 = arith.constant 50 : index
      %get3A_631 = arith.constant 0 : index
      %get3A_632 = vector.load %arg24[%get3A_630, %get3A_631] : memref<64x128xf32, #tpu.memory_space<vmem>>, vector<1x128xf32>
      %reduce_max3A_633 = arith.constant dense<0xFF800000> : vector<128xf32>
      %reduce_max3A_634 = vector.multi_reduction <maximumf>, %select_n3A, %reduce_max3A_633 [0] : vector<2000x128xf32> to vector<128xf32>
      %broadcast_in_dim3A_635 = vector.shape_cast %reduce_max3A_634 : vector<128xf32> to vector<1x128xf32>
      %max3A_636 = arith.maximumf %get3A_632, %broadcast_in_dim3A_635 : vector<1x128xf32>
      %swap3A_637 = arith.constant 50 : index
      %swap3A_638 = arith.constant 0 : index
      %swap3A_639 = vector.load %arg24[%swap3A_637, %swap3A_638] : memref<64x128xf32, #tpu.memory_space<vmem>>, vector<1x128xf32>
      tpu.vector_store %arg24[%swap3A_637, %swap3A_638], %max3A_636 {strides = array<i32>} : memref<64x128xf32, #tpu.memory_space<vmem>>, vector<1x128xf32>,
    } else {
    }
    %le3A_516 = arith.constant 51 : i32
    %le3A_517 = arith.cmpi sle, %reduce_min3A_106, %le3A_516 : i32
    %ge3A_518 = arith.constant 51 : i32
    %ge3A_519 = arith.cmpi sge, %reduce_max3A_110, %ge3A_518 : i32
    %and3A_520 = arith.andi %le3A_517, %ge3A_519 : i1
    %convert_element_type3A_521 = arith.extui %and3A_520 : i1 to i32
    %cond3A_522 = arith.constant 0 : i32
    %cond3A_523 = arith.cmpi ne, %convert_element_type3A_521, %cond3A_522 : i32
    scf.if %cond3A_523 {
      %eq3A_625 = arith.constant 51 : i32
      %eq3A_626 = vector.broadcast %eq3A_625 : i32 to vector<2000x1xi32>
      %eq3A_627 = arith.cmpi eq, %get3A_73, %eq3A_626 : vector<2000x1xi32>
      %jit3A = arith.constant 0xFF800000 : f32
      %broadcast_in_dim3A = vector.shape_cast %eq3A_627 : vector<2000x1xi1> to vector<2000x1xi1>
      %broadcast_in_dim3A_628 = vector.broadcast %broadcast_in_dim3A : vector<2000x1xi1> to vector<2000x128xi1>
      %broadcast_in_dim3A_629 = vector.broadcast %jit3A : f32 to vector<2000x128xf32>
      %select_n3A = arith.select %broadcast_in_dim3A_628, %add3A_68, %broadcast_in_dim3A_629 : vector<2000x128xi1>, vector<2000x128xf32>
      %get3A_630 = arith.constant 51 : index
      %get3A_631 = arith.constant 0 : index
      %get3A_632 = vector.load %arg24[%get3A_630, %get3A_631] : memref<64x128xf32, #tpu.memory_space<vmem>>, vector<1x128xf32>
      %reduce_max3A_633 = arith.constant dense<0xFF800000> : vector<128xf32>
      %reduce_max3A_634 = vector.multi_reduction <maximumf>, %select_n3A, %reduce_max3A_633 [0] : vector<2000x128xf32> to vector<128xf32>
      %broadcast_in_dim3A_635 = vector.shape_cast %reduce_max3A_634 : vector<128xf32> to vector<1x128xf32>
      %max3A_636 = arith.maximumf %get3A_632, %broadcast_in_dim3A_635 : vector<1x128xf32>
      %swap3A_637 = arith.constant 51 : index
      %swap3A_638 = arith.constant 0 : index
      %swap3A_639 = vector.load %arg24[%swap3A_637, %swap3A_638] : memref<64x128xf32, #tpu.memory_space<vmem>>, vector<1x128xf32>
      tpu.vector_store %arg24[%swap3A_637, %swap3A_638], %max3A_636 {strides = array<i32>} : memref<64x128xf32, #tpu.memory_space<vmem>>, vector<1x128xf32>,
    } else {
    }
    %le3A_524 = arith.constant 52 : i32
    %le3A_525 = arith.cmpi sle, %reduce_min3A_106, %le3A_524 : i32
    %ge3A_526 = arith.constant 52 : i32
    %ge3A_527 = arith.cmpi sge, %reduce_max3A_110, %ge3A_526 : i32
    %and3A_528 = arith.andi %le3A_525, %ge3A_527 : i1
    %convert_element_type3A_529 = arith.extui %and3A_528 : i1 to i32
    %cond3A_530 = arith.constant 0 : i32
    %cond3A_531 = arith.cmpi ne, %convert_element_type3A_529, %cond3A_530 : i32
    scf.if %cond3A_531 {
      %eq3A_625 = arith.constant 52 : i32
      %eq3A_626 = vector.broadcast %eq3A_625 : i32 to vector<2000x1xi32>
      %eq3A_627 = arith.cmpi eq, %get3A_73, %eq3A_626 : vector<2000x1xi32>
      %jit3A = arith.constant 0xFF800000 : f32
      %broadcast_in_dim3A = vector.shape_cast %eq3A_627 : vector<2000x1xi1> to vector<2000x1xi1>
      %broadcast_in_dim3A_628 = vector.broadcast %broadcast_in_dim3A : vector<2000x1xi1> to vector<2000x128xi1>
      %broadcast_in_dim3A_629 = vector.broadcast %jit3A : f32 to vector<2000x128xf32>
      %select_n3A = arith.select %broadcast_in_dim3A_628, %add3A_68, %broadcast_in_dim3A_629 : vector<2000x128xi1>, vector<2000x128xf32>
      %get3A_630 = arith.constant 52 : index
      %get3A_631 = arith.constant 0 : index
      %get3A_632 = vector.load %arg24[%get3A_630, %get3A_631] : memref<64x128xf32, #tpu.memory_space<vmem>>, vector<1x128xf32>
      %reduce_max3A_633 = arith.constant dense<0xFF800000> : vector<128xf32>
      %reduce_max3A_634 = vector.multi_reduction <maximumf>, %select_n3A, %reduce_max3A_633 [0] : vector<2000x128xf32> to vector<128xf32>
      %broadcast_in_dim3A_635 = vector.shape_cast %reduce_max3A_634 : vector<128xf32> to vector<1x128xf32>
      %max3A_636 = arith.maximumf %get3A_632, %broadcast_in_dim3A_635 : vector<1x128xf32>
      %swap3A_637 = arith.constant 52 : index
      %swap3A_638 = arith.constant 0 : index
      %swap3A_639 = vector.load %arg24[%swap3A_637, %swap3A_638] : memref<64x128xf32, #tpu.memory_space<vmem>>, vector<1x128xf32>
      tpu.vector_store %arg24[%swap3A_637, %swap3A_638], %max3A_636 {strides = array<i32>} : memref<64x128xf32, #tpu.memory_space<vmem>>, vector<1x128xf32>,
    } else {
    }
    %le3A_532 = arith.constant 53 : i32
    %le3A_533 = arith.cmpi sle, %reduce_min3A_106, %le3A_532 : i32
    %ge3A_534 = arith.constant 53 : i32
    %ge3A_535 = arith.cmpi sge, %reduce_max3A_110, %ge3A_534 : i32
    %and3A_536 = arith.andi %le3A_533, %ge3A_535 : i1
    %convert_element_type3A_537 = arith.extui %and3A_536 : i1 to i32
    %cond3A_538 = arith.constant 0 : i32
    %cond3A_539 = arith.cmpi ne, %convert_element_type3A_537, %cond3A_538 : i32
    scf.if %cond3A_539 {
      %eq3A_625 = arith.constant 53 : i32
      %eq3A_626 = vector.broadcast %eq3A_625 : i32 to vector<2000x1xi32>
      %eq3A_627 = arith.cmpi eq, %get3A_73, %eq3A_626 : vector<2000x1xi32>
      %jit3A = arith.constant 0xFF800000 : f32
      %broadcast_in_dim3A = vector.shape_cast %eq3A_627 : vector<2000x1xi1> to vector<2000x1xi1>
      %broadcast_in_dim3A_628 = vector.broadcast %broadcast_in_dim3A : vector<2000x1xi1> to vector<2000x128xi1>
      %broadcast_in_dim3A_629 = vector.broadcast %jit3A : f32 to vector<2000x128xf32>
      %select_n3A = arith.select %broadcast_in_dim3A_628, %add3A_68, %broadcast_in_dim3A_629 : vector<2000x128xi1>, vector<2000x128xf32>
      %get3A_630 = arith.constant 53 : index
      %get3A_631 = arith.constant 0 : index
      %get3A_632 = vector.load %arg24[%get3A_630, %get3A_631] : memref<64x128xf32, #tpu.memory_space<vmem>>, vector<1x128xf32>
      %reduce_max3A_633 = arith.constant dense<0xFF800000> : vector<128xf32>
      %reduce_max3A_634 = vector.multi_reduction <maximumf>, %select_n3A, %reduce_max3A_633 [0] : vector<2000x128xf32> to vector<128xf32>
      %broadcast_in_dim3A_635 = vector.shape_cast %reduce_max3A_634 : vector<128xf32> to vector<1x128xf32>
      %max3A_636 = arith.maximumf %get3A_632, %broadcast_in_dim3A_635 : vector<1x128xf32>
      %swap3A_637 = arith.constant 53 : index
      %swap3A_638 = arith.constant 0 : index
      %swap3A_639 = vector.load %arg24[%swap3A_637, %swap3A_638] : memref<64x128xf32, #tpu.memory_space<vmem>>, vector<1x128xf32>
      tpu.vector_store %arg24[%swap3A_637, %swap3A_638], %max3A_636 {strides = array<i32>} : memref<64x128xf32, #tpu.memory_space<vmem>>, vector<1x128xf32>,
    } else {
    }
    %le3A_540 = arith.constant 54 : i32
    %le3A_541 = arith.cmpi sle, %reduce_min3A_106, %le3A_540 : i32
    %ge3A_542 = arith.constant 54 : i32
    %ge3A_543 = arith.cmpi sge, %reduce_max3A_110, %ge3A_542 : i32
    %and3A_544 = arith.andi %le3A_541, %ge3A_543 : i1
    %convert_element_type3A_545 = arith.extui %and3A_544 : i1 to i32
    %cond3A_546 = arith.constant 0 : i32
    %cond3A_547 = arith.cmpi ne, %convert_element_type3A_545, %cond3A_546 : i32
    scf.if %cond3A_547 {
      %eq3A_625 = arith.constant 54 : i32
      %eq3A_626 = vector.broadcast %eq3A_625 : i32 to vector<2000x1xi32>
      %eq3A_627 = arith.cmpi eq, %get3A_73, %eq3A_626 : vector<2000x1xi32>
      %jit3A = arith.constant 0xFF800000 : f32
      %broadcast_in_dim3A = vector.shape_cast %eq3A_627 : vector<2000x1xi1> to vector<2000x1xi1>
      %broadcast_in_dim3A_628 = vector.broadcast %broadcast_in_dim3A : vector<2000x1xi1> to vector<2000x128xi1>
      %broadcast_in_dim3A_629 = vector.broadcast %jit3A : f32 to vector<2000x128xf32>
      %select_n3A = arith.select %broadcast_in_dim3A_628, %add3A_68, %broadcast_in_dim3A_629 : vector<2000x128xi1>, vector<2000x128xf32>
      %get3A_630 = arith.constant 54 : index
      %get3A_631 = arith.constant 0 : index
      %get3A_632 = vector.load %arg24[%get3A_630, %get3A_631] : memref<64x128xf32, #tpu.memory_space<vmem>>, vector<1x128xf32>
      %reduce_max3A_633 = arith.constant dense<0xFF800000> : vector<128xf32>
      %reduce_max3A_634 = vector.multi_reduction <maximumf>, %select_n3A, %reduce_max3A_633 [0] : vector<2000x128xf32> to vector<128xf32>
      %broadcast_in_dim3A_635 = vector.shape_cast %reduce_max3A_634 : vector<128xf32> to vector<1x128xf32>
      %max3A_636 = arith.maximumf %get3A_632, %broadcast_in_dim3A_635 : vector<1x128xf32>
      %swap3A_637 = arith.constant 54 : index
      %swap3A_638 = arith.constant 0 : index
      %swap3A_639 = vector.load %arg24[%swap3A_637, %swap3A_638] : memref<64x128xf32, #tpu.memory_space<vmem>>, vector<1x128xf32>
      tpu.vector_store %arg24[%swap3A_637, %swap3A_638], %max3A_636 {strides = array<i32>} : memref<64x128xf32, #tpu.memory_space<vmem>>, vector<1x128xf32>,
    } else {
    }
    %le3A_548 = arith.constant 55 : i32
    %le3A_549 = arith.cmpi sle, %reduce_min3A_106, %le3A_548 : i32
    %ge3A_550 = arith.constant 55 : i32
    %ge3A_551 = arith.cmpi sge, %reduce_max3A_110, %ge3A_550 : i32
    %and3A_552 = arith.andi %le3A_549, %ge3A_551 : i1
    %convert_element_type3A_553 = arith.extui %and3A_552 : i1 to i32
    %cond3A_554 = arith.constant 0 : i32
    %cond3A_555 = arith.cmpi ne, %convert_element_type3A_553, %cond3A_554 : i32
    scf.if %cond3A_555 {
      %eq3A_625 = arith.constant 55 : i32
      %eq3A_626 = vector.broadcast %eq3A_625 : i32 to vector<2000x1xi32>
      %eq3A_627 = arith.cmpi eq, %get3A_73, %eq3A_626 : vector<2000x1xi32>
      %jit3A = arith.constant 0xFF800000 : f32
      %broadcast_in_dim3A = vector.shape_cast %eq3A_627 : vector<2000x1xi1> to vector<2000x1xi1>
      %broadcast_in_dim3A_628 = vector.broadcast %broadcast_in_dim3A : vector<2000x1xi1> to vector<2000x128xi1>
      %broadcast_in_dim3A_629 = vector.broadcast %jit3A : f32 to vector<2000x128xf32>
      %select_n3A = arith.select %broadcast_in_dim3A_628, %add3A_68, %broadcast_in_dim3A_629 : vector<2000x128xi1>, vector<2000x128xf32>
      %get3A_630 = arith.constant 55 : index
      %get3A_631 = arith.constant 0 : index
      %get3A_632 = vector.load %arg24[%get3A_630, %get3A_631] : memref<64x128xf32, #tpu.memory_space<vmem>>, vector<1x128xf32>
      %reduce_max3A_633 = arith.constant dense<0xFF800000> : vector<128xf32>
      %reduce_max3A_634 = vector.multi_reduction <maximumf>, %select_n3A, %reduce_max3A_633 [0] : vector<2000x128xf32> to vector<128xf32>
      %broadcast_in_dim3A_635 = vector.shape_cast %reduce_max3A_634 : vector<128xf32> to vector<1x128xf32>
      %max3A_636 = arith.maximumf %get3A_632, %broadcast_in_dim3A_635 : vector<1x128xf32>
      %swap3A_637 = arith.constant 55 : index
      %swap3A_638 = arith.constant 0 : index
      %swap3A_639 = vector.load %arg24[%swap3A_637, %swap3A_638] : memref<64x128xf32, #tpu.memory_space<vmem>>, vector<1x128xf32>
      tpu.vector_store %arg24[%swap3A_637, %swap3A_638], %max3A_636 {strides = array<i32>} : memref<64x128xf32, #tpu.memory_space<vmem>>, vector<1x128xf32>,
    } else {
    }
    %le3A_556 = arith.constant 56 : i32
    %le3A_557 = arith.cmpi sle, %reduce_min3A_106, %le3A_556 : i32
    %ge3A_558 = arith.constant 56 : i32
    %ge3A_559 = arith.cmpi sge, %reduce_max3A_110, %ge3A_558 : i32
    %and3A_560 = arith.andi %le3A_557, %ge3A_559 : i1
    %convert_element_type3A_561 = arith.extui %and3A_560 : i1 to i32
    %cond3A_562 = arith.constant 0 : i32
    %cond3A_563 = arith.cmpi ne, %convert_element_type3A_561, %cond3A_562 : i32
    scf.if %cond3A_563 {
      %eq3A_625 = arith.constant 56 : i32
      %eq3A_626 = vector.broadcast %eq3A_625 : i32 to vector<2000x1xi32>
      %eq3A_627 = arith.cmpi eq, %get3A_73, %eq3A_626 : vector<2000x1xi32>
      %jit3A = arith.constant 0xFF800000 : f32
      %broadcast_in_dim3A = vector.shape_cast %eq3A_627 : vector<2000x1xi1> to vector<2000x1xi1>
      %broadcast_in_dim3A_628 = vector.broadcast %broadcast_in_dim3A : vector<2000x1xi1> to vector<2000x128xi1>
      %broadcast_in_dim3A_629 = vector.broadcast %jit3A : f32 to vector<2000x128xf32>
      %select_n3A = arith.select %broadcast_in_dim3A_628, %add3A_68, %broadcast_in_dim3A_629 : vector<2000x128xi1>, vector<2000x128xf32>
      %get3A_630 = arith.constant 56 : index
      %get3A_631 = arith.constant 0 : index
      %get3A_632 = vector.load %arg24[%get3A_630, %get3A_631] : memref<64x128xf32, #tpu.memory_space<vmem>>, vector<1x128xf32>
      %reduce_max3A_633 = arith.constant dense<0xFF800000> : vector<128xf32>
      %reduce_max3A_634 = vector.multi_reduction <maximumf>, %select_n3A, %reduce_max3A_633 [0] : vector<2000x128xf32> to vector<128xf32>
      %broadcast_in_dim3A_635 = vector.shape_cast %reduce_max3A_634 : vector<128xf32> to vector<1x128xf32>
      %max3A_636 = arith.maximumf %get3A_632, %broadcast_in_dim3A_635 : vector<1x128xf32>
      %swap3A_637 = arith.constant 56 : index
      %swap3A_638 = arith.constant 0 : index
      %swap3A_639 = vector.load %arg24[%swap3A_637, %swap3A_638] : memref<64x128xf32, #tpu.memory_space<vmem>>, vector<1x128xf32>
      tpu.vector_store %arg24[%swap3A_637, %swap3A_638], %max3A_636 {strides = array<i32>} : memref<64x128xf32, #tpu.memory_space<vmem>>, vector<1x128xf32>,
    } else {
    }
    %le3A_564 = arith.constant 57 : i32
    %le3A_565 = arith.cmpi sle, %reduce_min3A_106, %le3A_564 : i32
    %ge3A_566 = arith.constant 57 : i32
    %ge3A_567 = arith.cmpi sge, %reduce_max3A_110, %ge3A_566 : i32
    %and3A_568 = arith.andi %le3A_565, %ge3A_567 : i1
    %convert_element_type3A_569 = arith.extui %and3A_568 : i1 to i32
    %cond3A_570 = arith.constant 0 : i32
    %cond3A_571 = arith.cmpi ne, %convert_element_type3A_569, %cond3A_570 : i32
    scf.if %cond3A_571 {
      %eq3A_625 = arith.constant 57 : i32
      %eq3A_626 = vector.broadcast %eq3A_625 : i32 to vector<2000x1xi32>
      %eq3A_627 = arith.cmpi eq, %get3A_73, %eq3A_626 : vector<2000x1xi32>
      %jit3A = arith.constant 0xFF800000 : f32
      %broadcast_in_dim3A = vector.shape_cast %eq3A_627 : vector<2000x1xi1> to vector<2000x1xi1>
      %broadcast_in_dim3A_628 = vector.broadcast %broadcast_in_dim3A : vector<2000x1xi1> to vector<2000x128xi1>
      %broadcast_in_dim3A_629 = vector.broadcast %jit3A : f32 to vector<2000x128xf32>
      %select_n3A = arith.select %broadcast_in_dim3A_628, %add3A_68, %broadcast_in_dim3A_629 : vector<2000x128xi1>, vector<2000x128xf32>
      %get3A_630 = arith.constant 57 : index
      %get3A_631 = arith.constant 0 : index
      %get3A_632 = vector.load %arg24[%get3A_630, %get3A_631] : memref<64x128xf32, #tpu.memory_space<vmem>>, vector<1x128xf32>
      %reduce_max3A_633 = arith.constant dense<0xFF800000> : vector<128xf32>
      %reduce_max3A_634 = vector.multi_reduction <maximumf>, %select_n3A, %reduce_max3A_633 [0] : vector<2000x128xf32> to vector<128xf32>
      %broadcast_in_dim3A_635 = vector.shape_cast %reduce_max3A_634 : vector<128xf32> to vector<1x128xf32>
      %max3A_636 = arith.maximumf %get3A_632, %broadcast_in_dim3A_635 : vector<1x128xf32>
      %swap3A_637 = arith.constant 57 : index
      %swap3A_638 = arith.constant 0 : index
      %swap3A_639 = vector.load %arg24[%swap3A_637, %swap3A_638] : memref<64x128xf32, #tpu.memory_space<vmem>>, vector<1x128xf32>
      tpu.vector_store %arg24[%swap3A_637, %swap3A_638], %max3A_636 {strides = array<i32>} : memref<64x128xf32, #tpu.memory_space<vmem>>, vector<1x128xf32>,
    } else {
    }
    %le3A_572 = arith.constant 58 : i32
    %le3A_573 = arith.cmpi sle, %reduce_min3A_106, %le3A_572 : i32
    %ge3A_574 = arith.constant 58 : i32
    %ge3A_575 = arith.cmpi sge, %reduce_max3A_110, %ge3A_574 : i32
    %and3A_576 = arith.andi %le3A_573, %ge3A_575 : i1
    %convert_element_type3A_577 = arith.extui %and3A_576 : i1 to i32
    %cond3A_578 = arith.constant 0 : i32
    %cond3A_579 = arith.cmpi ne, %convert_element_type3A_577, %cond3A_578 : i32
    scf.if %cond3A_579 {
      %eq3A_625 = arith.constant 58 : i32
      %eq3A_626 = vector.broadcast %eq3A_625 : i32 to vector<2000x1xi32>
      %eq3A_627 = arith.cmpi eq, %get3A_73, %eq3A_626 : vector<2000x1xi32>
      %jit3A = arith.constant 0xFF800000 : f32
      %broadcast_in_dim3A = vector.shape_cast %eq3A_627 : vector<2000x1xi1> to vector<2000x1xi1>
      %broadcast_in_dim3A_628 = vector.broadcast %broadcast_in_dim3A : vector<2000x1xi1> to vector<2000x128xi1>
      %broadcast_in_dim3A_629 = vector.broadcast %jit3A : f32 to vector<2000x128xf32>
      %select_n3A = arith.select %broadcast_in_dim3A_628, %add3A_68, %broadcast_in_dim3A_629 : vector<2000x128xi1>, vector<2000x128xf32>
      %get3A_630 = arith.constant 58 : index
      %get3A_631 = arith.constant 0 : index
      %get3A_632 = vector.load %arg24[%get3A_630, %get3A_631] : memref<64x128xf32, #tpu.memory_space<vmem>>, vector<1x128xf32>
      %reduce_max3A_633 = arith.constant dense<0xFF800000> : vector<128xf32>
      %reduce_max3A_634 = vector.multi_reduction <maximumf>, %select_n3A, %reduce_max3A_633 [0] : vector<2000x128xf32> to vector<128xf32>
      %broadcast_in_dim3A_635 = vector.shape_cast %reduce_max3A_634 : vector<128xf32> to vector<1x128xf32>
      %max3A_636 = arith.maximumf %get3A_632, %broadcast_in_dim3A_635 : vector<1x128xf32>
      %swap3A_637 = arith.constant 58 : index
      %swap3A_638 = arith.constant 0 : index
      %swap3A_639 = vector.load %arg24[%swap3A_637, %swap3A_638] : memref<64x128xf32, #tpu.memory_space<vmem>>, vector<1x128xf32>
      tpu.vector_store %arg24[%swap3A_637, %swap3A_638], %max3A_636 {strides = array<i32>} : memref<64x128xf32, #tpu.memory_space<vmem>>, vector<1x128xf32>,
    } else {
    }
    %le3A_580 = arith.constant 59 : i32
    %le3A_581 = arith.cmpi sle, %reduce_min3A_106, %le3A_580 : i32
    %ge3A_582 = arith.constant 59 : i32
    %ge3A_583 = arith.cmpi sge, %reduce_max3A_110, %ge3A_582 : i32
    %and3A_584 = arith.andi %le3A_581, %ge3A_583 : i1
    %convert_element_type3A_585 = arith.extui %and3A_584 : i1 to i32
    %cond3A_586 = arith.constant 0 : i32
    %cond3A_587 = arith.cmpi ne, %convert_element_type3A_585, %cond3A_586 : i32
    scf.if %cond3A_587 {
      %eq3A_625 = arith.constant 59 : i32
      %eq3A_626 = vector.broadcast %eq3A_625 : i32 to vector<2000x1xi32>
      %eq3A_627 = arith.cmpi eq, %get3A_73, %eq3A_626 : vector<2000x1xi32>
      %jit3A = arith.constant 0xFF800000 : f32
      %broadcast_in_dim3A = vector.shape_cast %eq3A_627 : vector<2000x1xi1> to vector<2000x1xi1>
      %broadcast_in_dim3A_628 = vector.broadcast %broadcast_in_dim3A : vector<2000x1xi1> to vector<2000x128xi1>
      %broadcast_in_dim3A_629 = vector.broadcast %jit3A : f32 to vector<2000x128xf32>
      %select_n3A = arith.select %broadcast_in_dim3A_628, %add3A_68, %broadcast_in_dim3A_629 : vector<2000x128xi1>, vector<2000x128xf32>
      %get3A_630 = arith.constant 59 : index
      %get3A_631 = arith.constant 0 : index
      %get3A_632 = vector.load %arg24[%get3A_630, %get3A_631] : memref<64x128xf32, #tpu.memory_space<vmem>>, vector<1x128xf32>
      %reduce_max3A_633 = arith.constant dense<0xFF800000> : vector<128xf32>
      %reduce_max3A_634 = vector.multi_reduction <maximumf>, %select_n3A, %reduce_max3A_633 [0] : vector<2000x128xf32> to vector<128xf32>
      %broadcast_in_dim3A_635 = vector.shape_cast %reduce_max3A_634 : vector<128xf32> to vector<1x128xf32>
      %max3A_636 = arith.maximumf %get3A_632, %broadcast_in_dim3A_635 : vector<1x128xf32>
      %swap3A_637 = arith.constant 59 : index
      %swap3A_638 = arith.constant 0 : index
      %swap3A_639 = vector.load %arg24[%swap3A_637, %swap3A_638] : memref<64x128xf32, #tpu.memory_space<vmem>>, vector<1x128xf32>
      tpu.vector_store %arg24[%swap3A_637, %swap3A_638], %max3A_636 {strides = array<i32>} : memref<64x128xf32, #tpu.memory_space<vmem>>, vector<1x128xf32>,
    } else {
    }
    %le3A_588 = arith.constant 60 : i32
    %le3A_589 = arith.cmpi sle, %reduce_min3A_106, %le3A_588 : i32
    %ge3A_590 = arith.constant 60 : i32
    %ge3A_591 = arith.cmpi sge, %reduce_max3A_110, %ge3A_590 : i32
    %and3A_592 = arith.andi %le3A_589, %ge3A_591 : i1
    %convert_element_type3A_593 = arith.extui %and3A_592 : i1 to i32
    %cond3A_594 = arith.constant 0 : i32
    %cond3A_595 = arith.cmpi ne, %convert_element_type3A_593, %cond3A_594 : i32
    scf.if %cond3A_595 {
      %eq3A_625 = arith.constant 60 : i32
      %eq3A_626 = vector.broadcast %eq3A_625 : i32 to vector<2000x1xi32>
      %eq3A_627 = arith.cmpi eq, %get3A_73, %eq3A_626 : vector<2000x1xi32>
      %jit3A = arith.constant 0xFF800000 : f32
      %broadcast_in_dim3A = vector.shape_cast %eq3A_627 : vector<2000x1xi1> to vector<2000x1xi1>
      %broadcast_in_dim3A_628 = vector.broadcast %broadcast_in_dim3A : vector<2000x1xi1> to vector<2000x128xi1>
      %broadcast_in_dim3A_629 = vector.broadcast %jit3A : f32 to vector<2000x128xf32>
      %select_n3A = arith.select %broadcast_in_dim3A_628, %add3A_68, %broadcast_in_dim3A_629 : vector<2000x128xi1>, vector<2000x128xf32>
      %get3A_630 = arith.constant 60 : index
      %get3A_631 = arith.constant 0 : index
      %get3A_632 = vector.load %arg24[%get3A_630, %get3A_631] : memref<64x128xf32, #tpu.memory_space<vmem>>, vector<1x128xf32>
      %reduce_max3A_633 = arith.constant dense<0xFF800000> : vector<128xf32>
      %reduce_max3A_634 = vector.multi_reduction <maximumf>, %select_n3A, %reduce_max3A_633 [0] : vector<2000x128xf32> to vector<128xf32>
      %broadcast_in_dim3A_635 = vector.shape_cast %reduce_max3A_634 : vector<128xf32> to vector<1x128xf32>
      %max3A_636 = arith.maximumf %get3A_632, %broadcast_in_dim3A_635 : vector<1x128xf32>
      %swap3A_637 = arith.constant 60 : index
      %swap3A_638 = arith.constant 0 : index
      %swap3A_639 = vector.load %arg24[%swap3A_637, %swap3A_638] : memref<64x128xf32, #tpu.memory_space<vmem>>, vector<1x128xf32>
      tpu.vector_store %arg24[%swap3A_637, %swap3A_638], %max3A_636 {strides = array<i32>} : memref<64x128xf32, #tpu.memory_space<vmem>>, vector<1x128xf32>,
    } else {
    }
    %le3A_596 = arith.constant 61 : i32
    %le3A_597 = arith.cmpi sle, %reduce_min3A_106, %le3A_596 : i32
    %ge3A_598 = arith.constant 61 : i32
    %ge3A_599 = arith.cmpi sge, %reduce_max3A_110, %ge3A_598 : i32
    %and3A_600 = arith.andi %le3A_597, %ge3A_599 : i1
    %convert_element_type3A_601 = arith.extui %and3A_600 : i1 to i32
    %cond3A_602 = arith.constant 0 : i32
    %cond3A_603 = arith.cmpi ne, %convert_element_type3A_601, %cond3A_602 : i32
    scf.if %cond3A_603 {
      %eq3A_625 = arith.constant 61 : i32
      %eq3A_626 = vector.broadcast %eq3A_625 : i32 to vector<2000x1xi32>
      %eq3A_627 = arith.cmpi eq, %get3A_73, %eq3A_626 : vector<2000x1xi32>
      %jit3A = arith.constant 0xFF800000 : f32
      %broadcast_in_dim3A = vector.shape_cast %eq3A_627 : vector<2000x1xi1> to vector<2000x1xi1>
      %broadcast_in_dim3A_628 = vector.broadcast %broadcast_in_dim3A : vector<2000x1xi1> to vector<2000x128xi1>
      %broadcast_in_dim3A_629 = vector.broadcast %jit3A : f32 to vector<2000x128xf32>
      %select_n3A = arith.select %broadcast_in_dim3A_628, %add3A_68, %broadcast_in_dim3A_629 : vector<2000x128xi1>, vector<2000x128xf32>
      %get3A_630 = arith.constant 61 : index
      %get3A_631 = arith.constant 0 : index
      %get3A_632 = vector.load %arg24[%get3A_630, %get3A_631] : memref<64x128xf32, #tpu.memory_space<vmem>>, vector<1x128xf32>
      %reduce_max3A_633 = arith.constant dense<0xFF800000> : vector<128xf32>
      %reduce_max3A_634 = vector.multi_reduction <maximumf>, %select_n3A, %reduce_max3A_633 [0] : vector<2000x128xf32> to vector<128xf32>
      %broadcast_in_dim3A_635 = vector.shape_cast %reduce_max3A_634 : vector<128xf32> to vector<1x128xf32>
      %max3A_636 = arith.maximumf %get3A_632, %broadcast_in_dim3A_635 : vector<1x128xf32>
      %swap3A_637 = arith.constant 61 : index
      %swap3A_638 = arith.constant 0 : index
      %swap3A_639 = vector.load %arg24[%swap3A_637, %swap3A_638] : memref<64x128xf32, #tpu.memory_space<vmem>>, vector<1x128xf32>
      tpu.vector_store %arg24[%swap3A_637, %swap3A_638], %max3A_636 {strides = array<i32>} : memref<64x128xf32, #tpu.memory_space<vmem>>, vector<1x128xf32>,
    } else {
    }
    %le3A_604 = arith.constant 62 : i32
    %le3A_605 = arith.cmpi sle, %reduce_min3A_106, %le3A_604 : i32
    %ge3A_606 = arith.constant 62 : i32
    %ge3A_607 = arith.cmpi sge, %reduce_max3A_110, %ge3A_606 : i32
    %and3A_608 = arith.andi %le3A_605, %ge3A_607 : i1
    %convert_element_type3A_609 = arith.extui %and3A_608 : i1 to i32
    %cond3A_610 = arith.constant 0 : i32
    %cond3A_611 = arith.cmpi ne, %convert_element_type3A_609, %cond3A_610 : i32
    scf.if %cond3A_611 {
      %eq3A_625 = arith.constant 62 : i32
      %eq3A_626 = vector.broadcast %eq3A_625 : i32 to vector<2000x1xi32>
      %eq3A_627 = arith.cmpi eq, %get3A_73, %eq3A_626 : vector<2000x1xi32>
      %jit3A = arith.constant 0xFF800000 : f32
      %broadcast_in_dim3A = vector.shape_cast %eq3A_627 : vector<2000x1xi1> to vector<2000x1xi1>
      %broadcast_in_dim3A_628 = vector.broadcast %broadcast_in_dim3A : vector<2000x1xi1> to vector<2000x128xi1>
      %broadcast_in_dim3A_629 = vector.broadcast %jit3A : f32 to vector<2000x128xf32>
      %select_n3A = arith.select %broadcast_in_dim3A_628, %add3A_68, %broadcast_in_dim3A_629 : vector<2000x128xi1>, vector<2000x128xf32>
      %get3A_630 = arith.constant 62 : index
      %get3A_631 = arith.constant 0 : index
      %get3A_632 = vector.load %arg24[%get3A_630, %get3A_631] : memref<64x128xf32, #tpu.memory_space<vmem>>, vector<1x128xf32>
      %reduce_max3A_633 = arith.constant dense<0xFF800000> : vector<128xf32>
      %reduce_max3A_634 = vector.multi_reduction <maximumf>, %select_n3A, %reduce_max3A_633 [0] : vector<2000x128xf32> to vector<128xf32>
      %broadcast_in_dim3A_635 = vector.shape_cast %reduce_max3A_634 : vector<128xf32> to vector<1x128xf32>
      %max3A_636 = arith.maximumf %get3A_632, %broadcast_in_dim3A_635 : vector<1x128xf32>
      %swap3A_637 = arith.constant 62 : index
      %swap3A_638 = arith.constant 0 : index
      %swap3A_639 = vector.load %arg24[%swap3A_637, %swap3A_638] : memref<64x128xf32, #tpu.memory_space<vmem>>, vector<1x128xf32>
      tpu.vector_store %arg24[%swap3A_637, %swap3A_638], %max3A_636 {strides = array<i32>} : memref<64x128xf32, #tpu.memory_space<vmem>>, vector<1x128xf32>,
    } else {
    }
    %le3A_612 = arith.constant 63 : i32
    %le3A_613 = arith.cmpi sle, %reduce_min3A_106, %le3A_612 : i32
    %ge3A_614 = arith.constant 63 : i32
    %ge3A_615 = arith.cmpi sge, %reduce_max3A_110, %ge3A_614 : i32
    %and3A_616 = arith.andi %le3A_613, %ge3A_615 : i1
    %convert_element_type3A_617 = arith.extui %and3A_616 : i1 to i32
    %cond3A_618 = arith.constant 0 : i32
    %cond3A_619 = arith.cmpi ne, %convert_element_type3A_617, %cond3A_618 : i32
    scf.if %cond3A_619 {
      %eq3A_625 = arith.constant 63 : i32
      %eq3A_626 = vector.broadcast %eq3A_625 : i32 to vector<2000x1xi32>
      %eq3A_627 = arith.cmpi eq, %get3A_73, %eq3A_626 : vector<2000x1xi32>
      %jit3A = arith.constant 0xFF800000 : f32
      %broadcast_in_dim3A = vector.shape_cast %eq3A_627 : vector<2000x1xi1> to vector<2000x1xi1>
      %broadcast_in_dim3A_628 = vector.broadcast %broadcast_in_dim3A : vector<2000x1xi1> to vector<2000x128xi1>
      %broadcast_in_dim3A_629 = vector.broadcast %jit3A : f32 to vector<2000x128xf32>
      %select_n3A = arith.select %broadcast_in_dim3A_628, %add3A_68, %broadcast_in_dim3A_629 : vector<2000x128xi1>, vector<2000x128xf32>
      %get3A_630 = arith.constant 63 : index
      %get3A_631 = arith.constant 0 : index
      %get3A_632 = vector.load %arg24[%get3A_630, %get3A_631] : memref<64x128xf32, #tpu.memory_space<vmem>>, vector<1x128xf32>
      %reduce_max3A_633 = arith.constant dense<0xFF800000> : vector<128xf32>
      %reduce_max3A_634 = vector.multi_reduction <maximumf>, %select_n3A, %reduce_max3A_633 [0] : vector<2000x128xf32> to vector<128xf32>
      %broadcast_in_dim3A_635 = vector.shape_cast %reduce_max3A_634 : vector<128xf32> to vector<1x128xf32>
      %max3A_636 = arith.maximumf %get3A_632, %broadcast_in_dim3A_635 : vector<1x128xf32>
      %swap3A_637 = arith.constant 63 : index
      %swap3A_638 = arith.constant 0 : index
      %swap3A_639 = vector.load %arg24[%swap3A_637, %swap3A_638] : memref<64x128xf32, #tpu.memory_space<vmem>>, vector<1x128xf32>
      tpu.vector_store %arg24[%swap3A_637, %swap3A_638], %max3A_636 {strides = array<i32>} : memref<64x128xf32, #tpu.memory_space<vmem>>, vector<1x128xf32>,
    } else {
    }
    %eq3A_620 = arith.constant 4 : i32
    %eq3A_621 = arith.cmpi eq, %arg0, %eq3A_620 : i32
    %convert_element_type3A_622 = arith.extui %eq3A_621 : i1 to i32
    %cond3A_623 = arith.constant 0 : i32
    %cond3A_624 = arith.cmpi ne, %convert_element_type3A_622, %cond3A_623 : i32
    scf.if %cond3A_624 {
      %get3A_625 = arith.constant 0 : index
      %get3A_626 = arith.constant 0 : index
      %get3A_627 = vector.load %arg23[%get3A_625, %get3A_626] : memref<64x128xf32, #tpu.memory_space<vmem>>, vector<64x128xf32>
      %get3A_628 = arith.constant 0 : index
      %get3A_629 = arith.constant 0 : index
      %get3A_630 = vector.load %arg24[%get3A_628, %get3A_629] : memref<64x128xf32, #tpu.memory_space<vmem>>, vector<64x128xf32>
      %get3A_631 = arith.constant 0 : index
      %get3A_632 = arith.constant 0 : index
      %get3A_633 = vector.load %arg10[%get3A_631, %get3A_632] : memref<128x128xf32, #tpu.memory_space<vmem>>, vector<128x128xf32>
      %convert_element_type3A_634 = arith.truncf %get3A_627 : vector<64x128xf32> to vector<64x128xbf16>
      %convert_element_type3A_635 = arith.truncf %get3A_633 : vector<128x128xf32> to vector<128x128xbf16>
      %dot_general3A_636 = arith.constant dense<0.000000e+00> : vector<64x128xf32>
      %dot_general3A_637 = tpu.matmul %convert_element_type3A_634, %convert_element_type3A_635, %dot_general3A_636 {dimension_numbers = #tpu.dot_dimension_numbers<[1], [1], [0], [0], [0, 0, 1, 0], [], []>, transpose_lhs_hint = false} : vector<64x128xbf16>, vector<128x128xbf16>, vector<64x128xf32> -> vector<64x128xf32>
      %get3A_638 = arith.constant 0 : index
      %get3A_639 = arith.constant 0 : index
      %get3A_640 = vector.load %arg11[%get3A_638, %get3A_639] : memref<128x128xf32, #tpu.memory_space<vmem>>, vector<128x128xf32>
      %convert_element_type3A_641 = arith.truncf %get3A_630 : vector<64x128xf32> to vector<64x128xbf16>
      %convert_element_type3A_642 = arith.truncf %get3A_640 : vector<128x128xf32> to vector<128x128xbf16>
      %dot_general3A_643 = arith.constant dense<0.000000e+00> : vector<64x128xf32>
      %dot_general3A_644 = tpu.matmul %convert_element_type3A_641, %convert_element_type3A_642, %dot_general3A_643 {dimension_numbers = #tpu.dot_dimension_numbers<[1], [1], [0], [0], [0, 0, 1, 0], [], []>, transpose_lhs_hint = false} : vector<64x128xbf16>, vector<128x128xbf16>, vector<64x128xf32> -> vector<64x128xf32>
      %add3A_645 = arith.addf %dot_general3A_637, %dot_general3A_644 : vector<64x128xf32>
      %get3A_646 = arith.constant 0 : index
      %get3A_647 = arith.constant 0 : index
      %get3A_648 = vector.load %arg12[%get3A_646, %get3A_647] : memref<1x128xf32, #tpu.memory_space<vmem>>, vector<1x128xf32>
      %add3A_649 = vector.broadcast %get3A_648 : vector<1x128xf32> to vector<64x128xf32>
      %add3A_650 = arith.addf %add3A_645, %add3A_649 : vector<64x128xf32>
      %max3A_651 = arith.constant 0.000000e+00 : f32
      %max3A_652 = vector.broadcast %max3A_651 : f32 to vector<64x128xf32>
      %max3A_653 = arith.maximumf %add3A_650, %max3A_652 : vector<64x128xf32>
      %get3A_654 = arith.constant 0 : index
      %get3A_655 = arith.constant 0 : index
      %get3A_656 = vector.load %arg13[%get3A_654, %get3A_655] : memref<64x128xf32, #tpu.memory_space<vmem>>, vector<64x128xf32>
      %convert_element_type3A_657 = arith.truncf %max3A_653 : vector<64x128xf32> to vector<64x128xbf16>
      %convert_element_type3A_658 = arith.truncf %get3A_656 : vector<64x128xf32> to vector<64x128xbf16>
      %dot_general3A_659 = arith.constant dense<0.000000e+00> : vector<64x64xf32>
      %dot_general3A_660 = tpu.matmul %convert_element_type3A_657, %convert_element_type3A_658, %dot_general3A_659 {dimension_numbers = #tpu.dot_dimension_numbers<[1], [1], [0], [0], [0, 0, 1, 0], [], []>, transpose_lhs_hint = false} : vector<64x128xbf16>, vector<64x128xbf16>, vector<64x64xf32> -> vector<64x64xf32>
      %get3A_661 = arith.constant 0 : index
      %get3A_662 = arith.constant 0 : index
      %get3A_663 = vector.load %arg14[%get3A_661, %get3A_662] : memref<1x64xf32, #tpu.memory_space<vmem>>, vector<1x64xf32>
      %add3A_664 = vector.broadcast %get3A_663 : vector<1x64xf32> to vector<64x64xf32>
      %add3A_665 = arith.addf %dot_general3A_660, %add3A_664 : vector<64x64xf32>
      %max3A_666 = arith.constant 0.000000e+00 : f32
      %max3A_667 = vector.broadcast %max3A_666 : f32 to vector<64x64xf32>
      %max3A_668 = arith.maximumf %add3A_665, %max3A_667 : vector<64x64xf32>
      %get3A_669 = arith.constant 0 : index
      %get3A_670 = arith.constant 0 : index
      %get3A_671 = vector.load %arg15[%get3A_669, %get3A_670] : memref<8x64xf32, #tpu.memory_space<vmem>>, vector<8x64xf32>
      %convert_element_type3A_672 = arith.truncf %max3A_668 : vector<64x64xf32> to vector<64x64xbf16>
      %convert_element_type3A_673 = arith.truncf %get3A_671 : vector<8x64xf32> to vector<8x64xbf16>
      %dot_general3A_674 = arith.constant dense<0.000000e+00> : vector<64x8xf32>
      %dot_general3A_675 = tpu.matmul %convert_element_type3A_672, %convert_element_type3A_673, %dot_general3A_674 {dimension_numbers = #tpu.dot_dimension_numbers<[1], [1], [0], [0], [0, 0, 1, 0], [], []>, transpose_lhs_hint = false} : vector<64x64xbf16>, vector<8x64xbf16>, vector<64x8xf32> -> vector<64x8xf32>
      %get3A_676 = arith.constant 0 : index
      %get3A_677 = arith.constant 0 : index
      %get3A_678 = vector.load %arg16[%get3A_676, %get3A_677] : memref<1x8xf32, #tpu.memory_space<vmem>>, vector<1x8xf32>
      %add3A_679 = vector.broadcast %get3A_678 : vector<1x8xf32> to vector<64x8xf32>
      %add3A_680 = arith.addf %dot_general3A_675, %add3A_679 : vector<64x8xf32>
      %swap3A_681 = arith.constant 0 : index
      %swap3A_682 = arith.constant 0 : index
      %swap3A_683 = vector.load %arg21[%swap3A_681, %swap3A_682] : memref<64x8xf32, #tpu.memory_space<vmem>>, vector<64x8xf32>
      tpu.vector_store %arg21[%swap3A_681, %swap3A_682], %add3A_680 {strides = array<i32>} : memref<64x8xf32, #tpu.memory_space<vmem>>, vector<64x8xf32>,
      %get3A_684 = arith.constant 0 : index
      %get3A_685 = arith.constant 0 : index
      %get3A_686 = vector.load %arg17[%get3A_684, %get3A_685] : memref<64x128xf32, #tpu.memory_space<vmem>>, vector<64x128xf32>
      %convert_element_type3A_687 = arith.truncf %max3A_653 : vector<64x128xf32> to vector<64x128xbf16>
      %convert_element_type3A_688 = arith.truncf %get3A_686 : vector<64x128xf32> to vector<64x128xbf16>
      %dot_general3A_689 = arith.constant dense<0.000000e+00> : vector<64x64xf32>
      %dot_general3A_690 = tpu.matmul %convert_element_type3A_687, %convert_element_type3A_688, %dot_general3A_689 {dimension_numbers = #tpu.dot_dimension_numbers<[1], [1], [0], [0], [0, 0, 1, 0], [], []>, transpose_lhs_hint = false} : vector<64x128xbf16>, vector<64x128xbf16>, vector<64x64xf32> -> vector<64x64xf32>
      %get3A_691 = arith.constant 0 : index
      %get3A_692 = arith.constant 0 : index
      %get3A_693 = vector.load %arg18[%get3A_691, %get3A_692] : memref<1x64xf32, #tpu.memory_space<vmem>>, vector<1x64xf32>
      %add3A_694 = vector.broadcast %get3A_693 : vector<1x64xf32> to vector<64x64xf32>
      %add3A_695 = arith.addf %dot_general3A_690, %add3A_694 : vector<64x64xf32>
      %max3A_696 = arith.constant 0.000000e+00 : f32
      %max3A_697 = vector.broadcast %max3A_696 : f32 to vector<64x64xf32>
      %max3A_698 = arith.maximumf %add3A_695, %max3A_697 : vector<64x64xf32>
      %get3A_699 = arith.constant 0 : index
      %get3A_700 = arith.constant 0 : index
      %get3A_701 = vector.load %arg19[%get3A_699, %get3A_700] : memref<8x64xf32, #tpu.memory_space<vmem>>, vector<8x64xf32>
      %convert_element_type3A_702 = arith.truncf %max3A_698 : vector<64x64xf32> to vector<64x64xbf16>
      %convert_element_type3A_703 = arith.truncf %get3A_701 : vector<8x64xf32> to vector<8x64xbf16>
      %dot_general3A_704 = arith.constant dense<0.000000e+00> : vector<64x8xf32>
      %dot_general3A_705 = tpu.matmul %convert_element_type3A_702, %convert_element_type3A_703, %dot_general3A_704 {dimension_numbers = #tpu.dot_dimension_numbers<[1], [1], [0], [0], [0, 0, 1, 0], [], []>, transpose_lhs_hint = false} : vector<64x64xbf16>, vector<8x64xbf16>, vector<64x8xf32> -> vector<64x8xf32>
      %get3A_706 = arith.constant 0 : index
      %get3A_707 = arith.constant 0 : index
      %get3A_708 = vector.load %arg20[%get3A_706, %get3A_707] : memref<1x8xf32, #tpu.memory_space<vmem>>, vector<1x8xf32>
      %add3A_709 = vector.broadcast %get3A_708 : vector<1x8xf32> to vector<64x8xf32>
      %add3A_710 = arith.addf %dot_general3A_705, %add3A_709 : vector<64x8xf32>
      %swap3A_711 = arith.constant 0 : index
      %swap3A_712 = arith.constant 0 : index
      %swap3A_713 = vector.load %arg22[%swap3A_711, %swap3A_712] : memref<64x8xf32, #tpu.memory_space<vmem>>, vector<64x8xf32>
      tpu.vector_store %arg22[%swap3A_711, %swap3A_712], %add3A_710 {strides = array<i32>} : memref<64x8xf32, #tpu.memory_space<vmem>>, vector<64x8xf32>,
    } else {
    }
    return
  }
  func.func @transform_0(%arg0: i32) -> (i32, i32, i32) {
    %c0_i32 = arith.constant 0 : i32
    %c0_i32_0 = arith.constant 0 : i32
    %c0_i32_1 = arith.constant 0 : i32
    return %c0_i32, %arg0, %c0_i32_0 : i32, i32, i32
  }
  func.func @transform_1(%arg0: i32) -> (i32, i32, i32) {
    %c0_i32 = arith.constant 0 : i32
    %c0_i32_0 = arith.constant 0 : i32
    %c0_i32_1 = arith.constant 0 : i32
    return %c0_i32, %arg0, %c0_i32_0 : i32, i32, i32
  }
  func.func @transform_2(%arg0: i32) -> (i32, i32) {
    %c0_i32 = arith.constant 0 : i32
    %c0_i32_0 = arith.constant 0 : i32
    return %arg0, %c0_i32 : i32, i32
  }
  func.func @transform_3(%arg0: i32) -> (i32, i32) {
    %c0_i32 = arith.constant 0 : i32
    %c0_i32_0 = arith.constant 0 : i32
    %c0_i32_1 = arith.constant 0 : i32
    return %c0_i32, %c0_i32_0 : i32, i32
  }
  func.func @transform_4(%arg0: i32) -> (i32, i32) {
    %c0_i32 = arith.constant 0 : i32
    %c0_i32_0 = arith.constant 0 : i32
    %c0_i32_1 = arith.constant 0 : i32
    return %c0_i32, %c0_i32_0 : i32, i32
  }
  func.func @transform_5(%arg0: i32) -> (i32, i32) {
    %c0_i32 = arith.constant 0 : i32
    %c0_i32_0 = arith.constant 0 : i32
    %c0_i32_1 = arith.constant 0 : i32
    return %c0_i32, %c0_i32_0 : i32, i32
  }
  func.func @transform_6(%arg0: i32) -> (i32, i32) {
    %c0_i32 = arith.constant 0 : i32
    %c0_i32_0 = arith.constant 0 : i32
    %c0_i32_1 = arith.constant 0 : i32
    return %c0_i32, %c0_i32_0 : i32, i32
  }
  func.func @transform_7(%arg0: i32) -> (i32, i32) {
    %c0_i32 = arith.constant 0 : i32
    %c0_i32_0 = arith.constant 0 : i32
    %c0_i32_1 = arith.constant 0 : i32
    return %c0_i32, %c0_i32_0 : i32, i32
  }
  func.func @transform_8(%arg0: i32) -> (i32, i32, i32) {
    %c0_i32 = arith.constant 0 : i32
    %c0_i32_0 = arith.constant 0 : i32
    %c0_i32_1 = arith.constant 0 : i32
    return %arg0, %c0_i32, %c0_i32_0 : i32, i32, i32
  }
  func.func @transform_9(%arg0: i32) -> (i32, i32) {
    %c0_i32 = arith.constant 0 : i32
    %c0_i32_0 = arith.constant 0 : i32
    %c0_i32_1 = arith.constant 0 : i32
    return %c0_i32, %c0_i32_0 : i32, i32
  }
  func.func @transform_10(%arg0: i32) -> (i32, i32) {
    %c0_i32 = arith.constant 0 : i32
    %c0_i32_0 = arith.constant 0 : i32
    %c0_i32_1 = arith.constant 0 : i32
    return %c0_i32, %c0_i32_0 : i32, i32
  }
  func.func @transform_11(%arg0: i32) -> (i32, i32) {
    %c0_i32 = arith.constant 0 : i32
    %c0_i32_0 = arith.constant 0 : i32
    %c0_i32_1 = arith.constant 0 : i32
    return %c0_i32, %c0_i32_0 : i32, i32
  }
  func.func @transform_12(%arg0: i32) -> (i32, i32) {
    %c0_i32 = arith.constant 0 : i32
    %c0_i32_0 = arith.constant 0 : i32
    %c0_i32_1 = arith.constant 0 : i32
    return %c0_i32, %c0_i32_0 : i32, i32
  }
  func.func @transform_13(%arg0: i32) -> (i32, i32) {
    %c0_i32 = arith.constant 0 : i32
    %c0_i32_0 = arith.constant 0 : i32
    %c0_i32_1 = arith.constant 0 : i32
    return %c0_i32, %c0_i32_0 : i32, i32
  }
  func.func @transform_14(%arg0: i32) -> (i32, i32) {
    %c0_i32 = arith.constant 0 : i32
    %c0_i32_0 = arith.constant 0 : i32
    %c0_i32_1 = arith.constant 0 : i32
    return %c0_i32, %c0_i32_0 : i32, i32
  }
  func.func @transform_15(%arg0: i32) -> (i32, i32) {
    %c0_i32 = arith.constant 0 : i32
    %c0_i32_0 = arith.constant 0 : i32
    %c0_i32_1 = arith.constant 0 : i32
    return %c0_i32, %c0_i32_0 : i32, i32
  }
  func.func @transform_16(%arg0: i32) -> (i32, i32) {
    %c0_i32 = arith.constant 0 : i32
    %c0_i32_0 = arith.constant 0 : i32
    %c0_i32_1 = arith.constant 0 : i32
    return %c0_i32, %c0_i32_0 : i32, i32
  }
  func.func @transform_17(%arg0: i32) -> (i32, i32) {
    %c0_i32 = arith.constant 0 : i32
    %c0_i32_0 = arith.constant 0 : i32
    %c0_i32_1 = arith.constant 0 : i32
    return %c0_i32, %c0_i32_0 : i32, i32
  }
  func.func @transform_18(%arg0: i32) -> (i32, i32) {
    %c0_i32 = arith.constant 0 : i32
    %c0_i32_0 = arith.constant 0 : i32
    %c0_i32_1 = arith.constant 0 : i32
    return %c0_i32, %c0_i32_0 : i32, i32
  }
  func.func @transform_19(%arg0: i32) -> (i32, i32) {
    %c0_i32 = arith.constant 0 : i32
    %c0_i32_0 = arith.constant 0 : i32
    %c0_i32_1 = arith.constant 0 : i32
    return %c0_i32, %c0_i32_0 : i32, i32
  }
  func.func @transform_20(%arg0: i32) -> (i32, i32) {
    %c0_i32 = arith.constant 0 : i32
    %c0_i32_0 = arith.constant 0 : i32
    %c0_i32_1 = arith.constant 0 : i32
    return %c0_i32, %c0_i32_0 : i32, i32
  }
  func.func @transform_21(%arg0: i32) -> (i32, i32) {
    %c0_i32 = arith.constant 0 : i32
    %c0_i32_0 = arith.constant 0 : i32
    %c0_i32_1 = arith.constant 0 : i32
    return %c0_i32, %c0_i32_0 : i32, i32
  }
}

</mosaic_0001>

<sc_bundles>
// kernel: kernel.12.cloned.1.call-start
scs
__scs_entry_jumppad:
0x0: {  	(pc) =	sbr.rel $0x88, $3  }
0x1: {  	(tag) =	ssettag $0x0;
	lr =	simm.s32 $0x1  }
0x2: {  	[smem:$0x3F83] =	sst lr;
	_ =	strace $0xD0000000  }
0x3: {  	_ = 	snop  }
0x4: {  	_ = 	snop  }
0x5: {  	_ = 	snop  }
0x6: {  	_ = 	snop  }
0x7: {  	_ = 	snop  }
__scs_overlays_trampoline_lowered:
0x8: {  	[smem:$0x3F92] =	sst s0  }
0x9: {  	[smem:$0x3F93] =	sst s1  }
0xa: {  	[smem:$0x3F94] =	sst s2  }
0xb: {  	[smem:$0x3F95] =	sst s3  }
0xc: {  	[smem:$0x3F96] =	sst s4  }
0xd: {  	[smem:$0x3F97] =	sst s5  }
0xe: {  	[smem:$0x3F98] =	sst s6  }
0xf: {  	[smem:$0x3F99] =	sst s7  }
0x10: {  	[smem:$0x3F9A] =	sst s8  }
0x11: {  	[smem:$0x3F9B] =	sst s9;
	s0 =	simm.s32 @!p0 $0x0  }
0x12: {  	s1 =	sld [smem:$0x3F81];
	s0 =	simm.s32 @p0 $0x1  }
0x13: {  	[smem:$0x3F9C] =	sst s0;
	s0 =	simm.s32 @!p1 $0x0  }
0x14: {  	s2 =	sld [smem:$0x3F80];
	s0 =	simm.s32 @p1 $0x1  }
0x15: {  	[smem:$0x3F9D] =	sst s0;
	s0 =	simm.s32 @!p2 $0x0  }
0x16: {  	s3 =	sld [smem:$0x3FDB];
	s0 =	simm.s32 @p2 $0x1  }
0x17: {  	s4 =	simm.s32 $0x1BF5;
	[smem:$0x3F9F] =	sst s0  }
0x18: {  	s0 =	sld [smem:$0x3F82];
	_ =	swait.ge [sflag:s4], $0x0  }
0x19: {  	s7 =	sld [smem:$0x3F83]  }
0x1a: {  	s8 =	sadd.s32 $0xFFFFE003, lr  }
0x1b: {  	s9 =	sadd.s32 $0xFFFFFEF7, lr;
	s5 =	simm.s32 $0xFFFFFFFF;
	p2 =	slt.u32 s8, $0xFFFFF086  }
0x1c: {  	p1 =	slt.u32 s9, $0xF7A;
	s5 =	simm.s32 @!p2 $0x0  }
0x1d: {  	s5 =	simm.s32 @p1 $0x1;
	p0 =	seq.s32 s7, s2  }
0x1e: {  	s7 =	smul.u32 @!p0 $0xF7A, s2;
	p2 =	seq.s32 @!p0 s5, $0x0  }
0x1f: {  	s9 =	smul.u32 $0xF7A, s1;
	s8 =	simm.s32 @!p0 $0x1BF5;
	p2 =	por !p2, p0  }
0x20: {  	[sflag:s8] =	ssyncset.s32 @!p0 $0xFFFFF086;
	s6 =	sadd.s32 @!p0 s3, s7;
	s7 =	simm.s32 @!p0 $0x108  }
0x21: {  	s3 =	sadd.s32 s3, s9;
	s6 =	sadd.s32 @!p0 $0x88, s6;
	s7 =	simm.s32 @p2 $0x1082  }
0x22: {  	[simem:s7], [sflag:s8] =	dma.local @!p0 [hbm:s6], $0xF7A  }
0x23: {  	s9 =	sor.u32 $0xD0000000, s2;
	s6 =	simm.s32 $0x108;
	_ =	swait.ge @!p0 [sflag:s8], $0x0  }
0x24: {  	s3 =	sadd.s32 $0x88, s3;
	s6 =	simm.s32 @!p1 $0x1082;
	[sflag:s4] =	ssyncset.s32 $0xFFFFF086  }
0x25: {  	[simem:s6], [sflag:s4] =	dma.local [hbm:s3], $0xF7A  }
0x26: {  	[smem:$0x3F83] =	sst s1;
	(tag) =	ssettag s2;
	_ =	strace s9  }
0x27: {  	s1 =	sld [smem:$0x3F93]  }
0x28: {  	s2 =	sld [smem:$0x3F94]  }
0x29: {  	s4 =	sld [smem:$0x3F96]  }
0x2a: {  	p0 =	seq.s32 s5, $0x0;
	s5 =	sld [smem:$0x3F97]  }
0x2b: {  	s6 =	sld [smem:$0x3F98]  }
0x2c: {  	s7 =	sld [smem:$0x3F99]  }
0x2d: {  	s3 =	simm.s32 $0x108;
	s8 =	sld [smem:$0x3F9A]  }
0x2e: {  	s3 =	simm.s32 @!p0 $0x1082;
	s9 =	sld [smem:$0x3F9B]  }
0x2f: {  	lr =	sadd.s32 s0, s3;
	s0 =	sld [smem:$0x3F92]  }
0x30: {  	s3 =	sld [smem:$0x3F95]  }
0x31: {  	[smem:$0x3F9E] =	sst s10  }
0x32: {  	s10 =	sld [smem:$0x3F9C];
	_ =	sdelay $0x3  }
0x33: {  	p0 =	seq.s32 s10, $0x1;
	s10 =	sld [smem:$0x3F9E];
	_ =	sdelay $0x3  }
0x34: {  	[smem:$0x3F9E] =	sst s10  }
0x35: {  	s10 =	sld [smem:$0x3F9D];
	_ =	sdelay $0x3  }
0x36: {  	p1 =	seq.s32 s10, $0x1;
	s10 =	sld [smem:$0x3F9E];
	_ =	sdelay $0x3  }
0x37: {  	[smem:$0x3F9E] =	sst s10  }
0x38: {  	s10 =	sld [smem:$0x3F9F]  }
0x39: {  	_ = 	snop;
	(pc) =	sbr.ind lr, $3  }
0x3a: {  	_ = 	snop  }
0x3b: {  	_ = 	snop  }
0x3c: {  	p2 =	seq.s32 s10, $0x1;
	s10 =	sld [smem:$0x3F9E]  }
0x3d: {  	_ =	shalt  }
0x3e: {  	_ =	shalt  }
0x3f: {  	_ =	shalt  }
0x40: {  	_ =	shalt  }
0x41: {  	_ =	shalt  }
0x42: {  	_ =	shalt  }
0x43: {  	_ =	shalt  }
0x44: {  	_ =	shalt  }
0x45: {  	_ =	shalt  }
0x46: {  	_ =	shalt  }
0x47: {  	_ =	shalt  }
0x48: {  	_ =	shalt  }
0x49: {  	_ =	shalt  }
0x4a: {  	_ =	shalt  }
0x4b: {  	_ =	shalt  }
0x4c: {  	_ =	shalt  }
0x4d: {  	_ =	shalt  }
0x4e: {  	_ =	shalt  }
0x4f: {  	_ =	shalt  }
0x50: {  	_ =	shalt  }
0x51: {  	_ =	shalt  }
0x52: {  	_ =	shalt  }
0x53: {  	_ =	shalt  }
0x54: {  	_ =	shalt  }
0x55: {  	_ =	shalt  }
0x56: {  	_ =	shalt  }
0x57: {  	_ =	shalt  }
0x58: {  	_ =	shalt  }
0x59: {  	_ =	shalt  }
0x5a: {  	_ =	shalt  }
0x5b: {  	_ =	shalt  }
0x5c: {  	_ =	shalt  }
0x5d: {  	_ =	shalt  }
0x5e: {  	_ =	shalt  }
0x5f: {  	_ =	shalt  }
0x60: {  	_ =	shalt  }
0x61: {  	_ =	shalt  }
0x62: {  	_ =	shalt  }
0x63: {  	_ =	shalt  }
0x64: {  	_ =	shalt  }
0x65: {  	_ =	shalt  }
0x66: {  	_ =	shalt  }
0x67: {  	_ =	shalt  }
0x68: {  	_ =	shalt  }
0x69: {  	_ =	shalt  }
0x6a: {  	_ =	shalt  }
0x6b: {  	_ =	shalt  }
0x6c: {  	_ =	shalt  }
0x6d: {  	_ =	shalt  }
0x6e: {  	_ =	shalt  }
0x6f: {  	_ =	shalt  }
0x70: {  	_ =	shalt  }
0x71: {  	_ =	shalt  }
0x72: {  	_ =	shalt  }
0x73: {  	_ =	shalt  }
0x74: {  	_ =	shalt  }
0x75: {  	_ =	shalt  }
0x76: {  	_ =	shalt  }
0x77: {  	_ =	shalt  }
0x78: {  	_ =	shalt  }
0x79: {  	_ =	shalt  }
0x7a: {  	_ =	shalt  }
0x7b: {  	_ =	shalt  }
0x7c: {  	_ =	shalt  }
0x7d: {  	_ =	shalt  }
0x7e: {  	_ =	shalt  }
0x7f: {  	_ =	shalt  }
0x80: {  	_ =	shalt  }
0x81: {  	_ =	shalt  }
0x82: {  	_ =	shalt  }
0x83: {  	_ =	shalt  }
0x84: {  	_ =	shalt  }
0x85: {  	_ =	shalt  }
0x86: {  	_ =	shalt  }
0x87: {  	_ =	shalt  }
.Lfunc_end0:
.L_simem_size_0:
called_computation.1_lowered:
.L_overlay_start_0:
0x88: {  	s2 =	sld [smem:$0x3FD9]  }
0x89: {  	s3 =	sld [smem:$0x3FFE];
	_ =	sdelay $0x1  }
0x8a: {  	s1 =	srdreg.scid  }
0x8b: {  	s0 =	sand.u32 $0x1, s1  }
0x8c: {  	s17 =	sshll.u32 s0, $0xA;
	s2 =	sadd.s32 s3, s2  }
0x8d: {  	s2 =	sadd.s32 s2, s17  }
0x8e: {  	[smem:$0x3FAA] =	sst s2  }
0x8f: {  	_ = 	snop  }
0x90: {  	s2 =	sld [smem:$0x3FC9];
	(tm) =	ssettm $0x1  }
0x91: {  	s18 =	sld [smem:$0x3FFB];
	_ =	sdelay $0x3  }
0x92: {  	_ =	strace s18  }
0x93: {  	s3 =	sld [smem:$0x3FFC];
	_ =	sdelay $0x3  }
0x94: {  	_ =	strace s3  }
0x95: {  	s3 =	sld [smem:$0x3FFD];
	_ =	sdelay $0x3  }
0x96: {  	_ =	strace s3  }
0x97: {  	_ =	strace $0x8FFFFFFF  }
0x98: {  	s19 =	sld [smem:$0x3FDB];
	_ =	sdelay $0x1  }
0x99: {  	s4 =	simm.s32 $_scs_section_size  }
0x9a: {  	s5 =	simm.s32 $_size__tile_overlayer_lowered;
	s6 =	simm.s32 $_tile_overlayer_lowered  }
0x9b: {  	s22 =	simm.s32 $0x1BFF;
	s21 =	sshll.u32 s6, $0x1;
	s3 =	sadd.s32 s4, s19  }
0x9c: {  	s7 =	simm.s32 $0x0;
	s20 =	sshll.u32 s5, $0x1;
	s5 =	sadd.s32 s21, s3  }
0x9d: {  	[timem:s7], [sflag:s22] =	dma.local [hbm:s5], s20  }
0x9e: {  	_ =	swait.ge [sflag:s22], s20  }
0x9f: {  	s4 =	ssub.s32 $0x0, s20;
	[sflag:s22] =	ssyncset.done $0x0  }
0xa0: {  	[sflag:s22] =	ssyncadd.s32 s4;
	_ =	sdelay $0x1  }
0xa1: {  	s23 =	simm.s32 $0x1B8B  }
0xa2: {  	_ =	swait.ge [sflag:s23], $0x1  }
0xa3: {  	[sflag:s23] =	ssyncset.done $0x0  }
0xa4: {  	s25 =	simm.s32 $0x1B8E;
	s24 =	sld [smem:$0x3FFE];
	[sflag:s23] =	ssyncadd.s32 $0xFFFFFFFF  }
0xa5: {  	s26 =	simm.s32 $execute0_lowered;
	[smem:$0x3FD2] =	sst s25  }
0xa6: {  	s5 =	sshll.u32 s26, $0x1;
	_ =	strace $0x80000046;
	[dreg:$0x1] =	wrdreg $0xFFFFFFFF  }
0xa7: {  	s28 =	simm.s32 $_size_execute0_lowered;
	s3 =	sadd.s32 s3, s5;
	[dreg:$0x0] =	wrdreg $0x0  }
0xa8: {  	s5 =	sshll.u32 s28, $0x1;
	[dreg:$0x2] =	wrdreg s3  }
0xa9: {  	[dreg:$0x3] =	wrdreg s5  }
0xaa: {  	[dreg:$0x4] =	wrdreg $0xC0  }
0xab: {  	_ =	task [dreg:s7], $0x5FFFF  }
0xac: {  	[dreg:$0x1] =	wrdreg $0xFFFFFFFF  }
0xad: {  	[dreg:$0x0] =	wrdreg $0x60  }
0xae: {  	[dreg:$0x2] =	wrdreg s2  }
0xaf: {  	[dreg:$0x3] =	wrdreg s24  }
0xb0: {  	[dreg:$0x4] =	wrdreg $0x90000  }
0xb1: {  	[dreg:$0x5] =	wrdreg $0xA  }
0xb2: {  	_ =	task.clear_ibuf [dreg:s7], $0x6FFFF;
	_ =	strace $0x90000046  }
0xb3: {  	s29 =	simm.s32 $0xA;
	_ =	strace $0x80000048  }
0xb4: {  	_ =	swait.ge [sflag:s29], $0x1  }
0xb5: {  	[sflag:s29] =	ssyncadd.s32 $0xFFFFFFFF  }
0xb6: {  	_ =	strace $0x90000048  }
0xb7: {  	_ =	sfence  }
0xb8: {  	s30 =	sld [smem:$0x0];
	_ =	sdelay $0x2  }
0xb9: {  	s31 =	sshll.u32 s1, $0xD;
	s1 =	sshrl.u32 s1, $0x2  }
0xba: {  	s3 =	sand.u32 $0x4000, s31;
	s1 =	sadd.s32 s1, s30  }
0xbb: {  	s0 =	sor.u32 s3, s0;
	s1 =	sshll.u32 s1, $0x11  }
0xbc: {  	s0 =	sor.u32 s1, s0  }
0xbd: {  	s0 =	sadd.s32 $0x8F2B, s0  }
0xbe: {  	[sflag:s0] =	ssyncadd.remote.s32 $0x1  }
0xbf: {  	_ =	sfence.sel $0xFFFF  }
0xc0: {  	[dreg:$0x0] =	wrdreg $0xFFFFFFFF;
	(pc) =	sbr.abs _section_cstart, $3  }
0xc1: {  	[dreg:$0x1] =	wrdreg $0xFFFFFFFF  }
0xc2: {  	_ =	task.clear_ibuf [dreg:s7], $0x2FFFF;
	_ =	strace $0x9FFFFFFF  }
0xc3: {  	(tm) =	ssettm $0x7FFFFFFF  }
tec
execute0_lowered:
.L_overlay_start_1:
0x0: {  	(tag) =	ssettag $0x1  }
0x1: {  	s1 =	rddreg [dreg:$0x0]  }
0x2: {  	s2 =	srdreg.scid;
	s7 =	rddreg [dreg:$0x1]  }
0x3: {  	s0 =	stileid.u32;
	s3 =	rddreg [dreg:$0x2];
	s4 =	simm.s32 $0x0  }
0x4: {  	s14 =	simm.s32 $0x80;
	s15 =	simm.s32 $0x5000;
	s16 =	simm.s32 $0x1  }
0x5: {  	s17 =	simm.s32 $0x0;
	s6 =	sand.u32 $0x1, s2;
	s9 =	smul.u32 $0x13C00, s0  }
0x6: {  	s26 =	sshll.u32 s0, $0x1;
	[smem:$0x7FF] =	sst s4;
	s28 =	smul.u32 $0x4F000, s0  }
0x7: {  	s31 =	sshll.u32 s0, $0x6;
	s2 =	sor.u32 s6, s26;
	s8 =	smul.u32 $0x13C000, s6  }
0x8: {  	s6 =	ssub.s32 $0x2, s6;
	s5 =	smul.u32 $0x500, s2;
	s2 =	rddreg [dreg:$0x3]  }
0x9: {  	_ =	strace $0x80000047;
	s29 =	sshrl.u32 s6, $0x1;
	s30 =	sshrl.u32 s28, $0x2  }
0xa: {  	s8 =	sadd.s32 s9, s8;
	s12 =	ssub.s32 s6, s29;
	s13 =	sadd.s32 s30, s3  }
0xb: {  	s6 =	sor.u32 $0x1C02, s31;
	s10 =	sadd.s32 s5, s7;
	s8 =	sshrl.u32 s8, $0x3  }
0xc: {  	s5 =	sadd.s32 $0x19A00, s7;
	s11 =	sadd.s32 s8, s7;
	s7 =	sadd.s32 $0xFA00, s10  }
0xd: {  	s8 =	sadd.s32 $0x5A00, s10;
	s10 =	smax.u32 s12, $0x1;
	s12 =	simm.s32 $0x2  }
0xe: {  	s9 =	sadd.s32 $0x1C200, s11;
	s11 =	sshrl.u32 s13, $0x3;
	s13 =	simm.s32 $0x2800  }
.LBB2_1:
0xf: {  	[spmem:s11], [sflag:s6] =	dma.local [hbm:s5], $0x2780  }
0x10: {  	_ =	swait.ge [sflag:s12], $0x2780  }
0x11: {  	[sflag:s12] =	ssyncset.done $0x0  }
0x12: {  	[sflag:s12] =	ssyncadd.s32 $0xFFFFD880  }
0x13: {  	[tilespmem:s4], [sflag:$0x2] =	stream.linear.gather [hbm4b:s7+s4], $0x2780, $0x38;
	[tilespmem:$0x1CC00] =	vst v63  }
0x14: {  	_ =	swait.ge [sflag:s12], $0x2780  }
0x15: {  	[sflag:s12] =	ssyncset.done $0x0  }
0x16: {  	[sflag:s12] =	ssyncadd.s32 $0xFFFFD880  }
0x17: {  	[tilespmem:s13], [sflag:$0x2] =	stream.linear.gather [hbm4b:s8+s4], $0x2780, $0x38;
	[tilespmem:$0x1CC00] =	vst v63  }
0x18: {  	_ =	swait.ge [sflag:s12], $0x2780  }
0x19: {  	[sflag:s12] =	ssyncset.done $0x0  }
0x1a: {  	[sflag:s12] =	ssyncadd.s32 $0xFFFFD880  }
0x1b: {  	s18 =	simm.s32 $0x0;
	[bflag:$0x0] =	sbarrier.arrive $0xFFFF  }
0x1c: {  	[tilespmem:s15], [sflag:$0x1] =	stream.indirect.gather [hbm4b:s1+s14], $0x80, s18, s14, $0xb8;
	[tilespmem:$0x1CC00] =	vst v63  }
0x1d: {  	_ =	swait.ge [sflag:s16], $0x4000  }
0x1e: {  	[sflag:s16] =	ssyncset.done $0x0  }
0x1f: {  	s31 =	simm.s32 $0x2800;
	[sflag:s16] =	ssyncadd.s32 $0xFFFFC000  }
0x20: {  	[spmem:s3] =	stream.indirect.scatter.add.f32 [tilespmem:s15], [sflag:$0x2], $0x80, s31, s14, $0xb8;
	[tilespmem:$0x1CC00] =	vst v63  }
0x21: {  	_ =	swait.ge [sflag:s12], $0x4000  }
0x22: {  	s19 =	simm.s32 $0x400;
	s18 =	simm.s32 $0x200;
	[sflag:s12] =	ssyncset.done $0x0  }
.LBB2_2:
0x23: {  	s20 =	sshra.s32 s18, $0x2  }
0x24: {  	[sflag:s12] =	ssyncadd.s32 $0xFFFFC000;
	s18 =	smov.u32 s19;
	s21 =	sadd.s32 $0x200, s19  }
0x25: {  	[tilespmem:s15], [sflag:$0x1] =	stream.indirect.gather [hbm4b:s1+s14], $0x80, s20, s14, $0xb8;
	[tilespmem:$0x1CC00] =	vst v63  }
0x26: {  	p0 =	sne.s32 s19, $0x9C00;
	_ =	swait.ge [sflag:s16], $0x4000  }
.Ltmp0:
0x27: {  	[sflag:s16] =	ssyncset.done $0x0;
	(pc) =	sbr.rel @p0 .LBB2_2-.Ltmp0, $4  }
0x28: {  	s19 =	sadd.s32 $0x2800, s20;
	[sflag:s16] =	ssyncadd.s32 $0xFFFFC000  }
0x29: {  	[spmem:s3] =	stream.indirect.scatter.add.f32 [tilespmem:s15], [sflag:$0x2], $0x80, s19, s14, $0xb8;
	[tilespmem:$0x1CC00] =	vst v63  }
0x2a: {  	_ =	swait.ge [sflag:s12], $0x4000  }
0x2b: {  	s19 =	smov.u32 s21;
	[sflag:s12] =	ssyncset.done $0x0  }
0x2c: {  	s18 =	sshra.s32 s18, $0x2;
	[sflag:s12] =	ssyncadd.s32 $0xFFFFC000  }
0x2d: {  	[tilespmem:s15], [sflag:$0x1] =	stream.indirect.gather [hbm4b:s1+s14], $0x80, s18, s14, $0xb8;
	[tilespmem:$0x1CC00] =	vst v63  }
0x2e: {  	_ =	swait.ge [sflag:s16], $0x4000  }
0x2f: {  	[sflag:s16] =	ssyncset.done $0x0  }
0x30: {  	s18 =	sadd.s32 $0x2800, s18;
	[sflag:s16] =	ssyncadd.s32 $0xFFFFC000  }
0x31: {  	[spmem:s3] =	stream.indirect.scatter.add.f32 [tilespmem:s15], [sflag:$0x2], $0x80, s18, s14, $0xb8;
	[tilespmem:$0x1CC00] =	vst v63  }
0x32: {  	_ =	swait.ge [sflag:s12], $0x4000  }
0x33: {  	s17 =	sadd.s32 $0x1, s17;
	[sflag:s12] =	ssyncset.done $0x0  }
0x34: {  	p0 =	sne.s32 s17, s10;
	[sflag:s12] =	ssyncadd.s32 $0xFFFFC000  }
.Ltmp1:
0x35: {  	[bflag:$0x0] =	sbarrier.arrive $0xFFFF;
	(pc) =	sbr.rel @p0 .LBB2_1-.Ltmp1, $4  }
0x36: {  	[hbm:s9], [sflag:s6] =	dma.local [spmem:s11], $0x2780  }
0x37: {  	_ =	swait.ge [sflag:s12], $0x2780  }
0x38: {  	[sflag:s12] =	ssyncset.done $0x0  }
0x39: {  	[sflag:s12] =	ssyncadd.s32 $0xFFFFD880  }
0x3a: {  	_ =	sfence.sel $0x180000  }
0x3b: {  	[bflag:$0x0] =	sbarrier.arrive $0xFFFF  }
0x3c: {  	p0 =	sne.s32 s0, $0x0;
	_ =	strace $0x90000047  }
0x3d: {  	s0 =	sadd.s32 @!p0 $0x100000, s2;
	[bflag:$0x2] =	sbarrier.arrive $0xFFFF  }
0x3e: {  	[sflag:s0] =	ssyncadd.tile.s32 @!p0 $0x1;
	_ =	shalt  }
.Lfunc_end2:
_tile_overlayer_lowered:
.L_overlay_start_2:
0x3f: {  	(tag) =	ssettag $0x2  }
0x40: {  	s0 =	rddreg [dreg:$0x0];
	s2 =	stileid.u32  }
0x41: {  	s1 =	rddreg [dreg:$0x1];
	p0 =	sne.s32 s2, $0x0  }
0x42: {  	s3 =	rddreg [dreg:$0x2];
	[bflag:$0x3] =	sbarrier.arrive $0xFFFF;
	s2 =	simm.s32 @!p0 $0x1C02  }
0x43: {  	[timem:s3], [sflag:s2] =	dma.local @!p0 [hbm:s0], s1  }
0x44: {  	s0 =	simm.s32 @!p0 $0x2  }
0x45: {  	_ =	swait.ge @!p0 [sflag:s0], s1  }
0x46: {  	s1 =	ssub.s32 @!p0 $0x0, s1;
	[sflag:s0] =	ssyncset.done @!p0 $0x0  }
0x47: {  	[sflag:s0] =	ssyncadd.s32 @!p0 s1  }
0x48: {  	[bflag:$0x3] =	sbarrier.arrive $0xFFFF  }
0x49: {  	_ =	shalt  }

// kernel: kernel.15.cloned.1.call-start
scs
__scs_entry_jumppad:
0x0: {  	(pc) =	sbr.rel $0x88, $3  }
0x1: {  	(tag) =	ssettag $0x0;
	lr =	simm.s32 $0x1  }
0x2: {  	[smem:$0x3F83] =	sst lr;
	_ =	strace $0xD0000000  }
0x3: {  	_ = 	snop  }
0x4: {  	_ = 	snop  }
0x5: {  	_ = 	snop  }
0x6: {  	_ = 	snop  }
0x7: {  	_ = 	snop  }
__scs_overlays_trampoline_lowered:
0x8: {  	[smem:$0x3F92] =	sst s0  }
0x9: {  	[smem:$0x3F93] =	sst s1  }
0xa: {  	[smem:$0x3F94] =	sst s2  }
0xb: {  	[smem:$0x3F95] =	sst s3  }
0xc: {  	[smem:$0x3F96] =	sst s4  }
0xd: {  	[smem:$0x3F97] =	sst s5  }
0xe: {  	[smem:$0x3F98] =	sst s6  }
0xf: {  	[smem:$0x3F99] =	sst s7  }
0x10: {  	[smem:$0x3F9A] =	sst s8  }
0x11: {  	[smem:$0x3F9B] =	sst s9;
	s0 =	simm.s32 @!p0 $0x0  }
0x12: {  	s1 =	sld [smem:$0x3F81];
	s0 =	simm.s32 @p0 $0x1  }
0x13: {  	[smem:$0x3F9C] =	sst s0;
	s0 =	simm.s32 @!p1 $0x0  }
0x14: {  	s2 =	sld [smem:$0x3F80];
	s0 =	simm.s32 @p1 $0x1  }
0x15: {  	[smem:$0x3F9D] =	sst s0;
	s0 =	simm.s32 @!p2 $0x0  }
0x16: {  	s3 =	sld [smem:$0x3FDB];
	s0 =	simm.s32 @p2 $0x1  }
0x17: {  	s4 =	simm.s32 $0x1BF5;
	[smem:$0x3F9F] =	sst s0  }
0x18: {  	s0 =	sld [smem:$0x3F82];
	_ =	swait.ge [sflag:s4], $0x0  }
0x19: {  	s7 =	sld [smem:$0x3F83]  }
0x1a: {  	s8 =	sadd.s32 $0xFFFFE003, lr  }
0x1b: {  	s9 =	sadd.s32 $0xFFFFFEF7, lr;
	s5 =	simm.s32 $0xFFFFFFFF;
	p2 =	slt.u32 s8, $0xFFFFF086  }
0x1c: {  	p1 =	slt.u32 s9, $0xF7A;
	s5 =	simm.s32 @!p2 $0x0  }
0x1d: {  	s5 =	simm.s32 @p1 $0x1;
	p0 =	seq.s32 s7, s2  }
0x1e: {  	s7 =	smul.u32 @!p0 $0xF7A, s2;
	p2 =	seq.s32 @!p0 s5, $0x0  }
0x1f: {  	s9 =	smul.u32 $0xF7A, s1;
	s8 =	simm.s32 @!p0 $0x1BF5;
	p2 =	por !p2, p0  }
0x20: {  	[sflag:s8] =	ssyncset.s32 @!p0 $0xFFFFF086;
	s6 =	sadd.s32 @!p0 s3, s7;
	s7 =	simm.s32 @!p0 $0x108  }
0x21: {  	s3 =	sadd.s32 s3, s9;
	s6 =	sadd.s32 @!p0 $0x88, s6;
	s7 =	simm.s32 @p2 $0x1082  }
0x22: {  	[simem:s7], [sflag:s8] =	dma.local @!p0 [hbm:s6], $0xF7A  }
0x23: {  	s9 =	sor.u32 $0xD0000000, s2;
	s6 =	simm.s32 $0x108;
	_ =	swait.ge @!p0 [sflag:s8], $0x0  }
0x24: {  	s3 =	sadd.s32 $0x88, s3;
	s6 =	simm.s32 @!p1 $0x1082;
	[sflag:s4] =	ssyncset.s32 $0xFFFFF086  }
0x25: {  	[simem:s6], [sflag:s4] =	dma.local [hbm:s3], $0xF7A  }
0x26: {  	[smem:$0x3F83] =	sst s1;
	(tag) =	ssettag s2;
	_ =	strace s9  }
0x27: {  	s1 =	sld [smem:$0x3F93]  }
0x28: {  	s2 =	sld [smem:$0x3F94]  }
0x29: {  	s4 =	sld [smem:$0x3F96]  }
0x2a: {  	p0 =	seq.s32 s5, $0x0;
	s5 =	sld [smem:$0x3F97]  }
0x2b: {  	s6 =	sld [smem:$0x3F98]  }
0x2c: {  	s7 =	sld [smem:$0x3F99]  }
0x2d: {  	s3 =	simm.s32 $0x108;
	s8 =	sld [smem:$0x3F9A]  }
0x2e: {  	s3 =	simm.s32 @!p0 $0x1082;
	s9 =	sld [smem:$0x3F9B]  }
0x2f: {  	lr =	sadd.s32 s0, s3;
	s0 =	sld [smem:$0x3F92]  }
0x30: {  	s3 =	sld [smem:$0x3F95]  }
0x31: {  	[smem:$0x3F9E] =	sst s10  }
0x32: {  	s10 =	sld [smem:$0x3F9C];
	_ =	sdelay $0x3  }
0x33: {  	p0 =	seq.s32 s10, $0x1;
	s10 =	sld [smem:$0x3F9E];
	_ =	sdelay $0x3  }
0x34: {  	[smem:$0x3F9E] =	sst s10  }
0x35: {  	s10 =	sld [smem:$0x3F9D];
	_ =	sdelay $0x3  }
0x36: {  	p1 =	seq.s32 s10, $0x1;
	s10 =	sld [smem:$0x3F9E];
	_ =	sdelay $0x3  }
0x37: {  	[smem:$0x3F9E] =	sst s10  }
0x38: {  	s10 =	sld [smem:$0x3F9F]  }
0x39: {  	_ = 	snop;
	(pc) =	sbr.ind lr, $3  }
0x3a: {  	_ = 	snop  }
0x3b: {  	_ = 	snop  }
0x3c: {  	p2 =	seq.s32 s10, $0x1;
	s10 =	sld [smem:$0x3F9E]  }
0x3d: {  	_ =	shalt  }
0x3e: {  	_ =	shalt  }
0x3f: {  	_ =	shalt  }
0x40: {  	_ =	shalt  }
0x41: {  	_ =	shalt  }
0x42: {  	_ =	shalt  }
0x43: {  	_ =	shalt  }
0x44: {  	_ =	shalt  }
0x45: {  	_ =	shalt  }
0x46: {  	_ =	shalt  }
0x47: {  	_ =	shalt  }
0x48: {  	_ =	shalt  }
0x49: {  	_ =	shalt  }
0x4a: {  	_ =	shalt  }
0x4b: {  	_ =	shalt  }
0x4c: {  	_ =	shalt  }
0x4d: {  	_ =	shalt  }
0x4e: {  	_ =	shalt  }
0x4f: {  	_ =	shalt  }
0x50: {  	_ =	shalt  }
0x51: {  	_ =	shalt  }
0x52: {  	_ =	shalt  }
0x53: {  	_ =	shalt  }
0x54: {  	_ =	shalt  }
0x55: {  	_ =	shalt  }
0x56: {  	_ =	shalt  }
0x57: {  	_ =	shalt  }
0x58: {  	_ =	shalt  }
0x59: {  	_ =	shalt  }
0x5a: {  	_ =	shalt  }
0x5b: {  	_ =	shalt  }
0x5c: {  	_ =	shalt  }
0x5d: {  	_ =	shalt  }
0x5e: {  	_ =	shalt  }
0x5f: {  	_ =	shalt  }
0x60: {  	_ =	shalt  }
0x61: {  	_ =	shalt  }
0x62: {  	_ =	shalt  }
0x63: {  	_ =	shalt  }
0x64: {  	_ =	shalt  }
0x65: {  	_ =	shalt  }
0x66: {  	_ =	shalt  }
0x67: {  	_ =	shalt  }
0x68: {  	_ =	shalt  }
0x69: {  	_ =	shalt  }
0x6a: {  	_ =	shalt  }
0x6b: {  	_ =	shalt  }
0x6c: {  	_ =	shalt  }
0x6d: {  	_ =	shalt  }
0x6e: {  	_ =	shalt  }
0x6f: {  	_ =	shalt  }
0x70: {  	_ =	shalt  }
0x71: {  	_ =	shalt  }
0x72: {  	_ =	shalt  }
0x73: {  	_ =	shalt  }
0x74: {  	_ =	shalt  }
0x75: {  	_ =	shalt  }
0x76: {  	_ =	shalt  }
0x77: {  	_ =	shalt  }
0x78: {  	_ =	shalt  }
0x79: {  	_ =	shalt  }
0x7a: {  	_ =	shalt  }
0x7b: {  	_ =	shalt  }
0x7c: {  	_ =	shalt  }
0x7d: {  	_ =	shalt  }
0x7e: {  	_ =	shalt  }
0x7f: {  	_ =	shalt  }
0x80: {  	_ =	shalt  }
0x81: {  	_ =	shalt  }
0x82: {  	_ =	shalt  }
0x83: {  	_ =	shalt  }
0x84: {  	_ =	shalt  }
0x85: {  	_ =	shalt  }
0x86: {  	_ =	shalt  }
0x87: {  	_ =	shalt  }
.Lfunc_end0:
.L_simem_size_0:
called_computation.2_lowered:
.L_overlay_start_0:
0x88: {  	s2 =	sld [smem:$0x3FD9]  }
0x89: {  	s3 =	sld [smem:$0x3FFE];
	_ =	sdelay $0x1  }
0x8a: {  	s1 =	srdreg.scid  }
0x8b: {  	s0 =	sand.u32 $0x1, s1  }
0x8c: {  	s16 =	sshll.u32 s0, $0xA;
	s2 =	sadd.s32 s3, s2  }
0x8d: {  	s2 =	sadd.s32 s2, s16  }
0x8e: {  	[smem:$0x3FAA] =	sst s2  }
0x8f: {  	_ = 	snop  }
0x90: {  	(tm) =	ssettm $0x1  }
0x91: {  	s17 =	sld [smem:$0x3FFB];
	_ =	sdelay $0x3  }
0x92: {  	_ =	strace s17  }
0x93: {  	s2 =	sld [smem:$0x3FFC];
	_ =	sdelay $0x3  }
0x94: {  	_ =	strace s2  }
0x95: {  	s2 =	sld [smem:$0x3FFD];
	_ =	sdelay $0x3  }
0x96: {  	_ =	strace s2  }
0x97: {  	_ =	strace $0x8FFFFFFF  }
0x98: {  	s18 =	sld [smem:$0x3FDB];
	_ =	sdelay $0x1  }
0x99: {  	s19 =	simm.s32 $_scs_section_size  }
0x9a: {  	s4 =	simm.s32 $_size__tile_overlayer_lowered;
	s5 =	simm.s32 $_tile_overlayer_lowered  }
0x9b: {  	s22 =	simm.s32 $0x1BFF;
	s21 =	sshll.u32 s5, $0x1;
	s2 =	sadd.s32 s19, s18  }
0x9c: {  	s6 =	simm.s32 $0x0;
	s20 =	sshll.u32 s4, $0x1;
	s4 =	sadd.s32 s21, s2  }
0x9d: {  	[timem:s6], [sflag:s22] =	dma.local [hbm:s4], s20  }
0x9e: {  	_ =	swait.ge [sflag:s22], s20  }
0x9f: {  	s3 =	ssub.s32 $0x0, s20;
	[sflag:s22] =	ssyncset.done $0x0  }
0xa0: {  	[sflag:s22] =	ssyncadd.s32 s3;
	_ =	sdelay $0x1  }
0xa1: {  	s23 =	simm.s32 $0x1B8B  }
0xa2: {  	_ =	swait.ge [sflag:s23], $0x1  }
0xa3: {  	[sflag:s23] =	ssyncset.done $0x0  }
0xa4: {  	s25 =	simm.s32 $0x1B8E;
	s24 =	sld [smem:$0x3FFE];
	[sflag:s23] =	ssyncadd.s32 $0xFFFFFFFF  }
0xa5: {  	s26 =	simm.s32 $execute0_lowered;
	[smem:$0x3FD2] =	sst s25  }
0xa6: {  	s4 =	sshll.u32 s26, $0x1;
	_ =	strace $0x8000004C;
	[dreg:$0x1] =	wrdreg $0xFFFFFFFF  }
0xa7: {  	s28 =	simm.s32 $_size_execute0_lowered;
	s2 =	sadd.s32 s2, s4;
	[dreg:$0x0] =	wrdreg $0x0  }
0xa8: {  	s4 =	sshll.u32 s28, $0x1;
	[dreg:$0x2] =	wrdreg s2  }
0xa9: {  	[dreg:$0x3] =	wrdreg s4  }
0xaa: {  	[dreg:$0x4] =	wrdreg $0xC0  }
0xab: {  	_ =	task [dreg:s6], $0x5FFFF  }
0xac: {  	[dreg:$0x1] =	wrdreg $0xFFFFFFFF  }
0xad: {  	[dreg:$0x0] =	wrdreg $0x60  }
0xae: {  	[dreg:$0x2] =	wrdreg s24  }
0xaf: {  	[dreg:$0x3] =	wrdreg $0x90000  }
0xb0: {  	[dreg:$0x4] =	wrdreg $0x9  }
0xb1: {  	_ =	task.clear_ibuf [dreg:s6], $0x5FFFF;
	_ =	strace $0x9000004C  }
0xb2: {  	s29 =	simm.s32 $0x9;
	_ =	strace $0x8000004E  }
0xb3: {  	_ =	swait.ge [sflag:s29], $0x1  }
0xb4: {  	[sflag:s29] =	ssyncadd.s32 $0xFFFFFFFF  }
0xb5: {  	_ =	strace $0x9000004E  }
0xb6: {  	_ =	sfence  }
0xb7: {  	s30 =	sld [smem:$0x0];
	_ =	sdelay $0x2  }
0xb8: {  	s31 =	sshll.u32 s1, $0xD;
	s1 =	sshrl.u32 s1, $0x2  }
0xb9: {  	s3 =	sand.u32 $0x4000, s31;
	s1 =	sadd.s32 s1, s30  }
0xba: {  	s0 =	sor.u32 s3, s0;
	s1 =	sshll.u32 s1, $0x11  }
0xbb: {  	s0 =	sor.u32 s1, s0  }
0xbc: {  	s0 =	sadd.s32 $0x8F2B, s0  }
0xbd: {  	[sflag:s0] =	ssyncadd.remote.s32 $0x1  }
0xbe: {  	_ =	sfence.sel $0xFFFF  }
0xbf: {  	[dreg:$0x0] =	wrdreg $0xFFFFFFFF;
	(pc) =	sbr.abs _section_cstart, $3  }
0xc0: {  	[dreg:$0x1] =	wrdreg $0xFFFFFFFF  }
0xc1: {  	_ =	task.clear_ibuf [dreg:s6], $0x2FFFF;
	_ =	strace $0x9FFFFFFF  }
0xc2: {  	(tm) =	ssettm $0x7FFFFFFF  }
0xc3: {  	_ =	shalt  }
tec
execute0_lowered:
.L_overlay_start_1:
0x0: {  	(tag) =	ssettag $0x1  }
0x1: {  	s1 =	srdreg.scid  }
0x2: {  	s0 =	stileid.u32;
	s7 =	rddreg [dreg:$0x0]  }
0x3: {  	s2 =	rddreg [dreg:$0x1];
	s3 =	simm.s32 $0x0;
	s14 =	simm.s32 $0x80  }
0x4: {  	s15 =	simm.s32 $0x5000;
	s16 =	simm.s32 $0x1;
	s17 =	simm.s32 $0x0  }
0x5: {  	s6 =	sand.u32 $0x1, s1;
	s26 =	sshll.u32 s0, $0x1;
	s9 =	smul.u32 $0x13C00, s0  }
0x6: {  	[smem:$0x7FF] =	sst s3;
	s4 =	sadd.s32 $0x1C200, s7;
	s28 =	smul.u32 $0x4F000, s0  }
0x7: {  	s31 =	sshll.u32 s0, $0x6;
	s1 =	sor.u32 s6, s26;
	s8 =	smul.u32 $0x13C000, s6  }
0x8: {  	s6 =	ssub.s32 $0x2, s6;
	s5 =	smul.u32 $0x500, s1;
	s1 =	rddreg [dreg:$0x2]  }
0x9: {  	_ =	strace $0x8000004D;
	s29 =	sshrl.u32 s6, $0x1;
	s30 =	sshrl.u32 s28, $0x2  }
0xa: {  	s8 =	sadd.s32 s9, s8;
	s12 =	ssub.s32 s6, s29;
	s13 =	sadd.s32 s30, s2  }
0xb: {  	s6 =	sor.u32 $0x1C02, s31;
	s10 =	sadd.s32 s5, s7;
	s8 =	sshrl.u32 s8, $0x3  }
0xc: {  	s5 =	sadd.s32 $0x19A00, s7;
	s11 =	sadd.s32 s8, s7;
	s7 =	sadd.s32 $0xFA00, s10  }
0xd: {  	s8 =	sadd.s32 $0x5A00, s10;
	s10 =	smax.u32 s12, $0x1;
	s12 =	simm.s32 $0x2  }
0xe: {  	s9 =	sadd.s32 $0xBAA00, s11;
	s11 =	sshrl.u32 s13, $0x3;
	s13 =	simm.s32 $0x2800  }
.LBB2_1:
0xf: {  	[spmem:s11], [sflag:s6] =	dma.local [hbm:s5], $0x2780  }
0x10: {  	_ =	swait.ge [sflag:s12], $0x2780  }
0x11: {  	[sflag:s12] =	ssyncset.done $0x0  }
0x12: {  	[sflag:s12] =	ssyncadd.s32 $0xFFFFD880  }
0x13: {  	[tilespmem:s3], [sflag:$0x2] =	stream.linear.gather [hbm4b:s7+s3], $0x2780, $0x38;
	[tilespmem:$0x1CC00] =	vst v63  }
0x14: {  	_ =	swait.ge [sflag:s12], $0x2780  }
0x15: {  	[sflag:s12] =	ssyncset.done $0x0  }
0x16: {  	[sflag:s12] =	ssyncadd.s32 $0xFFFFD880  }
0x17: {  	[tilespmem:s13], [sflag:$0x2] =	stream.linear.gather [hbm4b:s8+s3], $0x2780, $0x38;
	[tilespmem:$0x1CC00] =	vst v63  }
0x18: {  	_ =	swait.ge [sflag:s12], $0x2780  }
0x19: {  	[sflag:s12] =	ssyncset.done $0x0  }
0x1a: {  	[sflag:s12] =	ssyncadd.s32 $0xFFFFD880  }
0x1b: {  	s18 =	simm.s32 $0x0;
	[bflag:$0x0] =	sbarrier.arrive $0xFFFF  }
0x1c: {  	[tilespmem:s15], [sflag:$0x1] =	stream.indirect.gather [hbm4b:s4+s14], $0x80, s18, s14, $0xb8;
	[tilespmem:$0x1CC00] =	vst v63  }
0x1d: {  	_ =	swait.ge [sflag:s16], $0x4000  }
0x1e: {  	[sflag:s16] =	ssyncset.done $0x0  }
0x1f: {  	s31 =	simm.s32 $0x2800;
	[sflag:s16] =	ssyncadd.s32 $0xFFFFC000  }
0x20: {  	[spmem:s2] =	stream.indirect.scatter.add.f32 [tilespmem:s15], [sflag:$0x2], $0x80, s31, s14, $0xb8;
	[tilespmem:$0x1CC00] =	vst v63  }
0x21: {  	_ =	swait.ge [sflag:s12], $0x4000  }
0x22: {  	s19 =	simm.s32 $0x400;
	s18 =	simm.s32 $0x200;
	[sflag:s12] =	ssyncset.done $0x0  }
.LBB2_2:
0x23: {  	s20 =	sshra.s32 s18, $0x2  }
0x24: {  	[sflag:s12] =	ssyncadd.s32 $0xFFFFC000;
	s18 =	smov.u32 s19;
	s21 =	sadd.s32 $0x200, s19  }
0x25: {  	[tilespmem:s15], [sflag:$0x1] =	stream.indirect.gather [hbm4b:s4+s14], $0x80, s20, s14, $0xb8;
	[tilespmem:$0x1CC00] =	vst v63  }
0x26: {  	p0 =	sne.s32 s19, $0x9C00;
	_ =	swait.ge [sflag:s16], $0x4000  }
.Ltmp0:
0x27: {  	[sflag:s16] =	ssyncset.done $0x0;
	(pc) =	sbr.rel @p0 .LBB2_2-.Ltmp0, $4  }
0x28: {  	s19 =	sadd.s32 $0x2800, s20;
	[sflag:s16] =	ssyncadd.s32 $0xFFFFC000  }
0x29: {  	[spmem:s2] =	stream.indirect.scatter.add.f32 [tilespmem:s15], [sflag:$0x2], $0x80, s19, s14, $0xb8;
	[tilespmem:$0x1CC00] =	vst v63  }
0x2a: {  	_ =	swait.ge [sflag:s12], $0x4000  }
0x2b: {  	s19 =	smov.u32 s21;
	[sflag:s12] =	ssyncset.done $0x0  }
0x2c: {  	s18 =	sshra.s32 s18, $0x2;
	[sflag:s12] =	ssyncadd.s32 $0xFFFFC000  }
0x2d: {  	[tilespmem:s15], [sflag:$0x1] =	stream.indirect.gather [hbm4b:s4+s14], $0x80, s18, s14, $0xb8;
	[tilespmem:$0x1CC00] =	vst v63  }
0x2e: {  	_ =	swait.ge [sflag:s16], $0x4000  }
0x2f: {  	[sflag:s16] =	ssyncset.done $0x0  }
0x30: {  	s18 =	sadd.s32 $0x2800, s18;
	[sflag:s16] =	ssyncadd.s32 $0xFFFFC000  }
0x31: {  	[spmem:s2] =	stream.indirect.scatter.add.f32 [tilespmem:s15], [sflag:$0x2], $0x80, s18, s14, $0xb8;
	[tilespmem:$0x1CC00] =	vst v63  }
0x32: {  	_ =	swait.ge [sflag:s12], $0x4000  }
0x33: {  	s17 =	sadd.s32 $0x1, s17;
	[sflag:s12] =	ssyncset.done $0x0  }
0x34: {  	p0 =	sne.s32 s17, s10;
	[sflag:s12] =	ssyncadd.s32 $0xFFFFC000  }
.Ltmp1:
0x35: {  	[bflag:$0x0] =	sbarrier.arrive $0xFFFF;
	(pc) =	sbr.rel @p0 .LBB2_1-.Ltmp1, $4  }
0x36: {  	[hbm:s9], [sflag:s6] =	dma.local [spmem:s11], $0x2780  }
0x37: {  	_ =	swait.ge [sflag:s12], $0x2780  }
0x38: {  	[sflag:s12] =	ssyncset.done $0x0  }
0x39: {  	[sflag:s12] =	ssyncadd.s32 $0xFFFFD880  }
0x3a: {  	_ =	sfence.sel $0x180000  }
0x3b: {  	[bflag:$0x0] =	sbarrier.arrive $0xFFFF  }
0x3c: {  	p0 =	sne.s32 s0, $0x0;
	_ =	strace $0x9000004D  }
0x3d: {  	s0 =	sadd.s32 @!p0 $0x100000, s1;
	[bflag:$0x2] =	sbarrier.arrive $0xFFFF  }
0x3e: {  	[sflag:s0] =	ssyncadd.tile.s32 @!p0 $0x1;
	_ =	shalt  }
.Lfunc_end2:
_tile_overlayer_lowered:
.L_overlay_start_2:
0x3f: {  	(tag) =	ssettag $0x2  }
0x40: {  	s0 =	rddreg [dreg:$0x0];
	s2 =	stileid.u32  }
0x41: {  	s1 =	rddreg [dreg:$0x1];
	p0 =	sne.s32 s2, $0x0  }
0x42: {  	s3 =	rddreg [dreg:$0x2];
	[bflag:$0x3] =	sbarrier.arrive $0xFFFF;
	s2 =	simm.s32 @!p0 $0x1C02  }
0x43: {  	[timem:s3], [sflag:s2] =	dma.local @!p0 [hbm:s0], s1  }
0x44: {  	s0 =	simm.s32 @!p0 $0x2  }
0x45: {  	_ =	swait.ge @!p0 [sflag:s0], s1  }
0x46: {  	s1 =	ssub.s32 @!p0 $0x0, s1;
	[sflag:s0] =	ssyncset.done @!p0 $0x0  }
0x47: {  	[sflag:s0] =	ssyncadd.s32 @!p0 s1  }
0x48: {  	[bflag:$0x3] =	sbarrier.arrive $0xFFFF  }
0x49: {  	_ =	shalt  }

// kernel: kernel.18.cloned.1.call-start
scs
__scs_entry_jumppad:
0x0: {  	(pc) =	sbr.rel $0x88, $3  }
0x1: {  	(tag) =	ssettag $0x0;
	lr =	simm.s32 $0x1  }
0x2: {  	[smem:$0x3F83] =	sst lr;
	_ =	strace $0xD0000000  }
0x3: {  	_ = 	snop  }
0x4: {  	_ = 	snop  }
0x5: {  	_ = 	snop  }
0x6: {  	_ = 	snop  }
0x7: {  	_ = 	snop  }
__scs_overlays_trampoline_lowered:
0x8: {  	[smem:$0x3F92] =	sst s0  }
0x9: {  	[smem:$0x3F93] =	sst s1  }
0xa: {  	[smem:$0x3F94] =	sst s2  }
0xb: {  	[smem:$0x3F95] =	sst s3  }
0xc: {  	[smem:$0x3F96] =	sst s4  }
0xd: {  	[smem:$0x3F97] =	sst s5  }
0xe: {  	[smem:$0x3F98] =	sst s6  }
0xf: {  	[smem:$0x3F99] =	sst s7  }
0x10: {  	[smem:$0x3F9A] =	sst s8  }
0x11: {  	[smem:$0x3F9B] =	sst s9;
	s0 =	simm.s32 @!p0 $0x0  }
0x12: {  	s1 =	sld [smem:$0x3F81];
	s0 =	simm.s32 @p0 $0x1  }
0x13: {  	[smem:$0x3F9C] =	sst s0;
	s0 =	simm.s32 @!p1 $0x0  }
0x14: {  	s2 =	sld [smem:$0x3F80];
	s0 =	simm.s32 @p1 $0x1  }
0x15: {  	[smem:$0x3F9D] =	sst s0;
	s0 =	simm.s32 @!p2 $0x0  }
0x16: {  	s3 =	sld [smem:$0x3FDB];
	s0 =	simm.s32 @p2 $0x1  }
0x17: {  	s4 =	simm.s32 $0x1BF5;
	[smem:$0x3F9F] =	sst s0  }
0x18: {  	s0 =	sld [smem:$0x3F82];
	_ =	swait.ge [sflag:s4], $0x0  }
0x19: {  	s7 =	sld [smem:$0x3F83]  }
0x1a: {  	s8 =	sadd.s32 $0xFFFFE003, lr  }
0x1b: {  	s9 =	sadd.s32 $0xFFFFFEF7, lr;
	s5 =	simm.s32 $0xFFFFFFFF;
	p2 =	slt.u32 s8, $0xFFFFF086  }
0x1c: {  	p1 =	slt.u32 s9, $0xF7A;
	s5 =	simm.s32 @!p2 $0x0  }
0x1d: {  	s5 =	simm.s32 @p1 $0x1;
	p0 =	seq.s32 s7, s2  }
0x1e: {  	s7 =	smul.u32 @!p0 $0xF7A, s2;
	p2 =	seq.s32 @!p0 s5, $0x0  }
0x1f: {  	s9 =	smul.u32 $0xF7A, s1;
	s8 =	simm.s32 @!p0 $0x1BF5;
	p2 =	por !p2, p0  }
0x20: {  	[sflag:s8] =	ssyncset.s32 @!p0 $0xFFFFF086;
	s6 =	sadd.s32 @!p0 s3, s7;
	s7 =	simm.s32 @!p0 $0x108  }
0x21: {  	s3 =	sadd.s32 s3, s9;
	s6 =	sadd.s32 @!p0 $0x88, s6;
	s7 =	simm.s32 @p2 $0x1082  }
0x22: {  	[simem:s7], [sflag:s8] =	dma.local @!p0 [hbm:s6], $0xF7A  }
0x23: {  	s9 =	sor.u32 $0xD0000000, s2;
	s6 =	simm.s32 $0x108;
	_ =	swait.ge @!p0 [sflag:s8], $0x0  }
0x24: {  	s3 =	sadd.s32 $0x88, s3;
	s6 =	simm.s32 @!p1 $0x1082;
	[sflag:s4] =	ssyncset.s32 $0xFFFFF086  }
0x25: {  	[simem:s6], [sflag:s4] =	dma.local [hbm:s3], $0xF7A  }
0x26: {  	[smem:$0x3F83] =	sst s1;
	(tag) =	ssettag s2;
	_ =	strace s9  }
0x27: {  	s1 =	sld [smem:$0x3F93]  }
0x28: {  	s2 =	sld [smem:$0x3F94]  }
0x29: {  	s4 =	sld [smem:$0x3F96]  }
0x2a: {  	p0 =	seq.s32 s5, $0x0;
	s5 =	sld [smem:$0x3F97]  }
0x2b: {  	s6 =	sld [smem:$0x3F98]  }
0x2c: {  	s7 =	sld [smem:$0x3F99]  }
0x2d: {  	s3 =	simm.s32 $0x108;
	s8 =	sld [smem:$0x3F9A]  }
0x2e: {  	s3 =	simm.s32 @!p0 $0x1082;
	s9 =	sld [smem:$0x3F9B]  }
0x2f: {  	lr =	sadd.s32 s0, s3;
	s0 =	sld [smem:$0x3F92]  }
0x30: {  	s3 =	sld [smem:$0x3F95]  }
0x31: {  	[smem:$0x3F9E] =	sst s10  }
0x32: {  	s10 =	sld [smem:$0x3F9C];
	_ =	sdelay $0x3  }
0x33: {  	p0 =	seq.s32 s10, $0x1;
	s10 =	sld [smem:$0x3F9E];
	_ =	sdelay $0x3  }
0x34: {  	[smem:$0x3F9E] =	sst s10  }
0x35: {  	s10 =	sld [smem:$0x3F9D];
	_ =	sdelay $0x3  }
0x36: {  	p1 =	seq.s32 s10, $0x1;
	s10 =	sld [smem:$0x3F9E];
	_ =	sdelay $0x3  }
0x37: {  	[smem:$0x3F9E] =	sst s10  }
0x38: {  	s10 =	sld [smem:$0x3F9F]  }
0x39: {  	_ = 	snop;
	(pc) =	sbr.ind lr, $3  }
0x3a: {  	_ = 	snop  }
0x3b: {  	_ = 	snop  }
0x3c: {  	p2 =	seq.s32 s10, $0x1;
	s10 =	sld [smem:$0x3F9E]  }
0x3d: {  	_ =	shalt  }
0x3e: {  	_ =	shalt  }
0x3f: {  	_ =	shalt  }
0x40: {  	_ =	shalt  }
0x41: {  	_ =	shalt  }
0x42: {  	_ =	shalt  }
0x43: {  	_ =	shalt  }
0x44: {  	_ =	shalt  }
0x45: {  	_ =	shalt  }
0x46: {  	_ =	shalt  }
0x47: {  	_ =	shalt  }
0x48: {  	_ =	shalt  }
0x49: {  	_ =	shalt  }
0x4a: {  	_ =	shalt  }
0x4b: {  	_ =	shalt  }
0x4c: {  	_ =	shalt  }
0x4d: {  	_ =	shalt  }
0x4e: {  	_ =	shalt  }
0x4f: {  	_ =	shalt  }
0x50: {  	_ =	shalt  }
0x51: {  	_ =	shalt  }
0x52: {  	_ =	shalt  }
0x53: {  	_ =	shalt  }
0x54: {  	_ =	shalt  }
0x55: {  	_ =	shalt  }
0x56: {  	_ =	shalt  }
0x57: {  	_ =	shalt  }
0x58: {  	_ =	shalt  }
0x59: {  	_ =	shalt  }
0x5a: {  	_ =	shalt  }
0x5b: {  	_ =	shalt  }
0x5c: {  	_ =	shalt  }
0x5d: {  	_ =	shalt  }
0x5e: {  	_ =	shalt  }
0x5f: {  	_ =	shalt  }
0x60: {  	_ =	shalt  }
0x61: {  	_ =	shalt  }
0x62: {  	_ =	shalt  }
0x63: {  	_ =	shalt  }
0x64: {  	_ =	shalt  }
0x65: {  	_ =	shalt  }
0x66: {  	_ =	shalt  }
0x67: {  	_ =	shalt  }
0x68: {  	_ =	shalt  }
0x69: {  	_ =	shalt  }
0x6a: {  	_ =	shalt  }
0x6b: {  	_ =	shalt  }
0x6c: {  	_ =	shalt  }
0x6d: {  	_ =	shalt  }
0x6e: {  	_ =	shalt  }
0x6f: {  	_ =	shalt  }
0x70: {  	_ =	shalt  }
0x71: {  	_ =	shalt  }
0x72: {  	_ =	shalt  }
0x73: {  	_ =	shalt  }
0x74: {  	_ =	shalt  }
0x75: {  	_ =	shalt  }
0x76: {  	_ =	shalt  }
0x77: {  	_ =	shalt  }
0x78: {  	_ =	shalt  }
0x79: {  	_ =	shalt  }
0x7a: {  	_ =	shalt  }
0x7b: {  	_ =	shalt  }
0x7c: {  	_ =	shalt  }
0x7d: {  	_ =	shalt  }
0x7e: {  	_ =	shalt  }
0x7f: {  	_ =	shalt  }
0x80: {  	_ =	shalt  }
0x81: {  	_ =	shalt  }
0x82: {  	_ =	shalt  }
0x83: {  	_ =	shalt  }
0x84: {  	_ =	shalt  }
0x85: {  	_ =	shalt  }
0x86: {  	_ =	shalt  }
0x87: {  	_ =	shalt  }
.Lfunc_end0:
.L_simem_size_0:
called_computation.3_lowered:
.L_overlay_start_0:
0x88: {  	s2 =	sld [smem:$0x3FD9]  }
0x89: {  	s3 =	sld [smem:$0x3FFE];
	_ =	sdelay $0x1  }
0x8a: {  	s1 =	srdreg.scid  }
0x8b: {  	s0 =	sand.u32 $0x1, s1  }
0x8c: {  	s16 =	sshll.u32 s0, $0xA;
	s2 =	sadd.s32 s3, s2  }
0x8d: {  	s2 =	sadd.s32 s2, s16  }
0x8e: {  	[smem:$0x3FAA] =	sst s2  }
0x8f: {  	_ = 	snop  }
0x90: {  	(tm) =	ssettm $0x1  }
0x91: {  	s17 =	sld [smem:$0x3FFB];
	_ =	sdelay $0x3  }
0x92: {  	_ =	strace s17  }
0x93: {  	s2 =	sld [smem:$0x3FFC];
	_ =	sdelay $0x3  }
0x94: {  	_ =	strace s2  }
0x95: {  	s2 =	sld [smem:$0x3FFD];
	_ =	sdelay $0x3  }
0x96: {  	_ =	strace s2  }
0x97: {  	_ =	strace $0x8FFFFFFF  }
0x98: {  	s18 =	sld [smem:$0x3FDB];
	_ =	sdelay $0x1  }
0x99: {  	s19 =	simm.s32 $_scs_section_size  }
0x9a: {  	s4 =	simm.s32 $_size__tile_overlayer_lowered;
	s5 =	simm.s32 $_tile_overlayer_lowered  }
0x9b: {  	s22 =	simm.s32 $0x1BFF;
	s21 =	sshll.u32 s5, $0x1;
	s2 =	sadd.s32 s19, s18  }
0x9c: {  	s6 =	simm.s32 $0x0;
	s20 =	sshll.u32 s4, $0x1;
	s4 =	sadd.s32 s21, s2  }
0x9d: {  	[timem:s6], [sflag:s22] =	dma.local [hbm:s4], s20  }
0x9e: {  	_ =	swait.ge [sflag:s22], s20  }
0x9f: {  	s3 =	ssub.s32 $0x0, s20;
	[sflag:s22] =	ssyncset.done $0x0  }
0xa0: {  	[sflag:s22] =	ssyncadd.s32 s3;
	_ =	sdelay $0x1  }
0xa1: {  	s23 =	simm.s32 $0x1B8B  }
0xa2: {  	_ =	swait.ge [sflag:s23], $0x1  }
0xa3: {  	[sflag:s23] =	ssyncset.done $0x0  }
0xa4: {  	s25 =	simm.s32 $0x1B8E;
	s24 =	sld [smem:$0x3FFE];
	[sflag:s23] =	ssyncadd.s32 $0xFFFFFFFF  }
0xa5: {  	s26 =	simm.s32 $execute0_lowered;
	[smem:$0x3FD2] =	sst s25  }
0xa6: {  	s4 =	sshll.u32 s26, $0x1;
	_ =	strace $0x8000004F;
	[dreg:$0x1] =	wrdreg $0xFFFFFFFF  }
0xa7: {  	s28 =	simm.s32 $_size_execute0_lowered;
	s2 =	sadd.s32 s2, s4;
	[dreg:$0x0] =	wrdreg $0x0  }
0xa8: {  	s4 =	sshll.u32 s28, $0x1;
	[dreg:$0x2] =	wrdreg s2  }
0xa9: {  	[dreg:$0x3] =	wrdreg s4  }
0xaa: {  	[dreg:$0x4] =	wrdreg $0xC0  }
0xab: {  	_ =	task [dreg:s6], $0x5FFFF  }
0xac: {  	[dreg:$0x1] =	wrdreg $0xFFFFFFFF  }
0xad: {  	[dreg:$0x0] =	wrdreg $0x60  }
0xae: {  	[dreg:$0x2] =	wrdreg s24  }
0xaf: {  	[dreg:$0x3] =	wrdreg $0x90000  }
0xb0: {  	[dreg:$0x4] =	wrdreg $0x9  }
0xb1: {  	_ =	task.clear_ibuf [dreg:s6], $0x5FFFF;
	_ =	strace $0x9000004F  }
0xb2: {  	s29 =	simm.s32 $0x9;
	_ =	strace $0x80000051  }
0xb3: {  	_ =	swait.ge [sflag:s29], $0x1  }
0xb4: {  	[sflag:s29] =	ssyncadd.s32 $0xFFFFFFFF  }
0xb5: {  	_ =	strace $0x90000051  }
0xb6: {  	_ =	sfence  }
0xb7: {  	s30 =	sld [smem:$0x0];
	_ =	sdelay $0x2  }
0xb8: {  	s31 =	sshll.u32 s1, $0xD;
	s1 =	sshrl.u32 s1, $0x2  }
0xb9: {  	s3 =	sand.u32 $0x4000, s31;
	s1 =	sadd.s32 s1, s30  }
0xba: {  	s0 =	sor.u32 s3, s0;
	s1 =	sshll.u32 s1, $0x11  }
0xbb: {  	s0 =	sor.u32 s1, s0  }
0xbc: {  	s0 =	sadd.s32 $0x8F2B, s0  }
0xbd: {  	[sflag:s0] =	ssyncadd.remote.s32 $0x1  }
0xbe: {  	_ =	sfence.sel $0xFFFF  }
0xbf: {  	[dreg:$0x0] =	wrdreg $0xFFFFFFFF;
	(pc) =	sbr.abs _section_cstart, $3  }
0xc0: {  	[dreg:$0x1] =	wrdreg $0xFFFFFFFF  }
0xc1: {  	_ =	task.clear_ibuf [dreg:s6], $0x2FFFF;
	_ =	strace $0x9FFFFFFF  }
0xc2: {  	(tm) =	ssettm $0x7FFFFFFF  }
0xc3: {  	_ =	shalt  }
tec
execute0_lowered:
.L_overlay_start_1:
0x0: {  	(tag) =	ssettag $0x1  }
0x1: {  	s1 =	srdreg.scid  }
0x2: {  	s0 =	stileid.u32;
	s7 =	rddreg [dreg:$0x0]  }
0x3: {  	s2 =	rddreg [dreg:$0x1];
	s3 =	simm.s32 $0x0;
	s14 =	simm.s32 $0x80  }
0x4: {  	s15 =	simm.s32 $0x5000;
	s16 =	simm.s32 $0x1;
	s17 =	simm.s32 $0x0  }
0x5: {  	s6 =	sand.u32 $0x1, s1;
	s26 =	sshll.u32 s0, $0x1;
	s9 =	smul.u32 $0x13C00, s0  }
0x6: {  	[smem:$0x7FF] =	sst s3;
	s4 =	sadd.s32 $0x1C200, s7;
	s28 =	smul.u32 $0x4F000, s0  }
0x7: {  	s31 =	sshll.u32 s0, $0x6;
	s1 =	sor.u32 s6, s26;
	s8 =	smul.u32 $0x13C000, s6  }
0x8: {  	s6 =	ssub.s32 $0x2, s6;
	s5 =	smul.u32 $0x500, s1;
	s1 =	rddreg [dreg:$0x2]  }
0x9: {  	_ =	strace $0x80000050;
	s29 =	sshrl.u32 s6, $0x1;
	s30 =	sshrl.u32 s28, $0x2  }
0xa: {  	s8 =	sadd.s32 s9, s8;
	s12 =	ssub.s32 s6, s29;
	s13 =	sadd.s32 s30, s2  }
0xb: {  	s6 =	sor.u32 $0x1C02, s31;
	s10 =	sadd.s32 s5, s7;
	s8 =	sshrl.u32 s8, $0x3  }
0xc: {  	s5 =	sadd.s32 $0x19A00, s7;
	s11 =	sadd.s32 s8, s7;
	s7 =	sadd.s32 $0xFA00, s10  }
0xd: {  	s8 =	sadd.s32 $0x5A00, s10;
	s10 =	smax.u32 s12, $0x1;
	s12 =	simm.s32 $0x2  }
0xe: {  	s9 =	sadd.s32 $0xBAA00, s11;
	s11 =	sshrl.u32 s13, $0x3;
	s13 =	simm.s32 $0x2800  }
.LBB2_1:
0xf: {  	[spmem:s11], [sflag:s6] =	dma.local [hbm:s5], $0x2780  }
0x10: {  	_ =	swait.ge [sflag:s12], $0x2780  }
0x11: {  	[sflag:s12] =	ssyncset.done $0x0  }
0x12: {  	[sflag:s12] =	ssyncadd.s32 $0xFFFFD880  }
0x13: {  	[tilespmem:s3], [sflag:$0x2] =	stream.linear.gather [hbm4b:s7+s3], $0x2780, $0x38;
	[tilespmem:$0x1CC00] =	vst v63  }
0x14: {  	_ =	swait.ge [sflag:s12], $0x2780  }
0x15: {  	[sflag:s12] =	ssyncset.done $0x0  }
0x16: {  	[sflag:s12] =	ssyncadd.s32 $0xFFFFD880  }
0x17: {  	[tilespmem:s13], [sflag:$0x2] =	stream.linear.gather [hbm4b:s8+s3], $0x2780, $0x38;
	[tilespmem:$0x1CC00] =	vst v63  }
0x18: {  	_ =	swait.ge [sflag:s12], $0x2780  }
0x19: {  	[sflag:s12] =	ssyncset.done $0x0  }
0x1a: {  	[sflag:s12] =	ssyncadd.s32 $0xFFFFD880  }
0x1b: {  	s18 =	simm.s32 $0x0;
	[bflag:$0x0] =	sbarrier.arrive $0xFFFF  }
0x1c: {  	[tilespmem:s15], [sflag:$0x1] =	stream.indirect.gather [hbm4b:s4+s14], $0x80, s18, s14, $0xb8;
	[tilespmem:$0x1CC00] =	vst v63  }
0x1d: {  	_ =	swait.ge [sflag:s16], $0x4000  }
0x1e: {  	[sflag:s16] =	ssyncset.done $0x0  }
0x1f: {  	s31 =	simm.s32 $0x2800;
	[sflag:s16] =	ssyncadd.s32 $0xFFFFC000  }
0x20: {  	[spmem:s2] =	stream.indirect.scatter.add.f32 [tilespmem:s15], [sflag:$0x2], $0x80, s31, s14, $0xb8;
	[tilespmem:$0x1CC00] =	vst v63  }
0x21: {  	_ =	swait.ge [sflag:s12], $0x4000  }
0x22: {  	s19 =	simm.s32 $0x400;
	s18 =	simm.s32 $0x200;
	[sflag:s12] =	ssyncset.done $0x0  }
.LBB2_2:
0x23: {  	s20 =	sshra.s32 s18, $0x2  }
0x24: {  	[sflag:s12] =	ssyncadd.s32 $0xFFFFC000;
	s18 =	smov.u32 s19;
	s21 =	sadd.s32 $0x200, s19  }
0x25: {  	[tilespmem:s15], [sflag:$0x1] =	stream.indirect.gather [hbm4b:s4+s14], $0x80, s20, s14, $0xb8;
	[tilespmem:$0x1CC00] =	vst v63  }
0x26: {  	p0 =	sne.s32 s19, $0x9C00;
	_ =	swait.ge [sflag:s16], $0x4000  }
.Ltmp0:
0x27: {  	[sflag:s16] =	ssyncset.done $0x0;
	(pc) =	sbr.rel @p0 .LBB2_2-.Ltmp0, $4  }
0x28: {  	s19 =	sadd.s32 $0x2800, s20;
	[sflag:s16] =	ssyncadd.s32 $0xFFFFC000  }
0x29: {  	[spmem:s2] =	stream.indirect.scatter.add.f32 [tilespmem:s15], [sflag:$0x2], $0x80, s19, s14, $0xb8;
	[tilespmem:$0x1CC00] =	vst v63  }
0x2a: {  	_ =	swait.ge [sflag:s12], $0x4000  }
0x2b: {  	s19 =	smov.u32 s21;
	[sflag:s12] =	ssyncset.done $0x0  }
0x2c: {  	s18 =	sshra.s32 s18, $0x2;
	[sflag:s12] =	ssyncadd.s32 $0xFFFFC000  }
0x2d: {  	[tilespmem:s15], [sflag:$0x1] =	stream.indirect.gather [hbm4b:s4+s14], $0x80, s18, s14, $0xb8;
	[tilespmem:$0x1CC00] =	vst v63  }
0x2e: {  	_ =	swait.ge [sflag:s16], $0x4000  }
0x2f: {  	[sflag:s16] =	ssyncset.done $0x0  }
0x30: {  	s18 =	sadd.s32 $0x2800, s18;
	[sflag:s16] =	ssyncadd.s32 $0xFFFFC000  }
0x31: {  	[spmem:s2] =	stream.indirect.scatter.add.f32 [tilespmem:s15], [sflag:$0x2], $0x80, s18, s14, $0xb8;
	[tilespmem:$0x1CC00] =	vst v63  }
0x32: {  	_ =	swait.ge [sflag:s12], $0x4000  }
0x33: {  	s17 =	sadd.s32 $0x1, s17;
	[sflag:s12] =	ssyncset.done $0x0  }
0x34: {  	p0 =	sne.s32 s17, s10;
	[sflag:s12] =	ssyncadd.s32 $0xFFFFC000  }
.Ltmp1:
0x35: {  	[bflag:$0x0] =	sbarrier.arrive $0xFFFF;
	(pc) =	sbr.rel @p0 .LBB2_1-.Ltmp1, $4  }
0x36: {  	[hbm:s9], [sflag:s6] =	dma.local [spmem:s11], $0x2780  }
0x37: {  	_ =	swait.ge [sflag:s12], $0x2780  }
0x38: {  	[sflag:s12] =	ssyncset.done $0x0  }
0x39: {  	[sflag:s12] =	ssyncadd.s32 $0xFFFFD880  }
0x3a: {  	_ =	sfence.sel $0x180000  }
0x3b: {  	[bflag:$0x0] =	sbarrier.arrive $0xFFFF  }
0x3c: {  	p0 =	sne.s32 s0, $0x0;
	_ =	strace $0x90000050  }
0x3d: {  	s0 =	sadd.s32 @!p0 $0x100000, s1;
	[bflag:$0x2] =	sbarrier.arrive $0xFFFF  }
0x3e: {  	[sflag:s0] =	ssyncadd.tile.s32 @!p0 $0x1;
	_ =	shalt  }
.Lfunc_end2:
_tile_overlayer_lowered:
.L_overlay_start_2:
0x3f: {  	(tag) =	ssettag $0x2  }
0x40: {  	s0 =	rddreg [dreg:$0x0];
	s2 =	stileid.u32  }
0x41: {  	s1 =	rddreg [dreg:$0x1];
	p0 =	sne.s32 s2, $0x0  }
0x42: {  	s3 =	rddreg [dreg:$0x2];
	[bflag:$0x3] =	sbarrier.arrive $0xFFFF;
	s2 =	simm.s32 @!p0 $0x1C02  }
0x43: {  	[timem:s3], [sflag:s2] =	dma.local @!p0 [hbm:s0], s1  }
0x44: {  	s0 =	simm.s32 @!p0 $0x2  }
0x45: {  	_ =	swait.ge @!p0 [sflag:s0], s1  }
0x46: {  	s1 =	ssub.s32 @!p0 $0x0, s1;
	[sflag:s0] =	ssyncset.done @!p0 $0x0  }
0x47: {  	[sflag:s0] =	ssyncadd.s32 @!p0 s1  }
0x48: {  	[bflag:$0x3] =	sbarrier.arrive $0xFFFF  }
0x49: {  	_ =	shalt  }

// kernel: kernel.9.cloned.1.call-start
scs
__scs_entry_jumppad:
0x0: {  	(pc) =	sbr.rel $0x88, $3  }
0x1: {  	(tag) =	ssettag $0x0;
	lr =	simm.s32 $0x1  }
0x2: {  	[smem:$0x3F83] =	sst lr;
	_ =	strace $0xD0000000  }
0x3: {  	_ = 	snop  }
0x4: {  	_ = 	snop  }
0x5: {  	_ = 	snop  }
0x6: {  	_ = 	snop  }
0x7: {  	_ = 	snop  }
__scs_overlays_trampoline_lowered:
0x8: {  	[smem:$0x3F92] =	sst s0  }
0x9: {  	[smem:$0x3F93] =	sst s1  }
0xa: {  	[smem:$0x3F94] =	sst s2  }
0xb: {  	[smem:$0x3F95] =	sst s3  }
0xc: {  	[smem:$0x3F96] =	sst s4  }
0xd: {  	[smem:$0x3F97] =	sst s5  }
0xe: {  	[smem:$0x3F98] =	sst s6  }
0xf: {  	[smem:$0x3F99] =	sst s7  }
0x10: {  	[smem:$0x3F9A] =	sst s8  }
0x11: {  	[smem:$0x3F9B] =	sst s9;
	s0 =	simm.s32 @!p0 $0x0  }
0x12: {  	s1 =	sld [smem:$0x3F81];
	s0 =	simm.s32 @p0 $0x1  }
0x13: {  	[smem:$0x3F9C] =	sst s0;
	s0 =	simm.s32 @!p1 $0x0  }
0x14: {  	s2 =	sld [smem:$0x3F80];
	s0 =	simm.s32 @p1 $0x1  }
0x15: {  	[smem:$0x3F9D] =	sst s0;
	s0 =	simm.s32 @!p2 $0x0  }
0x16: {  	s3 =	sld [smem:$0x3FDB];
	s0 =	simm.s32 @p2 $0x1  }
0x17: {  	s4 =	simm.s32 $0x1BF5;
	[smem:$0x3F9F] =	sst s0  }
0x18: {  	s0 =	sld [smem:$0x3F82];
	_ =	swait.ge [sflag:s4], $0x0  }
0x19: {  	s7 =	sld [smem:$0x3F83]  }
0x1a: {  	s8 =	sadd.s32 $0xFFFFE003, lr  }
0x1b: {  	s9 =	sadd.s32 $0xFFFFFEF7, lr;
	s5 =	simm.s32 $0xFFFFFFFF;
	p2 =	slt.u32 s8, $0xFFFFF086  }
0x1c: {  	p1 =	slt.u32 s9, $0xF7A;
	s5 =	simm.s32 @!p2 $0x0  }
0x1d: {  	s5 =	simm.s32 @p1 $0x1;
	p0 =	seq.s32 s7, s2  }
0x1e: {  	s7 =	smul.u32 @!p0 $0xF7A, s2;
	p2 =	seq.s32 @!p0 s5, $0x0  }
0x1f: {  	s9 =	smul.u32 $0xF7A, s1;
	s8 =	simm.s32 @!p0 $0x1BF5;
	p2 =	por !p2, p0  }
0x20: {  	[sflag:s8] =	ssyncset.s32 @!p0 $0xFFFFF086;
	s6 =	sadd.s32 @!p0 s3, s7;
	s7 =	simm.s32 @!p0 $0x108  }
0x21: {  	s3 =	sadd.s32 s3, s9;
	s6 =	sadd.s32 @!p0 $0x88, s6;
	s7 =	simm.s32 @p2 $0x1082  }
0x22: {  	[simem:s7], [sflag:s8] =	dma.local @!p0 [hbm:s6], $0xF7A  }
0x23: {  	s9 =	sor.u32 $0xD0000000, s2;
	s6 =	simm.s32 $0x108;
	_ =	swait.ge @!p0 [sflag:s8], $0x0  }
0x24: {  	s3 =	sadd.s32 $0x88, s3;
	s6 =	simm.s32 @!p1 $0x1082;
	[sflag:s4] =	ssyncset.s32 $0xFFFFF086  }
0x25: {  	[simem:s6], [sflag:s4] =	dma.local [hbm:s3], $0xF7A  }
0x26: {  	[smem:$0x3F83] =	sst s1;
	(tag) =	ssettag s2;
	_ =	strace s9  }
0x27: {  	s1 =	sld [smem:$0x3F93]  }
0x28: {  	s2 =	sld [smem:$0x3F94]  }
0x29: {  	s4 =	sld [smem:$0x3F96]  }
0x2a: {  	p0 =	seq.s32 s5, $0x0;
	s5 =	sld [smem:$0x3F97]  }
0x2b: {  	s6 =	sld [smem:$0x3F98]  }
0x2c: {  	s7 =	sld [smem:$0x3F99]  }
0x2d: {  	s3 =	simm.s32 $0x108;
	s8 =	sld [smem:$0x3F9A]  }
0x2e: {  	s3 =	simm.s32 @!p0 $0x1082;
	s9 =	sld [smem:$0x3F9B]  }
0x2f: {  	lr =	sadd.s32 s0, s3;
	s0 =	sld [smem:$0x3F92]  }
0x30: {  	s3 =	sld [smem:$0x3F95]  }
0x31: {  	[smem:$0x3F9E] =	sst s10  }
0x32: {  	s10 =	sld [smem:$0x3F9C];
	_ =	sdelay $0x3  }
0x33: {  	p0 =	seq.s32 s10, $0x1;
	s10 =	sld [smem:$0x3F9E];
	_ =	sdelay $0x3  }
0x34: {  	[smem:$0x3F9E] =	sst s10  }
0x35: {  	s10 =	sld [smem:$0x3F9D];
	_ =	sdelay $0x3  }
0x36: {  	p1 =	seq.s32 s10, $0x1;
	s10 =	sld [smem:$0x3F9E];
	_ =	sdelay $0x3  }
0x37: {  	[smem:$0x3F9E] =	sst s10  }
0x38: {  	s10 =	sld [smem:$0x3F9F]  }
0x39: {  	_ = 	snop;
	(pc) =	sbr.ind lr, $3  }
0x3a: {  	_ = 	snop  }
0x3b: {  	_ = 	snop  }
0x3c: {  	p2 =	seq.s32 s10, $0x1;
	s10 =	sld [smem:$0x3F9E]  }
0x3d: {  	_ =	shalt  }
0x3e: {  	_ =	shalt  }
0x3f: {  	_ =	shalt  }
0x40: {  	_ =	shalt  }
0x41: {  	_ =	shalt  }
0x42: {  	_ =	shalt  }
0x43: {  	_ =	shalt  }
0x44: {  	_ =	shalt  }
0x45: {  	_ =	shalt  }
0x46: {  	_ =	shalt  }
0x47: {  	_ =	shalt  }
0x48: {  	_ =	shalt  }
0x49: {  	_ =	shalt  }
0x4a: {  	_ =	shalt  }
0x4b: {  	_ =	shalt  }
0x4c: {  	_ =	shalt  }
0x4d: {  	_ =	shalt  }
0x4e: {  	_ =	shalt  }
0x4f: {  	_ =	shalt  }
0x50: {  	_ =	shalt  }
0x51: {  	_ =	shalt  }
0x52: {  	_ =	shalt  }
0x53: {  	_ =	shalt  }
0x54: {  	_ =	shalt  }
0x55: {  	_ =	shalt  }
0x56: {  	_ =	shalt  }
0x57: {  	_ =	shalt  }
0x58: {  	_ =	shalt  }
0x59: {  	_ =	shalt  }
0x5a: {  	_ =	shalt  }
0x5b: {  	_ =	shalt  }
0x5c: {  	_ =	shalt  }
0x5d: {  	_ =	shalt  }
0x5e: {  	_ =	shalt  }
0x5f: {  	_ =	shalt  }
0x60: {  	_ =	shalt  }
0x61: {  	_ =	shalt  }
0x62: {  	_ =	shalt  }
0x63: {  	_ =	shalt  }
0x64: {  	_ =	shalt  }
0x65: {  	_ =	shalt  }
0x66: {  	_ =	shalt  }
0x67: {  	_ =	shalt  }
0x68: {  	_ =	shalt  }
0x69: {  	_ =	shalt  }
0x6a: {  	_ =	shalt  }
0x6b: {  	_ =	shalt  }
0x6c: {  	_ =	shalt  }
0x6d: {  	_ =	shalt  }
0x6e: {  	_ =	shalt  }
0x6f: {  	_ =	shalt  }
0x70: {  	_ =	shalt  }
0x71: {  	_ =	shalt  }
0x72: {  	_ =	shalt  }
0x73: {  	_ =	shalt  }
0x74: {  	_ =	shalt  }
0x75: {  	_ =	shalt  }
0x76: {  	_ =	shalt  }
0x77: {  	_ =	shalt  }
0x78: {  	_ =	shalt  }
0x79: {  	_ =	shalt  }
0x7a: {  	_ =	shalt  }
0x7b: {  	_ =	shalt  }
0x7c: {  	_ =	shalt  }
0x7d: {  	_ =	shalt  }
0x7e: {  	_ =	shalt  }
0x7f: {  	_ =	shalt  }
0x80: {  	_ =	shalt  }
0x81: {  	_ =	shalt  }
0x82: {  	_ =	shalt  }
0x83: {  	_ =	shalt  }
0x84: {  	_ =	shalt  }
0x85: {  	_ =	shalt  }
0x86: {  	_ =	shalt  }
0x87: {  	_ =	shalt  }
.Lfunc_end0:
.L_simem_size_0:
called_computation_lowered:
.L_overlay_start_0:
0x88: {  	s2 =	sld [smem:$0x3FD9]  }
0x89: {  	s3 =	sld [smem:$0x3FFE];
	_ =	sdelay $0x1  }
0x8a: {  	s1 =	srdreg.scid  }
0x8b: {  	s0 =	sand.u32 $0x1, s1  }
0x8c: {  	s17 =	sshll.u32 s0, $0xA;
	s2 =	sadd.s32 s3, s2  }
0x8d: {  	s2 =	sadd.s32 s2, s17  }
0x8e: {  	[smem:$0x3FAA] =	sst s2  }
0x8f: {  	_ = 	snop  }
0x90: {  	(tm) =	ssettm $0x1  }
0x91: {  	s18 =	sld [smem:$0x3FFB];
	_ =	sdelay $0x3  }
0x92: {  	_ =	strace s18  }
0x93: {  	s2 =	sld [smem:$0x3FFC];
	_ =	sdelay $0x3  }
0x94: {  	_ =	strace s2  }
0x95: {  	s2 =	sld [smem:$0x3FFD];
	_ =	sdelay $0x3  }
0x96: {  	_ =	strace s2  }
0x97: {  	_ =	strace $0x8FFFFFFF  }
0x98: {  	s19 =	sld [smem:$0x3FDB];
	_ =	sdelay $0x1  }
0x99: {  	s20 =	simm.s32 $_scs_section_size  }
0x9a: {  	s4 =	simm.s32 $_size__tile_overlayer_lowered;
	s5 =	simm.s32 $_tile_overlayer_lowered  }
0x9b: {  	s6 =	simm.s32 $0x1BFF;
	s21 =	sshll.u32 s5, $0x1;
	s3 =	sadd.s32 s20, s19  }
0x9c: {  	s22 =	simm.s32 $0x0;
	s4 =	sshll.u32 s4, $0x1;
	s5 =	sadd.s32 s21, s3  }
0x9d: {  	[timem:s22], [sflag:s6] =	dma.local [hbm:s5], s4  }
0x9e: {  	_ =	swait.ge [sflag:s6], s4  }
0x9f: {  	s4 =	ssub.s32 $0x0, s4;
	[sflag:s6] =	ssyncset.done $0x0  }
0xa0: {  	[sflag:s6] =	ssyncadd.s32 s4;
	_ =	sdelay $0x1  }
0xa1: {  	s23 =	simm.s32 $0x1B8B  }
0xa2: {  	_ =	swait.ge [sflag:s23], $0x1  }
0xa3: {  	[sflag:s23] =	ssyncset.done $0x0  }
0xa4: {  	[sflag:s23] =	ssyncadd.s32 $0xFFFFFFFF  }
0xa5: {  	s4 =	sld [smem:$0x0]  }
0xa6: {  	s5 =	sand.u32 $0xFFFFFFFE, s1  }
0xa7: {  	p0 =	sne.s32 s1, s5  }
0xa8: {  	s5 =	sshll.u32 @p0 s5, $0xE  }
0xa9: {  	s5 =	sadd.s32 @p0 $0x11B8D, s5;
	s6 =	sshll.u32 @p0 s4, $0x11  }
0xaa: {  	s5 =	sor.u32 @p0 s6, s5  }
0xab: {  	[sflag:s5] =	ssyncadd.remote.s32 @p0 $0x1;
	_ =	sdelay $0x1  }
0xac: {  	s5 =	simm.s32 @p0 $0x1B8D  }
0xad: {  	_ =	swait.eq @p0 [sflag:s5], $0x1  }
0xae: {  	[sflag:s5] =	ssyncadd.s32 @p0 $0xFFFFFFFF  }
0xaf: {  	s6 =	sshll.u32 @!p0 s1, $0xE  }
0xb0: {  	s6 =	sor.u32 @!p0 $0x4000, s6;
	s5 =	simm.s32 @!p0 $0x1B8D  }
0xb1: {  	s4 =	sshll.u32 @!p0 s4, $0x11;
	s6 =	sadd.s32 @!p0 $0x11B8D, s6;
	_ =	swait.eq @!p0 [sflag:s5], $0x1  }
0xb2: {  	s4 =	sor.u32 @!p0 s4, s6;
	[sflag:s5] =	ssyncadd.s32 @!p0 $0xFFFFFFFF  }
0xb3: {  	s25 =	simm.s32 $0x1B8E;
	s24 =	sld [smem:$0x3FFE];
	[sflag:s4] =	ssyncadd.remote.s32 @!p0 $0x1  }
0xb4: {  	s26 =	simm.s32 $execute0_lowered;
	[smem:$0x3FD2] =	sst s25  }
0xb5: {  	s5 =	sshll.u32 s26, $0x1;
	_ =	strace $0x80000049;
	[dreg:$0x1] =	wrdreg $0xFFFFFFFF  }
0xb6: {  	s28 =	simm.s32 $_size_execute0_lowered;
	s3 =	sadd.s32 s3, s5;
	[dreg:$0x0] =	wrdreg $0x0  }
0xb7: {  	s5 =	sshll.u32 s28, $0x1;
	[dreg:$0x2] =	wrdreg s3  }
0xb8: {  	[dreg:$0x3] =	wrdreg s5  }
0xb9: {  	[dreg:$0x4] =	wrdreg $0xC0  }
0xba: {  	_ =	task [dreg:s22], $0x5FFFF  }
0xbb: {  	[dreg:$0x1] =	wrdreg $0xFFFFFFFF  }
0xbc: {  	[dreg:$0x0] =	wrdreg $0x60  }
0xbd: {  	[dreg:$0x2] =	wrdreg s24  }
0xbe: {  	[dreg:$0x3] =	wrdreg $0x68000  }
0xbf: {  	[dreg:$0x4] =	wrdreg $0x9  }
0xc0: {  	_ =	task.clear_ibuf [dreg:s22], $0x5FFFF;
	_ =	strace $0x90000049  }
0xc1: {  	s29 =	simm.s32 $0x9;
	_ =	strace $0x8000004B  }
0xc2: {  	_ =	swait.ge [sflag:s29], $0x1  }
0xc3: {  	[sflag:s29] =	ssyncadd.s32 $0xFFFFFFFF  }
0xc4: {  	_ =	strace $0x9000004B  }
0xc5: {  	_ =	sfence  }
0xc6: {  	s30 =	sld [smem:$0x0];
	_ =	sdelay $0x2  }
0xc7: {  	s31 =	sshll.u32 s1, $0xD;
	s1 =	sshrl.u32 s1, $0x2  }
0xc8: {  	s4 =	sand.u32 $0x4000, s31;
	s1 =	sadd.s32 s1, s30  }
0xc9: {  	s0 =	sor.u32 s4, s0;
	s1 =	sshll.u32 s1, $0x11  }
0xca: {  	s0 =	sor.u32 s1, s0  }
0xcb: {  	s0 =	sadd.s32 $0x8F2B, s0  }
0xcc: {  	[sflag:s0] =	ssyncadd.remote.s32 $0x1  }
0xcd: {  	_ =	sfence.sel $0xFFFF  }
0xce: {  	[dreg:$0x0] =	wrdreg $0xFFFFFFFF;
	(pc) =	sbr.abs _section_cstart, $3  }
0xcf: {  	[dreg:$0x1] =	wrdreg $0xFFFFFFFF  }
0xd0: {  	_ =	task.clear_ibuf [dreg:s22], $0x2FFFF;
	_ =	strace $0x9FFFFFFF  }
0xd1: {  	(tm) =	ssettm $0x7FFFFFFF  }
tec
execute0_lowered:
.L_overlay_start_1:
0x0: {  	(tag) =	ssettag $0x1  }
0x1: {  	s1 =	srdreg.scid  }
0x2: {  	s0 =	stileid.u32;
	s7 =	rddreg [dreg:$0x0]  }
0x3: {  	s2 =	rddreg [dreg:$0x1];
	s3 =	simm.s32 $0x0;
	s12 =	simm.s32 $0x2800  }
0x4: {  	s13 =	simm.s32 $0x80;
	s14 =	simm.s32 $0x0;
	s8 =	smul.u32 $0x13C00, s0  }
0x5: {  	s6 =	sand.u32 $0x1, s1;
	s29 =	sshll.u32 s0, $0x1;
	s10 =	smul.u32 $0x4F000, s0  }
0x6: {  	[smem:$0x7FF] =	sst s3;
	s1 =	sor.u32 s6, s29;
	s5 =	smul.u32 $0x13C000, s6  }
0x7: {  	s31 =	sshll.u32 s0, $0x6;
	s6 =	ssub.s32 $0x2, s6;
	s4 =	smul.u32 $0x500, s1  }
0x8: {  	s1 =	rddreg [dreg:$0x2];
	_ =	strace $0x8000004A;
	s30 =	sshrl.u32 s6, $0x1  }
0x9: {  	s10 =	sshrl.u32 s10, $0x2;
	s8 =	sadd.s32 s8, s5;
	s5 =	sadd.s32 $0x6B200, s7  }
0xa: {  	s11 =	ssub.s32 s6, s30;
	s10 =	sadd.s32 s10, s2;
	s6 =	sor.u32 $0x1C01, s31  }
0xb: {  	s9 =	sadd.s32 s4, s7;
	s4 =	sadd.s32 $0x19A00, s7;
	s8 =	sshrl.u32 s8, $0x3  }
0xc: {  	s10 =	sshrl.u32 s10, $0x3;
	s8 =	sadd.s32 s8, s7;
	s7 =	sadd.s32 $0x5A00, s9  }
0xd: {  	s9 =	smax.u32 s11, $0x1;
	s11 =	simm.s32 $0x1;
	s8 =	sadd.s32 $0x6BA00, s8  }
.LBB2_1:
0xe: {  	[spmem:s10], [sflag:s6] =	dma.local [hbm:s4], $0x2780  }
0xf: {  	_ =	swait.ge [sflag:s11], $0x2780  }
0x10: {  	[sflag:s11] =	ssyncset.done $0x0  }
0x11: {  	[sflag:s11] =	ssyncadd.s32 $0xFFFFD880  }
0x12: {  	[tilespmem:s12], [sflag:$0x1] =	stream.linear.gather [hbm4b:s5+s3], $0x4000, $0x38;
	[tilespmem:$0x1A400] =	vst v63  }
0x13: {  	_ =	swait.ge [sflag:s11], $0x4000  }
0x14: {  	[sflag:s11] =	ssyncset.done $0x0  }
0x15: {  	[sflag:s11] =	ssyncadd.s32 $0xFFFFC000  }
0x16: {  	[tilespmem:s3], [sflag:$0x1] =	stream.linear.gather [hbm4b:s7+s3], $0x2780, $0x38;
	[tilespmem:$0x1A400] =	vst v63  }
0x17: {  	_ =	swait.ge [sflag:s11], $0x2780  }
0x18: {  	[sflag:s11] =	ssyncset.done $0x0  }
0x19: {  	[sflag:s11] =	ssyncadd.s32 $0xFFFFD880  }
0x1a: {  	s15 =	simm.s32 $0x0;
	[bflag:$0x0] =	sbarrier.arrive $0xFFFF  }
0x1b: {  	[spmem:s2] =	stream.indirect.scatter.add.f32 [tilespmem:s12], [sflag:$0x1], $0x80, s15, s13, $0xb8;
	[tilespmem:$0x1A400] =	vst v63  }
0x1c: {  	_ =	swait.ge [sflag:s11], $0x4000  }
0x1d: {  	s15 =	simm.s32 $0x200;
	[sflag:s11] =	ssyncset.done $0x0  }
.LBB2_2:
0x1e: {  	s16 =	sshra.s32 s15, $0x2;
	[sflag:s11] =	ssyncadd.s32 $0xFFFFC000;
	p0 =	sne.s32 s15, $0x9C00  }
0x1f: {  	[spmem:s2] =	stream.indirect.scatter.add.f32 [tilespmem:s12], [sflag:$0x1], $0x80, s16, s13, $0xb8;
	[tilespmem:$0x1A400] =	vst v63  }
.Ltmp0:
0x20: {  	_ = 	snop;
	(pc) =	sbr.rel @p0 .LBB2_2-.Ltmp0, $4  }
0x21: {  	_ = 	snop  }
0x22: {  	s15 =	sadd.s32 $0x200, s15  }
0x23: {  	_ =	swait.ge [sflag:s11], $0x4000  }
0x24: {  	[sflag:s11] =	ssyncset.done $0x0  }
0x25: {  	s14 =	sadd.s32 $0x1, s14  }
0x26: {  	[sflag:s11] =	ssyncadd.s32 $0xFFFFC000;
	p0 =	sne.s32 s14, s9  }
.Ltmp1:
0x27: {  	[bflag:$0x0] =	sbarrier.arrive $0xFFFF;
	(pc) =	sbr.rel @p0 .LBB2_1-.Ltmp1, $4  }
0x28: {  	[hbm:s8], [sflag:s6] =	dma.local [spmem:s10], $0x2780  }
0x29: {  	_ =	swait.ge [sflag:s11], $0x2780  }
0x2a: {  	[sflag:s11] =	ssyncset.done $0x0  }
0x2b: {  	[sflag:s11] =	ssyncadd.s32 $0xFFFFD880  }
0x2c: {  	_ =	sfence.sel $0x180000  }
0x2d: {  	[bflag:$0x0] =	sbarrier.arrive $0xFFFF  }
0x2e: {  	p0 =	sne.s32 s0, $0x0;
	_ =	strace $0x9000004A  }
0x2f: {  	s0 =	sadd.s32 @!p0 $0x100000, s1;
	[bflag:$0x2] =	sbarrier.arrive $0xFFFF  }
0x30: {  	[sflag:s0] =	ssyncadd.tile.s32 @!p0 $0x1;
	_ =	shalt  }
.Lfunc_end2:
_tile_overlayer_lowered:
.L_overlay_start_2:
0x31: {  	(tag) =	ssettag $0x2  }
0x32: {  	s0 =	rddreg [dreg:$0x0];
	s2 =	stileid.u32  }
0x33: {  	s1 =	rddreg [dreg:$0x1];
	p0 =	sne.s32 s2, $0x0  }
0x34: {  	s3 =	rddreg [dreg:$0x2];
	[bflag:$0x3] =	sbarrier.arrive $0xFFFF;
	s2 =	simm.s32 @!p0 $0x1C01  }
0x35: {  	[timem:s3], [sflag:s2] =	dma.local @!p0 [hbm:s0], s1  }
0x36: {  	s0 =	simm.s32 @!p0 $0x1  }
0x37: {  	_ =	swait.ge @!p0 [sflag:s0], s1  }
0x38: {  	s1 =	ssub.s32 @!p0 $0x0, s1;
	[sflag:s0] =	ssyncset.done @!p0 $0x0  }
0x39: {  	[sflag:s0] =	ssyncadd.s32 @!p0 s1  }
0x3a: {  	[bflag:$0x3] =	sbarrier.arrive $0xFFFF  }
0x3b: {  	_ =	shalt  }

</sc_bundles>
